<compile_context>
chip_gen: v7x
topology: tpu7x:2x2x1
jax: 0.10.2.dev20260603
libtpu: 0.0.44.dev20260713+nightly
codegen_flags: <defaults>
</compile_context>

<pallas_src>
import functools

import jax
import jax.numpy as jnp
from jax import lax
from jax.experimental import pallas as pl
from jax.experimental.pallas import tpu as pltpu
from jax.experimental.pallas import tpu_sc as plsc

EMB = 64
ROWW = 32
GRP = 128
NUM_WORKERS = 32
NGRP_TILE = 64
CHUNK = 4
MM_BLK = 512


def _gather_pipeline(tabs, base):
    for (ih, th, oh, iv, bv, gs, ss) in tabs:
        pltpu.sync_copy(ih.at[pl.ds(base, NGRP_TILE)], iv)

    def chunk(c, carry):
        handles = []
        for (ih, th, oh, iv, bv, gs, ss) in tabs:
            @pl.when(c > 0)
            def _drain(oh=oh, bv=bv, ss=ss):
                for b in range(CHUNK):
                    pltpu.make_async_copy(bv.at[b], oh.at[b], ss).wait()
            hs = []
            for b in range(CHUNK):
                hs.append(pltpu.async_copy(
                    th.at[iv.at[c * CHUNK + b]], bv.at[b], gs))
            handles.append(hs)
        for (ih, th, oh, iv, bv, gs, ss), hs in zip(tabs, handles):
            for b in range(CHUNK):
                hs[b].wait()
                g = base + c * CHUNK + b
                pltpu.async_copy(bv.at[b], oh.at[g], ss)
        return carry

    lax.fori_loop(0, NGRP_TILE // CHUNK, chunk, 0)
    for (ih, th, oh, iv, bv, gs, ss) in tabs:
        for b in range(CHUNK):
            pltpu.make_async_copy(bv.at[b], oh.at[b], ss).wait()


def _sc_gather_node_body(s_idx, o_idx, node_tab, s_out, o_out,
                         idx_s, idx_o, buf_s, buf_o,
                         gsem_s, gsem_o, ssem_s, ssem_o):
    wid = lax.axis_index("s") * 2 + lax.axis_index("c")
    base = wid * NGRP_TILE
    tabs = ((s_idx, node_tab, s_out, idx_s, buf_s, gsem_s, ssem_s),
            (o_idx, node_tab, o_out, idx_o, buf_o, gsem_o, ssem_o))
    _gather_pipeline(tabs, base)


def _sc_gather_rel_body(p_idx, rel_tab, p_out,
                        idx_p, buf_p, gsem_p, ssem_p):
    wid = lax.axis_index("s") * 2 + lax.axis_index("c")
    base = wid * NGRP_TILE
    tabs = ((p_idx, rel_tab, p_out, idx_p, buf_p, gsem_p, ssem_p),)
    _gather_pipeline(tabs, base)


_MESH = plsc.VectorSubcoreMesh(core_axis_name="c", subcore_axis_name="s")
_IDX_T = pltpu.VMEM((NGRP_TILE, GRP), jnp.int32)
_BUF_T = pltpu.VMEM((CHUNK, GRP, ROWW), jnp.int32)


def _sc_gather_node(s_idx, o_idx, node_tab):
    ngrp = s_idx.shape[0]
    out_t = jax.ShapeDtypeStruct((ngrp, GRP, ROWW), jnp.int32)
    f = functools.partial(
        pl.kernel,
        mesh=_MESH,
        compiler_params=pltpu.CompilerParams(use_tc_tiling_on_sc=False),
        out_type=(out_t, out_t),
        scratch_types=[_IDX_T, _IDX_T, _BUF_T, _BUF_T]
        + [pltpu.SemaphoreType.DMA] * 4,
    )(_sc_gather_node_body)
    return f(s_idx, o_idx, node_tab)


def _sc_gather_rel(p_idx, rel_tab):
    ngrp = p_idx.shape[0]
    out_t = jax.ShapeDtypeStruct((ngrp, GRP, ROWW), jnp.int32)
    f = functools.partial(
        pl.kernel,
        mesh=_MESH,
        compiler_params=pltpu.CompilerParams(use_tc_tiling_on_sc=False),
        out_type=(out_t,),
        scratch_types=[_IDX_T, _BUF_T] + [pltpu.SemaphoreType.DMA] * 2,
    )(_sc_gather_rel_body)
    return f(p_idx, rel_tab)[0]


def _mm_body(s_ref, p_ref, o_ref, we_s, wo_s, we_p, wo_p, we_o, wo_o,
             b_ref, out_ref):
    acc = b_ref[...]
    for ref, we, wo in ((s_ref, we_s, wo_s), (p_ref, we_p, wo_p),
                        (o_ref, we_o, wo_o)):
        w = ref[...]
        qe = lax.bitcast_convert_type(
            lax.shift_left(w, jnp.int32(16)), jnp.float32)
        qo = lax.bitcast_convert_type(
            lax.bitwise_and(w, jnp.int32(-65536)), jnp.float32)
        acc = acc + jnp.dot(qe, we[...], preferred_element_type=jnp.float32)
        acc = acc + jnp.dot(qo, wo[...], preferred_element_type=jnp.float32)
    out_ref[...] = acc


def _mm(s4, p4, o4, wparts, bb):
    n4 = s4.shape[0]
    grid = (n4 // MM_BLK,)
    in_spec = pl.BlockSpec((MM_BLK, 128), lambda i: (i, 0))
    w_spec = pl.BlockSpec((128, 256), lambda i: (0, 0))
    return pl.pallas_call(
        _mm_body,
        grid=grid,
        in_specs=[in_spec, in_spec, in_spec] + [w_spec] * 6
        + [pl.BlockSpec((1, 256), lambda i: (0, 0))],
        out_specs=pl.BlockSpec((MM_BLK, 256), lambda i: (i, 0)),
        out_shape=jax.ShapeDtypeStruct((n4, 256), jnp.float32),
    )(s4, p4, o4, *wparts, bb)


def _blockdiag4(wt):
    z = jnp.zeros((32, 64), jnp.float32)
    rows = []
    for g in range(4):
        blocks = [z] * 4
        blocks[g] = wt
        rows.append(jnp.concatenate(blocks, axis=1))
    return jnp.concatenate(rows, axis=0)


def _pack_table(tab):
    n = tab.shape[0]
    tb = tab.astype(jnp.bfloat16).reshape(n, ROWW, 2)
    return jax.lax.bitcast_convert_type(tb, jnp.int32)


def kernel(triples, node_table, relation_table, W, b):
    bsz, esz, _ = triples.shape
    n = bsz * esz
    t = triples.reshape(n, 3).astype(jnp.int32)
    s_idx = t[:, 0].reshape(n // GRP, GRP)
    p_idx = t[:, 1].reshape(n // GRP, GRP)
    o_idx = t[:, 2].reshape(n // GRP, GRP)

    nt_i32 = _pack_table(node_table)
    rt_i32 = _pack_table(relation_table)

    s3, o3 = _sc_gather_node(s_idx, o_idx, nt_i32)
    p3 = _sc_gather_rel(p_idx, rt_i32)
    s4 = s3.reshape(n // 4, 128)
    p4 = p3.reshape(n // 4, 128)
    o4 = o3.reshape(n // 4, 128)

    wparts = []
    for ti in range(3):
        wt = W[ti * EMB:(ti + 1) * EMB]
        wparts.append(_blockdiag4(wt[0::2]))
        wparts.append(_blockdiag4(wt[1::2]))
    bb = jnp.tile(b, 4).reshape(1, 256)

    out4 = _mm(s4, p4, o4, wparts, bb)
    return out4.reshape(bsz, esz, EMB)

# --- scband reference (transcript-rebuilt; emitter-appended) ---
"""Pipeline reference for scband-edge-embeddings-5308579578118 (READ-ONLY COPY).

The authoritative reference and input builder live on the scoring server;
editing this copy changes nothing except your own understanding.
"""

import jax, jax.numpy as jnp
import numpy as np

NUM_NODES = 1000000
NUM_RELATIONS = 1000000
EMB = 64


def setup_inputs(seed: int = 0) -> dict:
    key = jax.random.key(seed)
    k1, k2, k3, k4 = jax.random.split(key, 4)
    triples = jax.random.randint(k1, (4096, 64, 3), 0, NUM_NODES)
    node_table = jax.random.normal(k2, (NUM_NODES, EMB), dtype=jnp.float32) * 0.02
    relation_table = jax.random.normal(k3, (NUM_RELATIONS, EMB), dtype=jnp.float32) * 0.02
    W = jax.random.normal(k4, (EMB * 3, EMB), dtype=jnp.float32) * (1.0 / np.sqrt(EMB * 3))
    b = jnp.zeros((EMB,), dtype=jnp.float32)
    return {"triples": triples, "node_table": node_table, "relation_table": relation_table, "W": W, "b": b}


def reference(triples, node_table, relation_table, W, b):
    # triples: [B, E, 3] with (s, p, o) indices
    s_index = triples[:, :, 0]
    p_index = triples[:, :, 1]
    o_index = triples[:, :, 2]
    s = jnp.take(node_table, s_index, axis=0)       # [B, E, emb]
    p = jnp.take(relation_table, p_index, axis=0)   # [B, E, emb]
    o = jnp.take(node_table, o_index, axis=0)       # [B, E, emb]
    x = jnp.concatenate([s, p, o], axis=-1)          # [B, E, 3*emb]
    return x @ W + b                                 # [B, E, emb]

if __name__ == "__main__":
    import jax
    _d = setup_inputs()
    print(jax.jit(kernel)(*tuple(_d.values())))

</pallas_src>

<mosaic_0001>
#map = affine_map<(d0, d1) -> (0, 0)>
#map1 = affine_map<(d0, d1) -> (0, 0, 0)>
module attributes {stable_mosaic.version = 14 : i64} {
  func.func @_sc_gather_node_body(%arg0: i32, %arg1: i32, %arg2: memref<2048x128xi32, #tpu.memory_space<hbm>>, %arg3: memref<2048x128xi32, #tpu.memory_space<hbm>>, %arg4: memref<1000000x32xi32, #tpu.memory_space<hbm>>, %arg5: memref<2048x128x32xi32, #tpu.memory_space<hbm>>, %arg6: memref<2048x128x32xi32, #tpu.memory_space<hbm>>, %arg7: memref<64x128xi32, #tpu.memory_space<vmem>>, %arg8: memref<64x128xi32, #tpu.memory_space<vmem>>, %arg9: memref<4x128x32xi32, #tpu.memory_space<vmem>>, %arg10: memref<4x128x32xi32, #tpu.memory_space<vmem>>, %arg11: memref<!tpu.dma_semaphore, #tpu.memory_space<semaphore_mem>>, %arg12: memref<!tpu.dma_semaphore, #tpu.memory_space<semaphore_mem>>, %arg13: memref<!tpu.dma_semaphore, #tpu.memory_space<semaphore_mem>>, %arg14: memref<!tpu.dma_semaphore, #tpu.memory_space<semaphore_mem>>) attributes {dimension_semantics = [#tpu.dimension_semantics<core_parallel>, #tpu.dimension_semantics<subcore_parallel>], iteration_bounds = array<i64: 2, 16>, scalar_prefetch = 0 : i64, scratch_operands = 8 : i64, tpu.core_type = #tpu.core_type<sc_vector_subcore>, window_params = [{transform_indices = #map}, {transform_indices = #map}, {transform_indices = #map}, {transform_indices = #map1}, {transform_indices = #map1}]} {
    %mul3A = arith.constant 2 : i32
    %mul3A_0 = arith.muli %arg1, %mul3A : i32
    %add3A = arith.addi %mul3A_0, %arg0 : i32
    %mul3A_1 = arith.constant 64 : i32
    %mul3A_2 = arith.muli %add3A, %mul3A_1 : i32
    "tpu.region"() ({
      %run_scoped3A = tpu.sem_alloc : memref<!tpu.dma_semaphore, #tpu.memory_space<semaphore_mem>>
      %dma_start3A = arith.constant 0 : i32
      %dma_start3A_151 = tpu.memref_slice %arg2[%mul3A_2, %dma_start3A] : memref<2048x128xi32, #tpu.memory_space<hbm>> -> memref<64x128xi32, #tpu.memory_space<hbm>>
      %dma_start3A_152 = arith.constant 0 : i32
      %dma_start3A_153 = tpu.memref_slice %arg2[%mul3A_2, %dma_start3A_152] : memref<2048x128xi32, #tpu.memory_space<hbm>> -> memref<64x128xi32, #tpu.memory_space<hbm>>
      tpu.enqueue_dma source(%dma_start3A_153 : memref<64x128xi32, #tpu.memory_space<hbm>>) target(%arg7 : memref<64x128xi32, #tpu.memory_space<vmem>>) target_semaphore(%run_scoped3A : memref<!tpu.dma_semaphore, #tpu.memory_space<semaphore_mem>>)
      %dma_wait3A_154 = arith.constant 0 : i32
      %dma_wait3A_155 = tpu.memref_slice %arg2[%mul3A_2, %dma_wait3A_154] : memref<2048x128xi32, #tpu.memory_space<hbm>> -> memref<64x128xi32, #tpu.memory_space<hbm>>
      %dma_wait3A_156 = arith.constant 0 : i32
      %dma_wait3A_157 = tpu.memref_slice %arg2[%mul3A_2, %dma_wait3A_156] : memref<2048x128xi32, #tpu.memory_space<hbm>> -> memref<64x128xi32, #tpu.memory_space<hbm>>
      tpu.wait_dma2 semaphore(%run_scoped3A : memref<!tpu.dma_semaphore, #tpu.memory_space<semaphore_mem>>) src(%dma_wait3A_157 : memref<64x128xi32, #tpu.memory_space<hbm>>) dst(%arg7 : memref<64x128xi32, #tpu.memory_space<vmem>>)
      tpu.yield
    }) : () -> ()
    "tpu.region"() ({
      %run_scoped3A = tpu.sem_alloc : memref<!tpu.dma_semaphore, #tpu.memory_space<semaphore_mem>>
      %dma_start3A = arith.constant 0 : i32
      %dma_start3A_151 = tpu.memref_slice %arg3[%mul3A_2, %dma_start3A] : memref<2048x128xi32, #tpu.memory_space<hbm>> -> memref<64x128xi32, #tpu.memory_space<hbm>>
      %dma_start3A_152 = arith.constant 0 : i32
      %dma_start3A_153 = tpu.memref_slice %arg3[%mul3A_2, %dma_start3A_152] : memref<2048x128xi32, #tpu.memory_space<hbm>> -> memref<64x128xi32, #tpu.memory_space<hbm>>
      tpu.enqueue_dma source(%dma_start3A_153 : memref<64x128xi32, #tpu.memory_space<hbm>>) target(%arg8 : memref<64x128xi32, #tpu.memory_space<vmem>>) target_semaphore(%run_scoped3A : memref<!tpu.dma_semaphore, #tpu.memory_space<semaphore_mem>>)
      %dma_wait3A_154 = arith.constant 0 : i32
      %dma_wait3A_155 = tpu.memref_slice %arg3[%mul3A_2, %dma_wait3A_154] : memref<2048x128xi32, #tpu.memory_space<hbm>> -> memref<64x128xi32, #tpu.memory_space<hbm>>
      %dma_wait3A_156 = arith.constant 0 : i32
      %dma_wait3A_157 = tpu.memref_slice %arg3[%mul3A_2, %dma_wait3A_156] : memref<2048x128xi32, #tpu.memory_space<hbm>> -> memref<64x128xi32, #tpu.memory_space<hbm>>
      tpu.wait_dma2 semaphore(%run_scoped3A : memref<!tpu.dma_semaphore, #tpu.memory_space<semaphore_mem>>) src(%dma_wait3A_157 : memref<64x128xi32, #tpu.memory_space<hbm>>) dst(%arg8 : memref<64x128xi32, #tpu.memory_space<vmem>>)
      tpu.yield
    }) : () -> ()
    %scan3A = arith.constant 0 : i32
    %scan3A_3 = arith.constant 0 : i32
    %scan3A_4 = arith.constant 16 : i32
    %scan3A_5 = arith.addi %scan3A_3, %scan3A_4 : i32
    %scan3A_6 = arith.constant 1 : i32
    scf.for %scan3A_151 = %scan3A_3 to %scan3A_5 step %scan3A_6  : i32 {
      %gt3A = arith.constant 0 : i32
      %gt3A_152 = arith.cmpi sgt, %scan3A_151, %gt3A : i32
      %convert_element_type3A = arith.extui %gt3A_152 : i1 to i32
      %cond3A = arith.constant 0 : i32
      %cond3A_153 = arith.cmpi ne, %convert_element_type3A, %cond3A : i32
      scf.if %cond3A_153 {
        %dma_wait3A_542 = arith.constant 0 : i32
        %dma_wait3A_543 = arith.constant 0 : i32
        %dma_wait3A_544 = arith.constant 0 : i32
        %dma_wait3A_545 = arith.constant 0 : i32
        %dma_wait3A_546 = tpu.memref_slice %arg9[%dma_wait3A_542, %dma_wait3A_544, %dma_wait3A_545] : memref<4x128x32xi32, #tpu.memory_space<vmem>> -> memref<1x128x32xi32, #tpu.memory_space<vmem>>
        %dma_wait3A_547 = tpu.memref_squeeze %dma_wait3A_546 : memref<1x128x32xi32, #tpu.memory_space<vmem>> -> memref<128x32xi32, #tpu.memory_space<vmem>>
        %dma_wait3A_548 = arith.constant 0 : i32
        %dma_wait3A_549 = arith.constant 0 : i32
        %dma_wait3A_550 = tpu.memref_slice %arg5[%dma_wait3A_543, %dma_wait3A_548, %dma_wait3A_549] : memref<2048x128x32xi32, #tpu.memory_space<hbm>> -> memref<1x128x32xi32, #tpu.memory_space<hbm>>
        %dma_wait3A_551 = tpu.memref_squeeze %dma_wait3A_550 : memref<1x128x32xi32, #tpu.memory_space<hbm>> -> memref<128x32xi32, #tpu.memory_space<hbm>>
        %dma_wait3A_552 = arith.constant 0 : i32
        %dma_wait3A_553 = arith.constant 0 : i32
        %dma_wait3A_554 = tpu.memref_slice %arg5[%dma_wait3A_543, %dma_wait3A_552, %dma_wait3A_553] : memref<2048x128x32xi32, #tpu.memory_space<hbm>> -> memref<1x128x32xi32, #tpu.memory_space<hbm>>
        %dma_wait3A_555 = tpu.memref_squeeze %dma_wait3A_554 : memref<1x128x32xi32, #tpu.memory_space<hbm>> -> memref<128x32xi32, #tpu.memory_space<hbm>>
        %dma_wait3A_556 = arith.constant 0 : i32
        %dma_wait3A_557 = arith.constant 0 : i32
        %dma_wait3A_558 = tpu.memref_slice %arg9[%dma_wait3A_542, %dma_wait3A_556, %dma_wait3A_557] : memref<4x128x32xi32, #tpu.memory_space<vmem>> -> memref<1x128x32xi32, #tpu.memory_space<vmem>>
        %dma_wait3A_559 = tpu.memref_squeeze %dma_wait3A_558 : memref<1x128x32xi32, #tpu.memory_space<vmem>> -> memref<128x32xi32, #tpu.memory_space<vmem>>
        tpu.wait_dma2 semaphore(%arg13 : memref<!tpu.dma_semaphore, #tpu.memory_space<semaphore_mem>>) src(%dma_wait3A_559 : memref<128x32xi32, #tpu.memory_space<vmem>>) dst(%dma_wait3A_555 : memref<128x32xi32, #tpu.memory_space<hbm>>)
        %dma_wait3A_560 = arith.constant 1 : i32
        %dma_wait3A_561 = arith.constant 1 : i32
        %dma_wait3A_562 = arith.constant 0 : i32
        %dma_wait3A_563 = arith.constant 0 : i32
        %dma_wait3A_564 = tpu.memref_slice %arg9[%dma_wait3A_560, %dma_wait3A_562, %dma_wait3A_563] : memref<4x128x32xi32, #tpu.memory_space<vmem>> -> memref<1x128x32xi32, #tpu.memory_space<vmem>>
        %dma_wait3A_565 = tpu.memref_squeeze %dma_wait3A_564 : memref<1x128x32xi32, #tpu.memory_space<vmem>> -> memref<128x32xi32, #tpu.memory_space<vmem>>
        %dma_wait3A_566 = arith.constant 0 : i32
        %dma_wait3A_567 = arith.constant 0 : i32
        %dma_wait3A_568 = tpu.memref_slice %arg5[%dma_wait3A_561, %dma_wait3A_566, %dma_wait3A_567] : memref<2048x128x32xi32, #tpu.memory_space<hbm>> -> memref<1x128x32xi32, #tpu.memory_space<hbm>>
        %dma_wait3A_569 = tpu.memref_squeeze %dma_wait3A_568 : memref<1x128x32xi32, #tpu.memory_space<hbm>> -> memref<128x32xi32, #tpu.memory_space<hbm>>
        %dma_wait3A_570 = arith.constant 0 : i32
        %dma_wait3A_571 = arith.constant 0 : i32
        %dma_wait3A_572 = tpu.memref_slice %arg5[%dma_wait3A_561, %dma_wait3A_570, %dma_wait3A_571] : memref<2048x128x32xi32, #tpu.memory_space<hbm>> -> memref<1x128x32xi32, #tpu.memory_space<hbm>>
        %dma_wait3A_573 = tpu.memref_squeeze %dma_wait3A_572 : memref<1x128x32xi32, #tpu.memory_space<hbm>> -> memref<128x32xi32, #tpu.memory_space<hbm>>
        %dma_wait3A_574 = arith.constant 0 : i32
        %dma_wait3A_575 = arith.constant 0 : i32
        %dma_wait3A_576 = tpu.memref_slice %arg9[%dma_wait3A_560, %dma_wait3A_574, %dma_wait3A_575] : memref<4x128x32xi32, #tpu.memory_space<vmem>> -> memref<1x128x32xi32, #tpu.memory_space<vmem>>
        %dma_wait3A_577 = tpu.memref_squeeze %dma_wait3A_576 : memref<1x128x32xi32, #tpu.memory_space<vmem>> -> memref<128x32xi32, #tpu.memory_space<vmem>>
        tpu.wait_dma2 semaphore(%arg13 : memref<!tpu.dma_semaphore, #tpu.memory_space<semaphore_mem>>) src(%dma_wait3A_577 : memref<128x32xi32, #tpu.memory_space<vmem>>) dst(%dma_wait3A_573 : memref<128x32xi32, #tpu.memory_space<hbm>>)
        %dma_wait3A_578 = arith.constant 2 : i32
        %dma_wait3A_579 = arith.constant 2 : i32
        %dma_wait3A_580 = arith.constant 0 : i32
        %dma_wait3A_581 = arith.constant 0 : i32
        %dma_wait3A_582 = tpu.memref_slice %arg9[%dma_wait3A_578, %dma_wait3A_580, %dma_wait3A_581] : memref<4x128x32xi32, #tpu.memory_space<vmem>> -> memref<1x128x32xi32, #tpu.memory_space<vmem>>
        %dma_wait3A_583 = tpu.memref_squeeze %dma_wait3A_582 : memref<1x128x32xi32, #tpu.memory_space<vmem>> -> memref<128x32xi32, #tpu.memory_space<vmem>>
        %dma_wait3A_584 = arith.constant 0 : i32
        %dma_wait3A_585 = arith.constant 0 : i32
        %dma_wait3A_586 = tpu.memref_slice %arg5[%dma_wait3A_579, %dma_wait3A_584, %dma_wait3A_585] : memref<2048x128x32xi32, #tpu.memory_space<hbm>> -> memref<1x128x32xi32, #tpu.memory_space<hbm>>
        %dma_wait3A_587 = tpu.memref_squeeze %dma_wait3A_586 : memref<1x128x32xi32, #tpu.memory_space<hbm>> -> memref<128x32xi32, #tpu.memory_space<hbm>>
        %dma_wait3A_588 = arith.constant 0 : i32
        %dma_wait3A_589 = arith.constant 0 : i32
        %dma_wait3A_590 = tpu.memref_slice %arg5[%dma_wait3A_579, %dma_wait3A_588, %dma_wait3A_589] : memref<2048x128x32xi32, #tpu.memory_space<hbm>> -> memref<1x128x32xi32, #tpu.memory_space<hbm>>
        %dma_wait3A_591 = tpu.memref_squeeze %dma_wait3A_590 : memref<1x128x32xi32, #tpu.memory_space<hbm>> -> memref<128x32xi32, #tpu.memory_space<hbm>>
        %dma_wait3A_592 = arith.constant 0 : i32
        %dma_wait3A_593 = arith.constant 0 : i32
        %dma_wait3A_594 = tpu.memref_slice %arg9[%dma_wait3A_578, %dma_wait3A_592, %dma_wait3A_593] : memref<4x128x32xi32, #tpu.memory_space<vmem>> -> memref<1x128x32xi32, #tpu.memory_space<vmem>>
        %dma_wait3A_595 = tpu.memref_squeeze %dma_wait3A_594 : memref<1x128x32xi32, #tpu.memory_space<vmem>> -> memref<128x32xi32, #tpu.memory_space<vmem>>
        tpu.wait_dma2 semaphore(%arg13 : memref<!tpu.dma_semaphore, #tpu.memory_space<semaphore_mem>>) src(%dma_wait3A_595 : memref<128x32xi32, #tpu.memory_space<vmem>>) dst(%dma_wait3A_591 : memref<128x32xi32, #tpu.memory_space<hbm>>)
        %dma_wait3A_596 = arith.constant 3 : i32
        %dma_wait3A_597 = arith.constant 3 : i32
        %dma_wait3A_598 = arith.constant 0 : i32
        %dma_wait3A_599 = arith.constant 0 : i32
        %dma_wait3A_600 = tpu.memref_slice %arg9[%dma_wait3A_596, %dma_wait3A_598, %dma_wait3A_599] : memref<4x128x32xi32, #tpu.memory_space<vmem>> -> memref<1x128x32xi32, #tpu.memory_space<vmem>>
        %dma_wait3A_601 = tpu.memref_squeeze %dma_wait3A_600 : memref<1x128x32xi32, #tpu.memory_space<vmem>> -> memref<128x32xi32, #tpu.memory_space<vmem>>
        %dma_wait3A_602 = arith.constant 0 : i32
        %dma_wait3A_603 = arith.constant 0 : i32
        %dma_wait3A_604 = tpu.memref_slice %arg5[%dma_wait3A_597, %dma_wait3A_602, %dma_wait3A_603] : memref<2048x128x32xi32, #tpu.memory_space<hbm>> -> memref<1x128x32xi32, #tpu.memory_space<hbm>>
        %dma_wait3A_605 = tpu.memref_squeeze %dma_wait3A_604 : memref<1x128x32xi32, #tpu.memory_space<hbm>> -> memref<128x32xi32, #tpu.memory_space<hbm>>
        %dma_wait3A_606 = arith.constant 0 : i32
        %dma_wait3A_607 = arith.constant 0 : i32
        %dma_wait3A_608 = tpu.memref_slice %arg5[%dma_wait3A_597, %dma_wait3A_606, %dma_wait3A_607] : memref<2048x128x32xi32, #tpu.memory_space<hbm>> -> memref<1x128x32xi32, #tpu.memory_space<hbm>>
        %dma_wait3A_609 = tpu.memref_squeeze %dma_wait3A_608 : memref<1x128x32xi32, #tpu.memory_space<hbm>> -> memref<128x32xi32, #tpu.memory_space<hbm>>
        %dma_wait3A_610 = arith.constant 0 : i32
        %dma_wait3A_611 = arith.constant 0 : i32
        %dma_wait3A_612 = tpu.memref_slice %arg9[%dma_wait3A_596, %dma_wait3A_610, %dma_wait3A_611] : memref<4x128x32xi32, #tpu.memory_space<vmem>> -> memref<1x128x32xi32, #tpu.memory_space<vmem>>
        %dma_wait3A_613 = tpu.memref_squeeze %dma_wait3A_612 : memref<1x128x32xi32, #tpu.memory_space<vmem>> -> memref<128x32xi32, #tpu.memory_space<vmem>>
        tpu.wait_dma2 semaphore(%arg13 : memref<!tpu.dma_semaphore, #tpu.memory_space<semaphore_mem>>) src(%dma_wait3A_613 : memref<128x32xi32, #tpu.memory_space<vmem>>) dst(%dma_wait3A_609 : memref<128x32xi32, #tpu.memory_space<hbm>>)
      } else {
      }
      %mul3A_154 = arith.constant 4 : i32
      %mul3A_155 = arith.muli %scan3A_151, %mul3A_154 : i32
      %add3A_156 = arith.constant 0 : i32
      %add3A_157 = arith.addi %mul3A_155, %add3A_156 : i32
      %dma_start3A = arith.constant 0 : i32
      %dma_start3A_158 = arith.constant 0 : i32
      %dma_start3A_159 = arith.constant 0 : i32
      %dma_start3A_160 = tpu.memref_slice %arg9[%dma_start3A, %dma_start3A_158, %dma_start3A_159] : memref<4x128x32xi32, #tpu.memory_space<vmem>> -> memref<1x128x32xi32, #tpu.memory_space<vmem>>
      %dma_start3A_161 = tpu.memref_squeeze %dma_start3A_160 : memref<1x128x32xi32, #tpu.memory_space<vmem>> -> memref<128x32xi32, #tpu.memory_space<vmem>>
      %dma_start3A_162 = arith.constant 0 : i32
      %dma_start3A_163 = tpu.memref_slice %arg7[%add3A_157, %dma_start3A_162] : memref<64x128xi32, #tpu.memory_space<vmem>> -> memref<1x128xi32, #tpu.memory_space<vmem>>
      %dma_start3A_164 = tpu.memref_squeeze %dma_start3A_163 : memref<1x128xi32, #tpu.memory_space<vmem>> -> memref<128xi32, #tpu.memory_space<vmem>>
      %dma_start3A_165 = arith.constant 0 : i32
      %dma_start3A_166 = arith.constant 0 : i32
      %dma_start3A_167 = tpu.memref_slice %arg4[%dma_start3A_165, %dma_start3A_166] : memref<1000000x32xi32, #tpu.memory_space<hbm>> -> memref<1000000x32xi32, #tpu.memory_space<hbm>>
      tpu.enqueue_indirect_dma source(%dma_start3A_167 : memref<1000000x32xi32, #tpu.memory_space<hbm>>) target(%dma_start3A_161 : memref<128x32xi32, #tpu.memory_space<vmem>>) offsets(%dma_start3A_164 : memref<128xi32, #tpu.memory_space<vmem>>) semaphore(%arg11 : memref<!tpu.dma_semaphore, #tpu.memory_space<semaphore_mem>>)
      %mul3A_168 = arith.constant 4 : i32
      %mul3A_169 = arith.muli %scan3A_151, %mul3A_168 : i32
      %add3A_170 = arith.constant 1 : i32
      %add3A_171 = arith.addi %mul3A_169, %add3A_170 : i32
      %dma_start3A_172 = arith.constant 1 : i32
      %dma_start3A_173 = arith.constant 0 : i32
      %dma_start3A_174 = arith.constant 0 : i32
      %dma_start3A_175 = tpu.memref_slice %arg9[%dma_start3A_172, %dma_start3A_173, %dma_start3A_174] : memref<4x128x32xi32, #tpu.memory_space<vmem>> -> memref<1x128x32xi32, #tpu.memory_space<vmem>>
      %dma_start3A_176 = tpu.memref_squeeze %dma_start3A_175 : memref<1x128x32xi32, #tpu.memory_space<vmem>> -> memref<128x32xi32, #tpu.memory_space<vmem>>
      %dma_start3A_177 = arith.constant 0 : i32
      %dma_start3A_178 = tpu.memref_slice %arg7[%add3A_171, %dma_start3A_177] : memref<64x128xi32, #tpu.memory_space<vmem>> -> memref<1x128xi32, #tpu.memory_space<vmem>>
      %dma_start3A_179 = tpu.memref_squeeze %dma_start3A_178 : memref<1x128xi32, #tpu.memory_space<vmem>> -> memref<128xi32, #tpu.memory_space<vmem>>
      %dma_start3A_180 = arith.constant 0 : i32
      %dma_start3A_181 = arith.constant 0 : i32
      %dma_start3A_182 = tpu.memref_slice %arg4[%dma_start3A_180, %dma_start3A_181] : memref<1000000x32xi32, #tpu.memory_space<hbm>> -> memref<1000000x32xi32, #tpu.memory_space<hbm>>
      tpu.enqueue_indirect_dma source(%dma_start3A_182 : memref<1000000x32xi32, #tpu.memory_space<hbm>>) target(%dma_start3A_176 : memref<128x32xi32, #tpu.memory_space<vmem>>) offsets(%dma_start3A_179 : memref<128xi32, #tpu.memory_space<vmem>>) semaphore(%arg11 : memref<!tpu.dma_semaphore, #tpu.memory_space<semaphore_mem>>)
      %mul3A_183 = arith.constant 4 : i32
      %mul3A_184 = arith.muli %scan3A_151, %mul3A_183 : i32
      %add3A_185 = arith.constant 2 : i32
      %add3A_186 = arith.addi %mul3A_184, %add3A_185 : i32
      %dma_start3A_187 = arith.constant 2 : i32
      %dma_start3A_188 = arith.constant 0 : i32
      %dma_start3A_189 = arith.constant 0 : i32
      %dma_start3A_190 = tpu.memref_slice %arg9[%dma_start3A_187, %dma_start3A_188, %dma_start3A_189] : memref<4x128x32xi32, #tpu.memory_space<vmem>> -> memref<1x128x32xi32, #tpu.memory_space<vmem>>
      %dma_start3A_191 = tpu.memref_squeeze %dma_start3A_190 : memref<1x128x32xi32, #tpu.memory_space<vmem>> -> memref<128x32xi32, #tpu.memory_space<vmem>>
      %dma_start3A_192 = arith.constant 0 : i32
      %dma_start3A_193 = tpu.memref_slice %arg7[%add3A_186, %dma_start3A_192] : memref<64x128xi32, #tpu.memory_space<vmem>> -> memref<1x128xi32, #tpu.memory_space<vmem>>
      %dma_start3A_194 = tpu.memref_squeeze %dma_start3A_193 : memref<1x128xi32, #tpu.memory_space<vmem>> -> memref<128xi32, #tpu.memory_space<vmem>>
      %dma_start3A_195 = arith.constant 0 : i32
      %dma_start3A_196 = arith.constant 0 : i32
      %dma_start3A_197 = tpu.memref_slice %arg4[%dma_start3A_195, %dma_start3A_196] : memref<1000000x32xi32, #tpu.memory_space<hbm>> -> memref<1000000x32xi32, #tpu.memory_space<hbm>>
      tpu.enqueue_indirect_dma source(%dma_start3A_197 : memref<1000000x32xi32, #tpu.memory_space<hbm>>) target(%dma_start3A_191 : memref<128x32xi32, #tpu.memory_space<vmem>>) offsets(%dma_start3A_194 : memref<128xi32, #tpu.memory_space<vmem>>) semaphore(%arg11 : memref<!tpu.dma_semaphore, #tpu.memory_space<semaphore_mem>>)
      %mul3A_198 = arith.constant 4 : i32
      %mul3A_199 = arith.muli %scan3A_151, %mul3A_198 : i32
      %add3A_200 = arith.constant 3 : i32
      %add3A_201 = arith.addi %mul3A_199, %add3A_200 : i32
      %dma_start3A_202 = arith.constant 3 : i32
      %dma_start3A_203 = arith.constant 0 : i32
      %dma_start3A_204 = arith.constant 0 : i32
      %dma_start3A_205 = tpu.memref_slice %arg9[%dma_start3A_202, %dma_start3A_203, %dma_start3A_204] : memref<4x128x32xi32, #tpu.memory_space<vmem>> -> memref<1x128x32xi32, #tpu.memory_space<vmem>>
      %dma_start3A_206 = tpu.memref_squeeze %dma_start3A_205 : memref<1x128x32xi32, #tpu.memory_space<vmem>> -> memref<128x32xi32, #tpu.memory_space<vmem>>
      %dma_start3A_207 = arith.constant 0 : i32
      %dma_start3A_208 = tpu.memref_slice %arg7[%add3A_201, %dma_start3A_207] : memref<64x128xi32, #tpu.memory_space<vmem>> -> memref<1x128xi32, #tpu.memory_space<vmem>>
      %dma_start3A_209 = tpu.memref_squeeze %dma_start3A_208 : memref<1x128xi32, #tpu.memory_space<vmem>> -> memref<128xi32, #tpu.memory_space<vmem>>
      %dma_start3A_210 = arith.constant 0 : i32
      %dma_start3A_211 = arith.constant 0 : i32
      %dma_start3A_212 = tpu.memref_slice %arg4[%dma_start3A_210, %dma_start3A_211] : memref<1000000x32xi32, #tpu.memory_space<hbm>> -> memref<1000000x32xi32, #tpu.memory_space<hbm>>
      tpu.enqueue_indirect_dma source(%dma_start3A_212 : memref<1000000x32xi32, #tpu.memory_space<hbm>>) target(%dma_start3A_206 : memref<128x32xi32, #tpu.memory_space<vmem>>) offsets(%dma_start3A_209 : memref<128xi32, #tpu.memory_space<vmem>>) semaphore(%arg11 : memref<!tpu.dma_semaphore, #tpu.memory_space<semaphore_mem>>)
      %gt3A_213 = arith.constant 0 : i32
      %gt3A_214 = arith.cmpi sgt, %scan3A_151, %gt3A_213 : i32
      %convert_element_type3A_215 = arith.extui %gt3A_214 : i1 to i32
      %cond3A_216 = arith.constant 0 : i32
      %cond3A_217 = arith.cmpi ne, %convert_element_type3A_215, %cond3A_216 : i32
      scf.if %cond3A_217 {
        %dma_wait3A_542 = arith.constant 0 : i32
        %dma_wait3A_543 = arith.constant 0 : i32
        %dma_wait3A_544 = arith.constant 0 : i32
        %dma_wait3A_545 = arith.constant 0 : i32
        %dma_wait3A_546 = tpu.memref_slice %arg10[%dma_wait3A_542, %dma_wait3A_544, %dma_wait3A_545] : memref<4x128x32xi32, #tpu.memory_space<vmem>> -> memref<1x128x32xi32, #tpu.memory_space<vmem>>
        %dma_wait3A_547 = tpu.memref_squeeze %dma_wait3A_546 : memref<1x128x32xi32, #tpu.memory_space<vmem>> -> memref<128x32xi32, #tpu.memory_space<vmem>>
        %dma_wait3A_548 = arith.constant 0 : i32
        %dma_wait3A_549 = arith.constant 0 : i32
        %dma_wait3A_550 = tpu.memref_slice %arg6[%dma_wait3A_543, %dma_wait3A_548, %dma_wait3A_549] : memref<2048x128x32xi32, #tpu.memory_space<hbm>> -> memref<1x128x32xi32, #tpu.memory_space<hbm>>
        %dma_wait3A_551 = tpu.memref_squeeze %dma_wait3A_550 : memref<1x128x32xi32, #tpu.memory_space<hbm>> -> memref<128x32xi32, #tpu.memory_space<hbm>>
        %dma_wait3A_552 = arith.constant 0 : i32
        %dma_wait3A_553 = arith.constant 0 : i32
        %dma_wait3A_554 = tpu.memref_slice %arg6[%dma_wait3A_543, %dma_wait3A_552, %dma_wait3A_553] : memref<2048x128x32xi32, #tpu.memory_space<hbm>> -> memref<1x128x32xi32, #tpu.memory_space<hbm>>
        %dma_wait3A_555 = tpu.memref_squeeze %dma_wait3A_554 : memref<1x128x32xi32, #tpu.memory_space<hbm>> -> memref<128x32xi32, #tpu.memory_space<hbm>>
        %dma_wait3A_556 = arith.constant 0 : i32
        %dma_wait3A_557 = arith.constant 0 : i32
        %dma_wait3A_558 = tpu.memref_slice %arg10[%dma_wait3A_542, %dma_wait3A_556, %dma_wait3A_557] : memref<4x128x32xi32, #tpu.memory_space<vmem>> -> memref<1x128x32xi32, #tpu.memory_space<vmem>>
        %dma_wait3A_559 = tpu.memref_squeeze %dma_wait3A_558 : memref<1x128x32xi32, #tpu.memory_space<vmem>> -> memref<128x32xi32, #tpu.memory_space<vmem>>
        tpu.wait_dma2 semaphore(%arg14 : memref<!tpu.dma_semaphore, #tpu.memory_space<semaphore_mem>>) src(%dma_wait3A_559 : memref<128x32xi32, #tpu.memory_space<vmem>>) dst(%dma_wait3A_555 : memref<128x32xi32, #tpu.memory_space<hbm>>)
        %dma_wait3A_560 = arith.constant 1 : i32
        %dma_wait3A_561 = arith.constant 1 : i32
        %dma_wait3A_562 = arith.constant 0 : i32
        %dma_wait3A_563 = arith.constant 0 : i32
        %dma_wait3A_564 = tpu.memref_slice %arg10[%dma_wait3A_560, %dma_wait3A_562, %dma_wait3A_563] : memref<4x128x32xi32, #tpu.memory_space<vmem>> -> memref<1x128x32xi32, #tpu.memory_space<vmem>>
        %dma_wait3A_565 = tpu.memref_squeeze %dma_wait3A_564 : memref<1x128x32xi32, #tpu.memory_space<vmem>> -> memref<128x32xi32, #tpu.memory_space<vmem>>
        %dma_wait3A_566 = arith.constant 0 : i32
        %dma_wait3A_567 = arith.constant 0 : i32
        %dma_wait3A_568 = tpu.memref_slice %arg6[%dma_wait3A_561, %dma_wait3A_566, %dma_wait3A_567] : memref<2048x128x32xi32, #tpu.memory_space<hbm>> -> memref<1x128x32xi32, #tpu.memory_space<hbm>>
        %dma_wait3A_569 = tpu.memref_squeeze %dma_wait3A_568 : memref<1x128x32xi32, #tpu.memory_space<hbm>> -> memref<128x32xi32, #tpu.memory_space<hbm>>
        %dma_wait3A_570 = arith.constant 0 : i32
        %dma_wait3A_571 = arith.constant 0 : i32
        %dma_wait3A_572 = tpu.memref_slice %arg6[%dma_wait3A_561, %dma_wait3A_570, %dma_wait3A_571] : memref<2048x128x32xi32, #tpu.memory_space<hbm>> -> memref<1x128x32xi32, #tpu.memory_space<hbm>>
        %dma_wait3A_573 = tpu.memref_squeeze %dma_wait3A_572 : memref<1x128x32xi32, #tpu.memory_space<hbm>> -> memref<128x32xi32, #tpu.memory_space<hbm>>
        %dma_wait3A_574 = arith.constant 0 : i32
        %dma_wait3A_575 = arith.constant 0 : i32
        %dma_wait3A_576 = tpu.memref_slice %arg10[%dma_wait3A_560, %dma_wait3A_574, %dma_wait3A_575] : memref<4x128x32xi32, #tpu.memory_space<vmem>> -> memref<1x128x32xi32, #tpu.memory_space<vmem>>
        %dma_wait3A_577 = tpu.memref_squeeze %dma_wait3A_576 : memref<1x128x32xi32, #tpu.memory_space<vmem>> -> memref<128x32xi32, #tpu.memory_space<vmem>>
        tpu.wait_dma2 semaphore(%arg14 : memref<!tpu.dma_semaphore, #tpu.memory_space<semaphore_mem>>) src(%dma_wait3A_577 : memref<128x32xi32, #tpu.memory_space<vmem>>) dst(%dma_wait3A_573 : memref<128x32xi32, #tpu.memory_space<hbm>>)
        %dma_wait3A_578 = arith.constant 2 : i32
        %dma_wait3A_579 = arith.constant 2 : i32
        %dma_wait3A_580 = arith.constant 0 : i32
        %dma_wait3A_581 = arith.constant 0 : i32
        %dma_wait3A_582 = tpu.memref_slice %arg10[%dma_wait3A_578, %dma_wait3A_580, %dma_wait3A_581] : memref<4x128x32xi32, #tpu.memory_space<vmem>> -> memref<1x128x32xi32, #tpu.memory_space<vmem>>
        %dma_wait3A_583 = tpu.memref_squeeze %dma_wait3A_582 : memref<1x128x32xi32, #tpu.memory_space<vmem>> -> memref<128x32xi32, #tpu.memory_space<vmem>>
        %dma_wait3A_584 = arith.constant 0 : i32
        %dma_wait3A_585 = arith.constant 0 : i32
        %dma_wait3A_586 = tpu.memref_slice %arg6[%dma_wait3A_579, %dma_wait3A_584, %dma_wait3A_585] : memref<2048x128x32xi32, #tpu.memory_space<hbm>> -> memref<1x128x32xi32, #tpu.memory_space<hbm>>
        %dma_wait3A_587 = tpu.memref_squeeze %dma_wait3A_586 : memref<1x128x32xi32, #tpu.memory_space<hbm>> -> memref<128x32xi32, #tpu.memory_space<hbm>>
        %dma_wait3A_588 = arith.constant 0 : i32
        %dma_wait3A_589 = arith.constant 0 : i32
        %dma_wait3A_590 = tpu.memref_slice %arg6[%dma_wait3A_579, %dma_wait3A_588, %dma_wait3A_589] : memref<2048x128x32xi32, #tpu.memory_space<hbm>> -> memref<1x128x32xi32, #tpu.memory_space<hbm>>
        %dma_wait3A_591 = tpu.memref_squeeze %dma_wait3A_590 : memref<1x128x32xi32, #tpu.memory_space<hbm>> -> memref<128x32xi32, #tpu.memory_space<hbm>>
        %dma_wait3A_592 = arith.constant 0 : i32
        %dma_wait3A_593 = arith.constant 0 : i32
        %dma_wait3A_594 = tpu.memref_slice %arg10[%dma_wait3A_578, %dma_wait3A_592, %dma_wait3A_593] : memref<4x128x32xi32, #tpu.memory_space<vmem>> -> memref<1x128x32xi32, #tpu.memory_space<vmem>>
        %dma_wait3A_595 = tpu.memref_squeeze %dma_wait3A_594 : memref<1x128x32xi32, #tpu.memory_space<vmem>> -> memref<128x32xi32, #tpu.memory_space<vmem>>
        tpu.wait_dma2 semaphore(%arg14 : memref<!tpu.dma_semaphore, #tpu.memory_space<semaphore_mem>>) src(%dma_wait3A_595 : memref<128x32xi32, #tpu.memory_space<vmem>>) dst(%dma_wait3A_591 : memref<128x32xi32, #tpu.memory_space<hbm>>)
        %dma_wait3A_596 = arith.constant 3 : i32
        %dma_wait3A_597 = arith.constant 3 : i32
        %dma_wait3A_598 = arith.constant 0 : i32
        %dma_wait3A_599 = arith.constant 0 : i32
        %dma_wait3A_600 = tpu.memref_slice %arg10[%dma_wait3A_596, %dma_wait3A_598, %dma_wait3A_599] : memref<4x128x32xi32, #tpu.memory_space<vmem>> -> memref<1x128x32xi32, #tpu.memory_space<vmem>>
        %dma_wait3A_601 = tpu.memref_squeeze %dma_wait3A_600 : memref<1x128x32xi32, #tpu.memory_space<vmem>> -> memref<128x32xi32, #tpu.memory_space<vmem>>
        %dma_wait3A_602 = arith.constant 0 : i32
        %dma_wait3A_603 = arith.constant 0 : i32
        %dma_wait3A_604 = tpu.memref_slice %arg6[%dma_wait3A_597, %dma_wait3A_602, %dma_wait3A_603] : memref<2048x128x32xi32, #tpu.memory_space<hbm>> -> memref<1x128x32xi32, #tpu.memory_space<hbm>>
        %dma_wait3A_605 = tpu.memref_squeeze %dma_wait3A_604 : memref<1x128x32xi32, #tpu.memory_space<hbm>> -> memref<128x32xi32, #tpu.memory_space<hbm>>
        %dma_wait3A_606 = arith.constant 0 : i32
        %dma_wait3A_607 = arith.constant 0 : i32
        %dma_wait3A_608 = tpu.memref_slice %arg6[%dma_wait3A_597, %dma_wait3A_606, %dma_wait3A_607] : memref<2048x128x32xi32, #tpu.memory_space<hbm>> -> memref<1x128x32xi32, #tpu.memory_space<hbm>>
        %dma_wait3A_609 = tpu.memref_squeeze %dma_wait3A_608 : memref<1x128x32xi32, #tpu.memory_space<hbm>> -> memref<128x32xi32, #tpu.memory_space<hbm>>
        %dma_wait3A_610 = arith.constant 0 : i32
        %dma_wait3A_611 = arith.constant 0 : i32
        %dma_wait3A_612 = tpu.memref_slice %arg10[%dma_wait3A_596, %dma_wait3A_610, %dma_wait3A_611] : memref<4x128x32xi32, #tpu.memory_space<vmem>> -> memref<1x128x32xi32, #tpu.memory_space<vmem>>
        %dma_wait3A_613 = tpu.memref_squeeze %dma_wait3A_612 : memref<1x128x32xi32, #tpu.memory_space<vmem>> -> memref<128x32xi32, #tpu.memory_space<vmem>>
        tpu.wait_dma2 semaphore(%arg14 : memref<!tpu.dma_semaphore, #tpu.memory_space<semaphore_mem>>) src(%dma_wait3A_613 : memref<128x32xi32, #tpu.memory_space<vmem>>) dst(%dma_wait3A_609 : memref<128x32xi32, #tpu.memory_space<hbm>>)
      } else {
      }
      %mul3A_218 = arith.constant 4 : i32
      %mul3A_219 = arith.muli %scan3A_151, %mul3A_218 : i32
      %add3A_220 = arith.constant 0 : i32
      %add3A_221 = arith.addi %mul3A_219, %add3A_220 : i32
      %dma_start3A_222 = arith.constant 0 : i32
      %dma_start3A_223 = arith.constant 0 : i32
      %dma_start3A_224 = arith.constant 0 : i32
      %dma_start3A_225 = tpu.memref_slice %arg10[%dma_start3A_222, %dma_start3A_223, %dma_start3A_224] : memref<4x128x32xi32, #tpu.memory_space<vmem>> -> memref<1x128x32xi32, #tpu.memory_space<vmem>>
      %dma_start3A_226 = tpu.memref_squeeze %dma_start3A_225 : memref<1x128x32xi32, #tpu.memory_space<vmem>> -> memref<128x32xi32, #tpu.memory_space<vmem>>
      %dma_start3A_227 = arith.constant 0 : i32
      %dma_start3A_228 = tpu.memref_slice %arg8[%add3A_221, %dma_start3A_227] : memref<64x128xi32, #tpu.memory_space<vmem>> -> memref<1x128xi32, #tpu.memory_space<vmem>>
      %dma_start3A_229 = tpu.memref_squeeze %dma_start3A_228 : memref<1x128xi32, #tpu.memory_space<vmem>> -> memref<128xi32, #tpu.memory_space<vmem>>
      %dma_start3A_230 = arith.constant 0 : i32
      %dma_start3A_231 = arith.constant 0 : i32
      %dma_start3A_232 = tpu.memref_slice %arg4[%dma_start3A_230, %dma_start3A_231] : memref<1000000x32xi32, #tpu.memory_space<hbm>> -> memref<1000000x32xi32, #tpu.memory_space<hbm>>
      tpu.enqueue_indirect_dma source(%dma_start3A_232 : memref<1000000x32xi32, #tpu.memory_space<hbm>>) target(%dma_start3A_226 : memref<128x32xi32, #tpu.memory_space<vmem>>) offsets(%dma_start3A_229 : memref<128xi32, #tpu.memory_space<vmem>>) semaphore(%arg12 : memref<!tpu.dma_semaphore, #tpu.memory_space<semaphore_mem>>)
      %mul3A_233 = arith.constant 4 : i32
      %mul3A_234 = arith.muli %scan3A_151, %mul3A_233 : i32
      %add3A_235 = arith.constant 1 : i32
      %add3A_236 = arith.addi %mul3A_234, %add3A_235 : i32
      %dma_start3A_237 = arith.constant 1 : i32
      %dma_start3A_238 = arith.constant 0 : i32
      %dma_start3A_239 = arith.constant 0 : i32
      %dma_start3A_240 = tpu.memref_slice %arg10[%dma_start3A_237, %dma_start3A_238, %dma_start3A_239] : memref<4x128x32xi32, #tpu.memory_space<vmem>> -> memref<1x128x32xi32, #tpu.memory_space<vmem>>
      %dma_start3A_241 = tpu.memref_squeeze %dma_start3A_240 : memref<1x128x32xi32, #tpu.memory_space<vmem>> -> memref<128x32xi32, #tpu.memory_space<vmem>>
      %dma_start3A_242 = arith.constant 0 : i32
      %dma_start3A_243 = tpu.memref_slice %arg8[%add3A_236, %dma_start3A_242] : memref<64x128xi32, #tpu.memory_space<vmem>> -> memref<1x128xi32, #tpu.memory_space<vmem>>
      %dma_start3A_244 = tpu.memref_squeeze %dma_start3A_243 : memref<1x128xi32, #tpu.memory_space<vmem>> -> memref<128xi32, #tpu.memory_space<vmem>>
      %dma_start3A_245 = arith.constant 0 : i32
      %dma_start3A_246 = arith.constant 0 : i32
      %dma_start3A_247 = tpu.memref_slice %arg4[%dma_start3A_245, %dma_start3A_246] : memref<1000000x32xi32, #tpu.memory_space<hbm>> -> memref<1000000x32xi32, #tpu.memory_space<hbm>>
      tpu.enqueue_indirect_dma source(%dma_start3A_247 : memref<1000000x32xi32, #tpu.memory_space<hbm>>) target(%dma_start3A_241 : memref<128x32xi32, #tpu.memory_space<vmem>>) offsets(%dma_start3A_244 : memref<128xi32, #tpu.memory_space<vmem>>) semaphore(%arg12 : memref<!tpu.dma_semaphore, #tpu.memory_space<semaphore_mem>>)
      %mul3A_248 = arith.constant 4 : i32
      %mul3A_249 = arith.muli %scan3A_151, %mul3A_248 : i32
      %add3A_250 = arith.constant 2 : i32
      %add3A_251 = arith.addi %mul3A_249, %add3A_250 : i32
      %dma_start3A_252 = arith.constant 2 : i32
      %dma_start3A_253 = arith.constant 0 : i32
      %dma_start3A_254 = arith.constant 0 : i32
      %dma_start3A_255 = tpu.memref_slice %arg10[%dma_start3A_252, %dma_start3A_253, %dma_start3A_254] : memref<4x128x32xi32, #tpu.memory_space<vmem>> -> memref<1x128x32xi32, #tpu.memory_space<vmem>>
      %dma_start3A_256 = tpu.memref_squeeze %dma_start3A_255 : memref<1x128x32xi32, #tpu.memory_space<vmem>> -> memref<128x32xi32, #tpu.memory_space<vmem>>
      %dma_start3A_257 = arith.constant 0 : i32
      %dma_start3A_258 = tpu.memref_slice %arg8[%add3A_251, %dma_start3A_257] : memref<64x128xi32, #tpu.memory_space<vmem>> -> memref<1x128xi32, #tpu.memory_space<vmem>>
      %dma_start3A_259 = tpu.memref_squeeze %dma_start3A_258 : memref<1x128xi32, #tpu.memory_space<vmem>> -> memref<128xi32, #tpu.memory_space<vmem>>
      %dma_start3A_260 = arith.constant 0 : i32
      %dma_start3A_261 = arith.constant 0 : i32
      %dma_start3A_262 = tpu.memref_slice %arg4[%dma_start3A_260, %dma_start3A_261] : memref<1000000x32xi32, #tpu.memory_space<hbm>> -> memref<1000000x32xi32, #tpu.memory_space<hbm>>
      tpu.enqueue_indirect_dma source(%dma_start3A_262 : memref<1000000x32xi32, #tpu.memory_space<hbm>>) target(%dma_start3A_256 : memref<128x32xi32, #tpu.memory_space<vmem>>) offsets(%dma_start3A_259 : memref<128xi32, #tpu.memory_space<vmem>>) semaphore(%arg12 : memref<!tpu.dma_semaphore, #tpu.memory_space<semaphore_mem>>)
      %mul3A_263 = arith.constant 4 : i32
      %mul3A_264 = arith.muli %scan3A_151, %mul3A_263 : i32
      %add3A_265 = arith.constant 3 : i32
      %add3A_266 = arith.addi %mul3A_264, %add3A_265 : i32
      %dma_start3A_267 = arith.constant 3 : i32
      %dma_start3A_268 = arith.constant 0 : i32
      %dma_start3A_269 = arith.constant 0 : i32
      %dma_start3A_270 = tpu.memref_slice %arg10[%dma_start3A_267, %dma_start3A_268, %dma_start3A_269] : memref<4x128x32xi32, #tpu.memory_space<vmem>> -> memref<1x128x32xi32, #tpu.memory_space<vmem>>
      %dma_start3A_271 = tpu.memref_squeeze %dma_start3A_270 : memref<1x128x32xi32, #tpu.memory_space<vmem>> -> memref<128x32xi32, #tpu.memory_space<vmem>>
      %dma_start3A_272 = arith.constant 0 : i32
      %dma_start3A_273 = tpu.memref_slice %arg8[%add3A_266, %dma_start3A_272] : memref<64x128xi32, #tpu.memory_space<vmem>> -> memref<1x128xi32, #tpu.memory_space<vmem>>
      %dma_start3A_274 = tpu.memref_squeeze %dma_start3A_273 : memref<1x128xi32, #tpu.memory_space<vmem>> -> memref<128xi32, #tpu.memory_space<vmem>>
      %dma_start3A_275 = arith.constant 0 : i32
      %dma_start3A_276 = arith.constant 0 : i32
      %dma_start3A_277 = tpu.memref_slice %arg4[%dma_start3A_275, %dma_start3A_276] : memref<1000000x32xi32, #tpu.memory_space<hbm>> -> memref<1000000x32xi32, #tpu.memory_space<hbm>>
      tpu.enqueue_indirect_dma source(%dma_start3A_277 : memref<1000000x32xi32, #tpu.memory_space<hbm>>) target(%dma_start3A_271 : memref<128x32xi32, #tpu.memory_space<vmem>>) offsets(%dma_start3A_274 : memref<128xi32, #tpu.memory_space<vmem>>) semaphore(%arg12 : memref<!tpu.dma_semaphore, #tpu.memory_space<semaphore_mem>>)
      %dma_wait3A_278 = arith.constant 0 : i32
      %dma_wait3A_279 = arith.constant 0 : i32
      %dma_wait3A_280 = arith.constant 0 : i32
      %dma_wait3A_281 = tpu.memref_slice %arg9[%dma_wait3A_278, %dma_wait3A_279, %dma_wait3A_280] : memref<4x128x32xi32, #tpu.memory_space<vmem>> -> memref<1x128x32xi32, #tpu.memory_space<vmem>>
      %dma_wait3A_282 = tpu.memref_squeeze %dma_wait3A_281 : memref<1x128x32xi32, #tpu.memory_space<vmem>> -> memref<128x32xi32, #tpu.memory_space<vmem>>
      %dma_wait3A_283 = arith.constant 0 : i32
      %dma_wait3A_284 = tpu.memref_slice %arg7[%add3A_157, %dma_wait3A_283] : memref<64x128xi32, #tpu.memory_space<vmem>> -> memref<1x128xi32, #tpu.memory_space<vmem>>
      %dma_wait3A_285 = tpu.memref_squeeze %dma_wait3A_284 : memref<1x128xi32, #tpu.memory_space<vmem>> -> memref<128xi32, #tpu.memory_space<vmem>>
      %dma_wait3A_286 = arith.constant 0 : i32
      %dma_wait3A_287 = arith.constant 0 : i32
      %dma_wait3A_288 = tpu.memref_slice %arg4[%dma_wait3A_286, %dma_wait3A_287] : memref<1000000x32xi32, #tpu.memory_space<hbm>> -> memref<1000000x32xi32, #tpu.memory_space<hbm>>
      tpu.wait_indirect_dma semaphore(%arg11 : memref<!tpu.dma_semaphore, #tpu.memory_space<semaphore_mem>>) src(%dma_wait3A_288 : memref<1000000x32xi32, #tpu.memory_space<hbm>>) dst(%dma_wait3A_282 : memref<128x32xi32, #tpu.memory_space<vmem>>)
      %mul3A_289 = arith.constant 4 : i32
      %mul3A_290 = arith.muli %scan3A_151, %mul3A_289 : i32
      %add3A_291 = arith.addi %mul3A_2, %mul3A_290 : i32
      %add3A_292 = arith.constant 0 : i32
      %add3A_293 = arith.addi %add3A_291, %add3A_292 : i32
      %dma_start3A_294 = arith.constant 0 : i32
      %dma_start3A_295 = arith.constant 0 : i32
      %dma_start3A_296 = arith.constant 0 : i32
      %dma_start3A_297 = tpu.memref_slice %arg9[%dma_start3A_294, %dma_start3A_295, %dma_start3A_296] : memref<4x128x32xi32, #tpu.memory_space<vmem>> -> memref<1x128x32xi32, #tpu.memory_space<vmem>>
      %dma_start3A_298 = tpu.memref_squeeze %dma_start3A_297 : memref<1x128x32xi32, #tpu.memory_space<vmem>> -> memref<128x32xi32, #tpu.memory_space<vmem>>
      %dma_start3A_299 = arith.constant 0 : i32
      %dma_start3A_300 = arith.constant 0 : i32
      %dma_start3A_301 = tpu.memref_slice %arg5[%add3A_293, %dma_start3A_299, %dma_start3A_300] : memref<2048x128x32xi32, #tpu.memory_space<hbm>> -> memref<1x128x32xi32, #tpu.memory_space<hbm>>
      %dma_start3A_302 = tpu.memref_squeeze %dma_start3A_301 : memref<1x128x32xi32, #tpu.memory_space<hbm>> -> memref<128x32xi32, #tpu.memory_space<hbm>>
      %dma_start3A_303 = arith.constant 0 : i32
      %dma_start3A_304 = arith.constant 0 : i32
      %dma_start3A_305 = tpu.memref_slice %arg5[%add3A_293, %dma_start3A_303, %dma_start3A_304] : memref<2048x128x32xi32, #tpu.memory_space<hbm>> -> memref<1x128x32xi32, #tpu.memory_space<hbm>>
      %dma_start3A_306 = tpu.memref_squeeze %dma_start3A_305 : memref<1x128x32xi32, #tpu.memory_space<hbm>> -> memref<128x32xi32, #tpu.memory_space<hbm>>
      %dma_start3A_307 = arith.constant 0 : i32
      %dma_start3A_308 = arith.constant 0 : i32
      %dma_start3A_309 = tpu.memref_slice %arg9[%dma_start3A_294, %dma_start3A_307, %dma_start3A_308] : memref<4x128x32xi32, #tpu.memory_space<vmem>> -> memref<1x128x32xi32, #tpu.memory_space<vmem>>
      %dma_start3A_310 = tpu.memref_squeeze %dma_start3A_309 : memref<1x128x32xi32, #tpu.memory_space<vmem>> -> memref<128x32xi32, #tpu.memory_space<vmem>>
      tpu.enqueue_dma source(%dma_start3A_310 : memref<128x32xi32, #tpu.memory_space<vmem>>) target(%dma_start3A_306 : memref<128x32xi32, #tpu.memory_space<hbm>>) target_semaphore(%arg13 : memref<!tpu.dma_semaphore, #tpu.memory_space<semaphore_mem>>)
      %dma_wait3A_311 = arith.constant 1 : i32
      %dma_wait3A_312 = arith.constant 0 : i32
      %dma_wait3A_313 = arith.constant 0 : i32
      %dma_wait3A_314 = tpu.memref_slice %arg9[%dma_wait3A_311, %dma_wait3A_312, %dma_wait3A_313] : memref<4x128x32xi32, #tpu.memory_space<vmem>> -> memref<1x128x32xi32, #tpu.memory_space<vmem>>
      %dma_wait3A_315 = tpu.memref_squeeze %dma_wait3A_314 : memref<1x128x32xi32, #tpu.memory_space<vmem>> -> memref<128x32xi32, #tpu.memory_space<vmem>>
      %dma_wait3A_316 = arith.constant 0 : i32
      %dma_wait3A_317 = tpu.memref_slice %arg7[%add3A_171, %dma_wait3A_316] : memref<64x128xi32, #tpu.memory_space<vmem>> -> memref<1x128xi32, #tpu.memory_space<vmem>>
      %dma_wait3A_318 = tpu.memref_squeeze %dma_wait3A_317 : memref<1x128xi32, #tpu.memory_space<vmem>> -> memref<128xi32, #tpu.memory_space<vmem>>
      %dma_wait3A_319 = arith.constant 0 : i32
      %dma_wait3A_320 = arith.constant 0 : i32
      %dma_wait3A_321 = tpu.memref_slice %arg4[%dma_wait3A_319, %dma_wait3A_320] : memref<1000000x32xi32, #tpu.memory_space<hbm>> -> memref<1000000x32xi32, #tpu.memory_space<hbm>>
      tpu.wait_indirect_dma semaphore(%arg11 : memref<!tpu.dma_semaphore, #tpu.memory_space<semaphore_mem>>) src(%dma_wait3A_321 : memref<1000000x32xi32, #tpu.memory_space<hbm>>) dst(%dma_wait3A_315 : memref<128x32xi32, #tpu.memory_space<vmem>>)
      %mul3A_322 = arith.constant 4 : i32
      %mul3A_323 = arith.muli %scan3A_151, %mul3A_322 : i32
      %add3A_324 = arith.addi %mul3A_2, %mul3A_323 : i32
      %add3A_325 = arith.constant 1 : i32
      %add3A_326 = arith.addi %add3A_324, %add3A_325 : i32
      %dma_start3A_327 = arith.constant 1 : i32
      %dma_start3A_328 = arith.constant 0 : i32
      %dma_start3A_329 = arith.constant 0 : i32
      %dma_start3A_330 = tpu.memref_slice %arg9[%dma_start3A_327, %dma_start3A_328, %dma_start3A_329] : memref<4x128x32xi32, #tpu.memory_space<vmem>> -> memref<1x128x32xi32, #tpu.memory_space<vmem>>
      %dma_start3A_331 = tpu.memref_squeeze %dma_start3A_330 : memref<1x128x32xi32, #tpu.memory_space<vmem>> -> memref<128x32xi32, #tpu.memory_space<vmem>>
      %dma_start3A_332 = arith.constant 0 : i32
      %dma_start3A_333 = arith.constant 0 : i32
      %dma_start3A_334 = tpu.memref_slice %arg5[%add3A_326, %dma_start3A_332, %dma_start3A_333] : memref<2048x128x32xi32, #tpu.memory_space<hbm>> -> memref<1x128x32xi32, #tpu.memory_space<hbm>>
      %dma_start3A_335 = tpu.memref_squeeze %dma_start3A_334 : memref<1x128x32xi32, #tpu.memory_space<hbm>> -> memref<128x32xi32, #tpu.memory_space<hbm>>
      %dma_start3A_336 = arith.constant 0 : i32
      %dma_start3A_337 = arith.constant 0 : i32
      %dma_start3A_338 = tpu.memref_slice %arg5[%add3A_326, %dma_start3A_336, %dma_start3A_337] : memref<2048x128x32xi32, #tpu.memory_space<hbm>> -> memref<1x128x32xi32, #tpu.memory_space<hbm>>
      %dma_start3A_339 = tpu.memref_squeeze %dma_start3A_338 : memref<1x128x32xi32, #tpu.memory_space<hbm>> -> memref<128x32xi32, #tpu.memory_space<hbm>>
      %dma_start3A_340 = arith.constant 0 : i32
      %dma_start3A_341 = arith.constant 0 : i32
      %dma_start3A_342 = tpu.memref_slice %arg9[%dma_start3A_327, %dma_start3A_340, %dma_start3A_341] : memref<4x128x32xi32, #tpu.memory_space<vmem>> -> memref<1x128x32xi32, #tpu.memory_space<vmem>>
      %dma_start3A_343 = tpu.memref_squeeze %dma_start3A_342 : memref<1x128x32xi32, #tpu.memory_space<vmem>> -> memref<128x32xi32, #tpu.memory_space<vmem>>
      tpu.enqueue_dma source(%dma_start3A_343 : memref<128x32xi32, #tpu.memory_space<vmem>>) target(%dma_start3A_339 : memref<128x32xi32, #tpu.memory_space<hbm>>) target_semaphore(%arg13 : memref<!tpu.dma_semaphore, #tpu.memory_space<semaphore_mem>>)
      %dma_wait3A_344 = arith.constant 2 : i32
      %dma_wait3A_345 = arith.constant 0 : i32
      %dma_wait3A_346 = arith.constant 0 : i32
      %dma_wait3A_347 = tpu.memref_slice %arg9[%dma_wait3A_344, %dma_wait3A_345, %dma_wait3A_346] : memref<4x128x32xi32, #tpu.memory_space<vmem>> -> memref<1x128x32xi32, #tpu.memory_space<vmem>>
      %dma_wait3A_348 = tpu.memref_squeeze %dma_wait3A_347 : memref<1x128x32xi32, #tpu.memory_space<vmem>> -> memref<128x32xi32, #tpu.memory_space<vmem>>
      %dma_wait3A_349 = arith.constant 0 : i32
      %dma_wait3A_350 = tpu.memref_slice %arg7[%add3A_186, %dma_wait3A_349] : memref<64x128xi32, #tpu.memory_space<vmem>> -> memref<1x128xi32, #tpu.memory_space<vmem>>
      %dma_wait3A_351 = tpu.memref_squeeze %dma_wait3A_350 : memref<1x128xi32, #tpu.memory_space<vmem>> -> memref<128xi32, #tpu.memory_space<vmem>>
      %dma_wait3A_352 = arith.constant 0 : i32
      %dma_wait3A_353 = arith.constant 0 : i32
      %dma_wait3A_354 = tpu.memref_slice %arg4[%dma_wait3A_352, %dma_wait3A_353] : memref<1000000x32xi32, #tpu.memory_space<hbm>> -> memref<1000000x32xi32, #tpu.memory_space<hbm>>
      tpu.wait_indirect_dma semaphore(%arg11 : memref<!tpu.dma_semaphore, #tpu.memory_space<semaphore_mem>>) src(%dma_wait3A_354 : memref<1000000x32xi32, #tpu.memory_space<hbm>>) dst(%dma_wait3A_348 : memref<128x32xi32, #tpu.memory_space<vmem>>)
      %mul3A_355 = arith.constant 4 : i32
      %mul3A_356 = arith.muli %scan3A_151, %mul3A_355 : i32
      %add3A_357 = arith.addi %mul3A_2, %mul3A_356 : i32
      %add3A_358 = arith.constant 2 : i32
      %add3A_359 = arith.addi %add3A_357, %add3A_358 : i32
      %dma_start3A_360 = arith.constant 2 : i32
      %dma_start3A_361 = arith.constant 0 : i32
      %dma_start3A_362 = arith.constant 0 : i32
      %dma_start3A_363 = tpu.memref_slice %arg9[%dma_start3A_360, %dma_start3A_361, %dma_start3A_362] : memref<4x128x32xi32, #tpu.memory_space<vmem>> -> memref<1x128x32xi32, #tpu.memory_space<vmem>>
      %dma_start3A_364 = tpu.memref_squeeze %dma_start3A_363 : memref<1x128x32xi32, #tpu.memory_space<vmem>> -> memref<128x32xi32, #tpu.memory_space<vmem>>
      %dma_start3A_365 = arith.constant 0 : i32
      %dma_start3A_366 = arith.constant 0 : i32
      %dma_start3A_367 = tpu.memref_slice %arg5[%add3A_359, %dma_start3A_365, %dma_start3A_366] : memref<2048x128x32xi32, #tpu.memory_space<hbm>> -> memref<1x128x32xi32, #tpu.memory_space<hbm>>
      %dma_start3A_368 = tpu.memref_squeeze %dma_start3A_367 : memref<1x128x32xi32, #tpu.memory_space<hbm>> -> memref<128x32xi32, #tpu.memory_space<hbm>>
      %dma_start3A_369 = arith.constant 0 : i32
      %dma_start3A_370 = arith.constant 0 : i32
      %dma_start3A_371 = tpu.memref_slice %arg5[%add3A_359, %dma_start3A_369, %dma_start3A_370] : memref<2048x128x32xi32, #tpu.memory_space<hbm>> -> memref<1x128x32xi32, #tpu.memory_space<hbm>>
      %dma_start3A_372 = tpu.memref_squeeze %dma_start3A_371 : memref<1x128x32xi32, #tpu.memory_space<hbm>> -> memref<128x32xi32, #tpu.memory_space<hbm>>
      %dma_start3A_373 = arith.constant 0 : i32
      %dma_start3A_374 = arith.constant 0 : i32
      %dma_start3A_375 = tpu.memref_slice %arg9[%dma_start3A_360, %dma_start3A_373, %dma_start3A_374] : memref<4x128x32xi32, #tpu.memory_space<vmem>> -> memref<1x128x32xi32, #tpu.memory_space<vmem>>
      %dma_start3A_376 = tpu.memref_squeeze %dma_start3A_375 : memref<1x128x32xi32, #tpu.memory_space<vmem>> -> memref<128x32xi32, #tpu.memory_space<vmem>>
      tpu.enqueue_dma source(%dma_start3A_376 : memref<128x32xi32, #tpu.memory_space<vmem>>) target(%dma_start3A_372 : memref<128x32xi32, #tpu.memory_space<hbm>>) target_semaphore(%arg13 : memref<!tpu.dma_semaphore, #tpu.memory_space<semaphore_mem>>)
      %dma_wait3A_377 = arith.constant 3 : i32
      %dma_wait3A_378 = arith.constant 0 : i32
      %dma_wait3A_379 = arith.constant 0 : i32
      %dma_wait3A_380 = tpu.memref_slice %arg9[%dma_wait3A_377, %dma_wait3A_378, %dma_wait3A_379] : memref<4x128x32xi32, #tpu.memory_space<vmem>> -> memref<1x128x32xi32, #tpu.memory_space<vmem>>
      %dma_wait3A_381 = tpu.memref_squeeze %dma_wait3A_380 : memref<1x128x32xi32, #tpu.memory_space<vmem>> -> memref<128x32xi32, #tpu.memory_space<vmem>>
      %dma_wait3A_382 = arith.constant 0 : i32
      %dma_wait3A_383 = tpu.memref_slice %arg7[%add3A_201, %dma_wait3A_382] : memref<64x128xi32, #tpu.memory_space<vmem>> -> memref<1x128xi32, #tpu.memory_space<vmem>>
      %dma_wait3A_384 = tpu.memref_squeeze %dma_wait3A_383 : memref<1x128xi32, #tpu.memory_space<vmem>> -> memref<128xi32, #tpu.memory_space<vmem>>
      %dma_wait3A_385 = arith.constant 0 : i32
      %dma_wait3A_386 = arith.constant 0 : i32
      %dma_wait3A_387 = tpu.memref_slice %arg4[%dma_wait3A_385, %dma_wait3A_386] : memref<1000000x32xi32, #tpu.memory_space<hbm>> -> memref<1000000x32xi32, #tpu.memory_space<hbm>>
      tpu.wait_indirect_dma semaphore(%arg11 : memref<!tpu.dma_semaphore, #tpu.memory_space<semaphore_mem>>) src(%dma_wait3A_387 : memref<1000000x32xi32, #tpu.memory_space<hbm>>) dst(%dma_wait3A_381 : memref<128x32xi32, #tpu.memory_space<vmem>>)
      %mul3A_388 = arith.constant 4 : i32
      %mul3A_389 = arith.muli %scan3A_151, %mul3A_388 : i32
      %add3A_390 = arith.addi %mul3A_2, %mul3A_389 : i32
      %add3A_391 = arith.constant 3 : i32
      %add3A_392 = arith.addi %add3A_390, %add3A_391 : i32
      %dma_start3A_393 = arith.constant 3 : i32
      %dma_start3A_394 = arith.constant 0 : i32
      %dma_start3A_395 = arith.constant 0 : i32
      %dma_start3A_396 = tpu.memref_slice %arg9[%dma_start3A_393, %dma_start3A_394, %dma_start3A_395] : memref<4x128x32xi32, #tpu.memory_space<vmem>> -> memref<1x128x32xi32, #tpu.memory_space<vmem>>
      %dma_start3A_397 = tpu.memref_squeeze %dma_start3A_396 : memref<1x128x32xi32, #tpu.memory_space<vmem>> -> memref<128x32xi32, #tpu.memory_space<vmem>>
      %dma_start3A_398 = arith.constant 0 : i32
      %dma_start3A_399 = arith.constant 0 : i32
      %dma_start3A_400 = tpu.memref_slice %arg5[%add3A_392, %dma_start3A_398, %dma_start3A_399] : memref<2048x128x32xi32, #tpu.memory_space<hbm>> -> memref<1x128x32xi32, #tpu.memory_space<hbm>>
      %dma_start3A_401 = tpu.memref_squeeze %dma_start3A_400 : memref<1x128x32xi32, #tpu.memory_space<hbm>> -> memref<128x32xi32, #tpu.memory_space<hbm>>
      %dma_start3A_402 = arith.constant 0 : i32
      %dma_start3A_403 = arith.constant 0 : i32
      %dma_start3A_404 = tpu.memref_slice %arg5[%add3A_392, %dma_start3A_402, %dma_start3A_403] : memref<2048x128x32xi32, #tpu.memory_space<hbm>> -> memref<1x128x32xi32, #tpu.memory_space<hbm>>
      %dma_start3A_405 = tpu.memref_squeeze %dma_start3A_404 : memref<1x128x32xi32, #tpu.memory_space<hbm>> -> memref<128x32xi32, #tpu.memory_space<hbm>>
      %dma_start3A_406 = arith.constant 0 : i32
      %dma_start3A_407 = arith.constant 0 : i32
      %dma_start3A_408 = tpu.memref_slice %arg9[%dma_start3A_393, %dma_start3A_406, %dma_start3A_407] : memref<4x128x32xi32, #tpu.memory_space<vmem>> -> memref<1x128x32xi32, #tpu.memory_space<vmem>>
      %dma_start3A_409 = tpu.memref_squeeze %dma_start3A_408 : memref<1x128x32xi32, #tpu.memory_space<vmem>> -> memref<128x32xi32, #tpu.memory_space<vmem>>
      tpu.enqueue_dma source(%dma_start3A_409 : memref<128x32xi32, #tpu.memory_space<vmem>>) target(%dma_start3A_405 : memref<128x32xi32, #tpu.memory_space<hbm>>) target_semaphore(%arg13 : memref<!tpu.dma_semaphore, #tpu.memory_space<semaphore_mem>>)
      %dma_wait3A_410 = arith.constant 0 : i32
      %dma_wait3A_411 = arith.constant 0 : i32
      %dma_wait3A_412 = arith.constant 0 : i32
      %dma_wait3A_413 = tpu.memref_slice %arg10[%dma_wait3A_410, %dma_wait3A_411, %dma_wait3A_412] : memref<4x128x32xi32, #tpu.memory_space<vmem>> -> memref<1x128x32xi32, #tpu.memory_space<vmem>>
      %dma_wait3A_414 = tpu.memref_squeeze %dma_wait3A_413 : memref<1x128x32xi32, #tpu.memory_space<vmem>> -> memref<128x32xi32, #tpu.memory_space<vmem>>
      %dma_wait3A_415 = arith.constant 0 : i32
      %dma_wait3A_416 = tpu.memref_slice %arg8[%add3A_221, %dma_wait3A_415] : memref<64x128xi32, #tpu.memory_space<vmem>> -> memref<1x128xi32, #tpu.memory_space<vmem>>
      %dma_wait3A_417 = tpu.memref_squeeze %dma_wait3A_416 : memref<1x128xi32, #tpu.memory_space<vmem>> -> memref<128xi32, #tpu.memory_space<vmem>>
      %dma_wait3A_418 = arith.constant 0 : i32
      %dma_wait3A_419 = arith.constant 0 : i32
      %dma_wait3A_420 = tpu.memref_slice %arg4[%dma_wait3A_418, %dma_wait3A_419] : memref<1000000x32xi32, #tpu.memory_space<hbm>> -> memref<1000000x32xi32, #tpu.memory_space<hbm>>
      tpu.wait_indirect_dma semaphore(%arg12 : memref<!tpu.dma_semaphore, #tpu.memory_space<semaphore_mem>>) src(%dma_wait3A_420 : memref<1000000x32xi32, #tpu.memory_space<hbm>>) dst(%dma_wait3A_414 : memref<128x32xi32, #tpu.memory_space<vmem>>)
      %mul3A_421 = arith.constant 4 : i32
      %mul3A_422 = arith.muli %scan3A_151, %mul3A_421 : i32
      %add3A_423 = arith.addi %mul3A_2, %mul3A_422 : i32
      %add3A_424 = arith.constant 0 : i32
      %add3A_425 = arith.addi %add3A_423, %add3A_424 : i32
      %dma_start3A_426 = arith.constant 0 : i32
      %dma_start3A_427 = arith.constant 0 : i32
      %dma_start3A_428 = arith.constant 0 : i32
      %dma_start3A_429 = tpu.memref_slice %arg10[%dma_start3A_426, %dma_start3A_427, %dma_start3A_428] : memref<4x128x32xi32, #tpu.memory_space<vmem>> -> memref<1x128x32xi32, #tpu.memory_space<vmem>>
      %dma_start3A_430 = tpu.memref_squeeze %dma_start3A_429 : memref<1x128x32xi32, #tpu.memory_space<vmem>> -> memref<128x32xi32, #tpu.memory_space<vmem>>
      %dma_start3A_431 = arith.constant 0 : i32
      %dma_start3A_432 = arith.constant 0 : i32
      %dma_start3A_433 = tpu.memref_slice %arg6[%add3A_425, %dma_start3A_431, %dma_start3A_432] : memref<2048x128x32xi32, #tpu.memory_space<hbm>> -> memref<1x128x32xi32, #tpu.memory_space<hbm>>
      %dma_start3A_434 = tpu.memref_squeeze %dma_start3A_433 : memref<1x128x32xi32, #tpu.memory_space<hbm>> -> memref<128x32xi32, #tpu.memory_space<hbm>>
      %dma_start3A_435 = arith.constant 0 : i32
      %dma_start3A_436 = arith.constant 0 : i32
      %dma_start3A_437 = tpu.memref_slice %arg6[%add3A_425, %dma_start3A_435, %dma_start3A_436] : memref<2048x128x32xi32, #tpu.memory_space<hbm>> -> memref<1x128x32xi32, #tpu.memory_space<hbm>>
      %dma_start3A_438 = tpu.memref_squeeze %dma_start3A_437 : memref<1x128x32xi32, #tpu.memory_space<hbm>> -> memref<128x32xi32, #tpu.memory_space<hbm>>
      %dma_start3A_439 = arith.constant 0 : i32
      %dma_start3A_440 = arith.constant 0 : i32
      %dma_start3A_441 = tpu.memref_slice %arg10[%dma_start3A_426, %dma_start3A_439, %dma_start3A_440] : memref<4x128x32xi32, #tpu.memory_space<vmem>> -> memref<1x128x32xi32, #tpu.memory_space<vmem>>
      %dma_start3A_442 = tpu.memref_squeeze %dma_start3A_441 : memref<1x128x32xi32, #tpu.memory_space<vmem>> -> memref<128x32xi32, #tpu.memory_space<vmem>>
      tpu.enqueue_dma source(%dma_start3A_442 : memref<128x32xi32, #tpu.memory_space<vmem>>) target(%dma_start3A_438 : memref<128x32xi32, #tpu.memory_space<hbm>>) target_semaphore(%arg14 : memref<!tpu.dma_semaphore, #tpu.memory_space<semaphore_mem>>)
      %dma_wait3A_443 = arith.constant 1 : i32
      %dma_wait3A_444 = arith.constant 0 : i32
      %dma_wait3A_445 = arith.constant 0 : i32
      %dma_wait3A_446 = tpu.memref_slice %arg10[%dma_wait3A_443, %dma_wait3A_444, %dma_wait3A_445] : memref<4x128x32xi32, #tpu.memory_space<vmem>> -> memref<1x128x32xi32, #tpu.memory_space<vmem>>
      %dma_wait3A_447 = tpu.memref_squeeze %dma_wait3A_446 : memref<1x128x32xi32, #tpu.memory_space<vmem>> -> memref<128x32xi32, #tpu.memory_space<vmem>>
      %dma_wait3A_448 = arith.constant 0 : i32
      %dma_wait3A_449 = tpu.memref_slice %arg8[%add3A_236, %dma_wait3A_448] : memref<64x128xi32, #tpu.memory_space<vmem>> -> memref<1x128xi32, #tpu.memory_space<vmem>>
      %dma_wait3A_450 = tpu.memref_squeeze %dma_wait3A_449 : memref<1x128xi32, #tpu.memory_space<vmem>> -> memref<128xi32, #tpu.memory_space<vmem>>
      %dma_wait3A_451 = arith.constant 0 : i32
      %dma_wait3A_452 = arith.constant 0 : i32
      %dma_wait3A_453 = tpu.memref_slice %arg4[%dma_wait3A_451, %dma_wait3A_452] : memref<1000000x32xi32, #tpu.memory_space<hbm>> -> memref<1000000x32xi32, #tpu.memory_space<hbm>>
      tpu.wait_indirect_dma semaphore(%arg12 : memref<!tpu.dma_semaphore, #tpu.memory_space<semaphore_mem>>) src(%dma_wait3A_453 : memref<1000000x32xi32, #tpu.memory_space<hbm>>) dst(%dma_wait3A_447 : memref<128x32xi32, #tpu.memory_space<vmem>>)
      %mul3A_454 = arith.constant 4 : i32
      %mul3A_455 = arith.muli %scan3A_151, %mul3A_454 : i32
      %add3A_456 = arith.addi %mul3A_2, %mul3A_455 : i32
      %add3A_457 = arith.constant 1 : i32
      %add3A_458 = arith.addi %add3A_456, %add3A_457 : i32
      %dma_start3A_459 = arith.constant 1 : i32
      %dma_start3A_460 = arith.constant 0 : i32
      %dma_start3A_461 = arith.constant 0 : i32
      %dma_start3A_462 = tpu.memref_slice %arg10[%dma_start3A_459, %dma_start3A_460, %dma_start3A_461] : memref<4x128x32xi32, #tpu.memory_space<vmem>> -> memref<1x128x32xi32, #tpu.memory_space<vmem>>
      %dma_start3A_463 = tpu.memref_squeeze %dma_start3A_462 : memref<1x128x32xi32, #tpu.memory_space<vmem>> -> memref<128x32xi32, #tpu.memory_space<vmem>>
      %dma_start3A_464 = arith.constant 0 : i32
      %dma_start3A_465 = arith.constant 0 : i32
      %dma_start3A_466 = tpu.memref_slice %arg6[%add3A_458, %dma_start3A_464, %dma_start3A_465] : memref<2048x128x32xi32, #tpu.memory_space<hbm>> -> memref<1x128x32xi32, #tpu.memory_space<hbm>>
      %dma_start3A_467 = tpu.memref_squeeze %dma_start3A_466 : memref<1x128x32xi32, #tpu.memory_space<hbm>> -> memref<128x32xi32, #tpu.memory_space<hbm>>
      %dma_start3A_468 = arith.constant 0 : i32
      %dma_start3A_469 = arith.constant 0 : i32
      %dma_start3A_470 = tpu.memref_slice %arg6[%add3A_458, %dma_start3A_468, %dma_start3A_469] : memref<2048x128x32xi32, #tpu.memory_space<hbm>> -> memref<1x128x32xi32, #tpu.memory_space<hbm>>
      %dma_start3A_471 = tpu.memref_squeeze %dma_start3A_470 : memref<1x128x32xi32, #tpu.memory_space<hbm>> -> memref<128x32xi32, #tpu.memory_space<hbm>>
      %dma_start3A_472 = arith.constant 0 : i32
      %dma_start3A_473 = arith.constant 0 : i32
      %dma_start3A_474 = tpu.memref_slice %arg10[%dma_start3A_459, %dma_start3A_472, %dma_start3A_473] : memref<4x128x32xi32, #tpu.memory_space<vmem>> -> memref<1x128x32xi32, #tpu.memory_space<vmem>>
      %dma_start3A_475 = tpu.memref_squeeze %dma_start3A_474 : memref<1x128x32xi32, #tpu.memory_space<vmem>> -> memref<128x32xi32, #tpu.memory_space<vmem>>
      tpu.enqueue_dma source(%dma_start3A_475 : memref<128x32xi32, #tpu.memory_space<vmem>>) target(%dma_start3A_471 : memref<128x32xi32, #tpu.memory_space<hbm>>) target_semaphore(%arg14 : memref<!tpu.dma_semaphore, #tpu.memory_space<semaphore_mem>>)
      %dma_wait3A_476 = arith.constant 2 : i32
      %dma_wait3A_477 = arith.constant 0 : i32
      %dma_wait3A_478 = arith.constant 0 : i32
      %dma_wait3A_479 = tpu.memref_slice %arg10[%dma_wait3A_476, %dma_wait3A_477, %dma_wait3A_478] : memref<4x128x32xi32, #tpu.memory_space<vmem>> -> memref<1x128x32xi32, #tpu.memory_space<vmem>>
      %dma_wait3A_480 = tpu.memref_squeeze %dma_wait3A_479 : memref<1x128x32xi32, #tpu.memory_space<vmem>> -> memref<128x32xi32, #tpu.memory_space<vmem>>
      %dma_wait3A_481 = arith.constant 0 : i32
      %dma_wait3A_482 = tpu.memref_slice %arg8[%add3A_251, %dma_wait3A_481] : memref<64x128xi32, #tpu.memory_space<vmem>> -> memref<1x128xi32, #tpu.memory_space<vmem>>
      %dma_wait3A_483 = tpu.memref_squeeze %dma_wait3A_482 : memref<1x128xi32, #tpu.memory_space<vmem>> -> memref<128xi32, #tpu.memory_space<vmem>>
      %dma_wait3A_484 = arith.constant 0 : i32
      %dma_wait3A_485 = arith.constant 0 : i32
      %dma_wait3A_486 = tpu.memref_slice %arg4[%dma_wait3A_484, %dma_wait3A_485] : memref<1000000x32xi32, #tpu.memory_space<hbm>> -> memref<1000000x32xi32, #tpu.memory_space<hbm>>
      tpu.wait_indirect_dma semaphore(%arg12 : memref<!tpu.dma_semaphore, #tpu.memory_space<semaphore_mem>>) src(%dma_wait3A_486 : memref<1000000x32xi32, #tpu.memory_space<hbm>>) dst(%dma_wait3A_480 : memref<128x32xi32, #tpu.memory_space<vmem>>)
      %mul3A_487 = arith.constant 4 : i32
      %mul3A_488 = arith.muli %scan3A_151, %mul3A_487 : i32
      %add3A_489 = arith.addi %mul3A_2, %mul3A_488 : i32
      %add3A_490 = arith.constant 2 : i32
      %add3A_491 = arith.addi %add3A_489, %add3A_490 : i32
      %dma_start3A_492 = arith.constant 2 : i32
      %dma_start3A_493 = arith.constant 0 : i32
      %dma_start3A_494 = arith.constant 0 : i32
      %dma_start3A_495 = tpu.memref_slice %arg10[%dma_start3A_492, %dma_start3A_493, %dma_start3A_494] : memref<4x128x32xi32, #tpu.memory_space<vmem>> -> memref<1x128x32xi32, #tpu.memory_space<vmem>>
      %dma_start3A_496 = tpu.memref_squeeze %dma_start3A_495 : memref<1x128x32xi32, #tpu.memory_space<vmem>> -> memref<128x32xi32, #tpu.memory_space<vmem>>
      %dma_start3A_497 = arith.constant 0 : i32
      %dma_start3A_498 = arith.constant 0 : i32
      %dma_start3A_499 = tpu.memref_slice %arg6[%add3A_491, %dma_start3A_497, %dma_start3A_498] : memref<2048x128x32xi32, #tpu.memory_space<hbm>> -> memref<1x128x32xi32, #tpu.memory_space<hbm>>
      %dma_start3A_500 = tpu.memref_squeeze %dma_start3A_499 : memref<1x128x32xi32, #tpu.memory_space<hbm>> -> memref<128x32xi32, #tpu.memory_space<hbm>>
      %dma_start3A_501 = arith.constant 0 : i32
      %dma_start3A_502 = arith.constant 0 : i32
      %dma_start3A_503 = tpu.memref_slice %arg6[%add3A_491, %dma_start3A_501, %dma_start3A_502] : memref<2048x128x32xi32, #tpu.memory_space<hbm>> -> memref<1x128x32xi32, #tpu.memory_space<hbm>>
      %dma_start3A_504 = tpu.memref_squeeze %dma_start3A_503 : memref<1x128x32xi32, #tpu.memory_space<hbm>> -> memref<128x32xi32, #tpu.memory_space<hbm>>
      %dma_start3A_505 = arith.constant 0 : i32
      %dma_start3A_506 = arith.constant 0 : i32
      %dma_start3A_507 = tpu.memref_slice %arg10[%dma_start3A_492, %dma_start3A_505, %dma_start3A_506] : memref<4x128x32xi32, #tpu.memory_space<vmem>> -> memref<1x128x32xi32, #tpu.memory_space<vmem>>
      %dma_start3A_508 = tpu.memref_squeeze %dma_start3A_507 : memref<1x128x32xi32, #tpu.memory_space<vmem>> -> memref<128x32xi32, #tpu.memory_space<vmem>>
      tpu.enqueue_dma source(%dma_start3A_508 : memref<128x32xi32, #tpu.memory_space<vmem>>) target(%dma_start3A_504 : memref<128x32xi32, #tpu.memory_space<hbm>>) target_semaphore(%arg14 : memref<!tpu.dma_semaphore, #tpu.memory_space<semaphore_mem>>)
      %dma_wait3A_509 = arith.constant 3 : i32
      %dma_wait3A_510 = arith.constant 0 : i32
      %dma_wait3A_511 = arith.constant 0 : i32
      %dma_wait3A_512 = tpu.memref_slice %arg10[%dma_wait3A_509, %dma_wait3A_510, %dma_wait3A_511] : memref<4x128x32xi32, #tpu.memory_space<vmem>> -> memref<1x128x32xi32, #tpu.memory_space<vmem>>
      %dma_wait3A_513 = tpu.memref_squeeze %dma_wait3A_512 : memref<1x128x32xi32, #tpu.memory_space<vmem>> -> memref<128x32xi32, #tpu.memory_space<vmem>>
      %dma_wait3A_514 = arith.constant 0 : i32
      %dma_wait3A_515 = tpu.memref_slice %arg8[%add3A_266, %dma_wait3A_514] : memref<64x128xi32, #tpu.memory_space<vmem>> -> memref<1x128xi32, #tpu.memory_space<vmem>>
      %dma_wait3A_516 = tpu.memref_squeeze %dma_wait3A_515 : memref<1x128xi32, #tpu.memory_space<vmem>> -> memref<128xi32, #tpu.memory_space<vmem>>
      %dma_wait3A_517 = arith.constant 0 : i32
      %dma_wait3A_518 = arith.constant 0 : i32
      %dma_wait3A_519 = tpu.memref_slice %arg4[%dma_wait3A_517, %dma_wait3A_518] : memref<1000000x32xi32, #tpu.memory_space<hbm>> -> memref<1000000x32xi32, #tpu.memory_space<hbm>>
      tpu.wait_indirect_dma semaphore(%arg12 : memref<!tpu.dma_semaphore, #tpu.memory_space<semaphore_mem>>) src(%dma_wait3A_519 : memref<1000000x32xi32, #tpu.memory_space<hbm>>) dst(%dma_wait3A_513 : memref<128x32xi32, #tpu.memory_space<vmem>>)
      %mul3A_520 = arith.constant 4 : i32
      %mul3A_521 = arith.muli %scan3A_151, %mul3A_520 : i32
      %add3A_522 = arith.addi %mul3A_2, %mul3A_521 : i32
      %add3A_523 = arith.constant 3 : i32
      %add3A_524 = arith.addi %add3A_522, %add3A_523 : i32
      %dma_start3A_525 = arith.constant 3 : i32
      %dma_start3A_526 = arith.constant 0 : i32
      %dma_start3A_527 = arith.constant 0 : i32
      %dma_start3A_528 = tpu.memref_slice %arg10[%dma_start3A_525, %dma_start3A_526, %dma_start3A_527] : memref<4x128x32xi32, #tpu.memory_space<vmem>> -> memref<1x128x32xi32, #tpu.memory_space<vmem>>
      %dma_start3A_529 = tpu.memref_squeeze %dma_start3A_528 : memref<1x128x32xi32, #tpu.memory_space<vmem>> -> memref<128x32xi32, #tpu.memory_space<vmem>>
      %dma_start3A_530 = arith.constant 0 : i32
      %dma_start3A_531 = arith.constant 0 : i32
      %dma_start3A_532 = tpu.memref_slice %arg6[%add3A_524, %dma_start3A_530, %dma_start3A_531] : memref<2048x128x32xi32, #tpu.memory_space<hbm>> -> memref<1x128x32xi32, #tpu.memory_space<hbm>>
      %dma_start3A_533 = tpu.memref_squeeze %dma_start3A_532 : memref<1x128x32xi32, #tpu.memory_space<hbm>> -> memref<128x32xi32, #tpu.memory_space<hbm>>
      %dma_start3A_534 = arith.constant 0 : i32
      %dma_start3A_535 = arith.constant 0 : i32
      %dma_start3A_536 = tpu.memref_slice %arg6[%add3A_524, %dma_start3A_534, %dma_start3A_535] : memref<2048x128x32xi32, #tpu.memory_space<hbm>> -> memref<1x128x32xi32, #tpu.memory_space<hbm>>
      %dma_start3A_537 = tpu.memref_squeeze %dma_start3A_536 : memref<1x128x32xi32, #tpu.memory_space<hbm>> -> memref<128x32xi32, #tpu.memory_space<hbm>>
      %dma_start3A_538 = arith.constant 0 : i32
      %dma_start3A_539 = arith.constant 0 : i32
      %dma_start3A_540 = tpu.memref_slice %arg10[%dma_start3A_525, %dma_start3A_538, %dma_start3A_539] : memref<4x128x32xi32, #tpu.memory_space<vmem>> -> memref<1x128x32xi32, #tpu.memory_space<vmem>>
      %dma_start3A_541 = tpu.memref_squeeze %dma_start3A_540 : memref<1x128x32xi32, #tpu.memory_space<vmem>> -> memref<128x32xi32, #tpu.memory_space<vmem>>
      tpu.enqueue_dma source(%dma_start3A_541 : memref<128x32xi32, #tpu.memory_space<vmem>>) target(%dma_start3A_537 : memref<128x32xi32, #tpu.memory_space<hbm>>) target_semaphore(%arg14 : memref<!tpu.dma_semaphore, #tpu.memory_space<semaphore_mem>>)
    }
    %scan3A_7 = arith.constant 16 : i32
    %dma_wait3A = arith.constant 0 : i32
    %dma_wait3A_8 = arith.constant 0 : i32
    %dma_wait3A_9 = arith.constant 0 : i32
    %dma_wait3A_10 = arith.constant 0 : i32
    %dma_wait3A_11 = tpu.memref_slice %arg9[%dma_wait3A, %dma_wait3A_9, %dma_wait3A_10] : memref<4x128x32xi32, #tpu.memory_space<vmem>> -> memref<1x128x32xi32, #tpu.memory_space<vmem>>
    %dma_wait3A_12 = tpu.memref_squeeze %dma_wait3A_11 : memref<1x128x32xi32, #tpu.memory_space<vmem>> -> memref<128x32xi32, #tpu.memory_space<vmem>>
    %dma_wait3A_13 = arith.constant 0 : i32
    %dma_wait3A_14 = arith.constant 0 : i32
    %dma_wait3A_15 = tpu.memref_slice %arg5[%dma_wait3A_8, %dma_wait3A_13, %dma_wait3A_14] : memref<2048x128x32xi32, #tpu.memory_space<hbm>> -> memref<1x128x32xi32, #tpu.memory_space<hbm>>
    %dma_wait3A_16 = tpu.memref_squeeze %dma_wait3A_15 : memref<1x128x32xi32, #tpu.memory_space<hbm>> -> memref<128x32xi32, #tpu.memory_space<hbm>>
    %dma_wait3A_17 = arith.constant 0 : i32
    %dma_wait3A_18 = arith.constant 0 : i32
    %dma_wait3A_19 = tpu.memref_slice %arg5[%dma_wait3A_8, %dma_wait3A_17, %dma_wait3A_18] : memref<2048x128x32xi32, #tpu.memory_space<hbm>> -> memref<1x128x32xi32, #tpu.memory_space<hbm>>
    %dma_wait3A_20 = tpu.memref_squeeze %dma_wait3A_19 : memref<1x128x32xi32, #tpu.memory_space<hbm>> -> memref<128x32xi32, #tpu.memory_space<hbm>>
    %dma_wait3A_21 = arith.constant 0 : i32
    %dma_wait3A_22 = arith.constant 0 : i32
    %dma_wait3A_23 = tpu.memref_slice %arg9[%dma_wait3A, %dma_wait3A_21, %dma_wait3A_22] : memref<4x128x32xi32, #tpu.memory_space<vmem>> -> memref<1x128x32xi32, #tpu.memory_space<vmem>>
    %dma_wait3A_24 = tpu.memref_squeeze %dma_wait3A_23 : memref<1x128x32xi32, #tpu.memory_space<vmem>> -> memref<128x32xi32, #tpu.memory_space<vmem>>
    tpu.wait_dma2 semaphore(%arg13 : memref<!tpu.dma_semaphore, #tpu.memory_space<semaphore_mem>>) src(%dma_wait3A_24 : memref<128x32xi32, #tpu.memory_space<vmem>>) dst(%dma_wait3A_20 : memref<128x32xi32, #tpu.memory_space<hbm>>)
    %dma_wait3A_25 = arith.constant 1 : i32
    %dma_wait3A_26 = arith.constant 1 : i32
    %dma_wait3A_27 = arith.constant 0 : i32
    %dma_wait3A_28 = arith.constant 0 : i32
    %dma_wait3A_29 = tpu.memref_slice %arg9[%dma_wait3A_25, %dma_wait3A_27, %dma_wait3A_28] : memref<4x128x32xi32, #tpu.memory_space<vmem>> -> memref<1x128x32xi32, #tpu.memory_space<vmem>>
    %dma_wait3A_30 = tpu.memref_squeeze %dma_wait3A_29 : memref<1x128x32xi32, #tpu.memory_space<vmem>> -> memref<128x32xi32, #tpu.memory_space<vmem>>
    %dma_wait3A_31 = arith.constant 0 : i32
    %dma_wait3A_32 = arith.constant 0 : i32
    %dma_wait3A_33 = tpu.memref_slice %arg5[%dma_wait3A_26, %dma_wait3A_31, %dma_wait3A_32] : memref<2048x128x32xi32, #tpu.memory_space<hbm>> -> memref<1x128x32xi32, #tpu.memory_space<hbm>>
    %dma_wait3A_34 = tpu.memref_squeeze %dma_wait3A_33 : memref<1x128x32xi32, #tpu.memory_space<hbm>> -> memref<128x32xi32, #tpu.memory_space<hbm>>
    %dma_wait3A_35 = arith.constant 0 : i32
    %dma_wait3A_36 = arith.constant 0 : i32
    %dma_wait3A_37 = tpu.memref_slice %arg5[%dma_wait3A_26, %dma_wait3A_35, %dma_wait3A_36] : memref<2048x128x32xi32, #tpu.memory_space<hbm>> -> memref<1x128x32xi32, #tpu.memory_space<hbm>>
    %dma_wait3A_38 = tpu.memref_squeeze %dma_wait3A_37 : memref<1x128x32xi32, #tpu.memory_space<hbm>> -> memref<128x32xi32, #tpu.memory_space<hbm>>
    %dma_wait3A_39 = arith.constant 0 : i32
    %dma_wait3A_40 = arith.constant 0 : i32
    %dma_wait3A_41 = tpu.memref_slice %arg9[%dma_wait3A_25, %dma_wait3A_39, %dma_wait3A_40] : memref<4x128x32xi32, #tpu.memory_space<vmem>> -> memref<1x128x32xi32, #tpu.memory_space<vmem>>
    %dma_wait3A_42 = tpu.memref_squeeze %dma_wait3A_41 : memref<1x128x32xi32, #tpu.memory_space<vmem>> -> memref<128x32xi32, #tpu.memory_space<vmem>>
    tpu.wait_dma2 semaphore(%arg13 : memref<!tpu.dma_semaphore, #tpu.memory_space<semaphore_mem>>) src(%dma_wait3A_42 : memref<128x32xi32, #tpu.memory_space<vmem>>) dst(%dma_wait3A_38 : memref<128x32xi32, #tpu.memory_space<hbm>>)
    %dma_wait3A_43 = arith.constant 2 : i32
    %dma_wait3A_44 = arith.constant 2 : i32
    %dma_wait3A_45 = arith.constant 0 : i32
    %dma_wait3A_46 = arith.constant 0 : i32
    %dma_wait3A_47 = tpu.memref_slice %arg9[%dma_wait3A_43, %dma_wait3A_45, %dma_wait3A_46] : memref<4x128x32xi32, #tpu.memory_space<vmem>> -> memref<1x128x32xi32, #tpu.memory_space<vmem>>
    %dma_wait3A_48 = tpu.memref_squeeze %dma_wait3A_47 : memref<1x128x32xi32, #tpu.memory_space<vmem>> -> memref<128x32xi32, #tpu.memory_space<vmem>>
    %dma_wait3A_49 = arith.constant 0 : i32
    %dma_wait3A_50 = arith.constant 0 : i32
    %dma_wait3A_51 = tpu.memref_slice %arg5[%dma_wait3A_44, %dma_wait3A_49, %dma_wait3A_50] : memref<2048x128x32xi32, #tpu.memory_space<hbm>> -> memref<1x128x32xi32, #tpu.memory_space<hbm>>
    %dma_wait3A_52 = tpu.memref_squeeze %dma_wait3A_51 : memref<1x128x32xi32, #tpu.memory_space<hbm>> -> memref<128x32xi32, #tpu.memory_space<hbm>>
    %dma_wait3A_53 = arith.constant 0 : i32
    %dma_wait3A_54 = arith.constant 0 : i32
    %dma_wait3A_55 = tpu.memref_slice %arg5[%dma_wait3A_44, %dma_wait3A_53, %dma_wait3A_54] : memref<2048x128x32xi32, #tpu.memory_space<hbm>> -> memref<1x128x32xi32, #tpu.memory_space<hbm>>
    %dma_wait3A_56 = tpu.memref_squeeze %dma_wait3A_55 : memref<1x128x32xi32, #tpu.memory_space<hbm>> -> memref<128x32xi32, #tpu.memory_space<hbm>>
    %dma_wait3A_57 = arith.constant 0 : i32
    %dma_wait3A_58 = arith.constant 0 : i32
    %dma_wait3A_59 = tpu.memref_slice %arg9[%dma_wait3A_43, %dma_wait3A_57, %dma_wait3A_58] : memref<4x128x32xi32, #tpu.memory_space<vmem>> -> memref<1x128x32xi32, #tpu.memory_space<vmem>>
    %dma_wait3A_60 = tpu.memref_squeeze %dma_wait3A_59 : memref<1x128x32xi32, #tpu.memory_space<vmem>> -> memref<128x32xi32, #tpu.memory_space<vmem>>
    tpu.wait_dma2 semaphore(%arg13 : memref<!tpu.dma_semaphore, #tpu.memory_space<semaphore_mem>>) src(%dma_wait3A_60 : memref<128x32xi32, #tpu.memory_space<vmem>>) dst(%dma_wait3A_56 : memref<128x32xi32, #tpu.memory_space<hbm>>)
    %dma_wait3A_61 = arith.constant 3 : i32
    %dma_wait3A_62 = arith.constant 3 : i32
    %dma_wait3A_63 = arith.constant 0 : i32
    %dma_wait3A_64 = arith.constant 0 : i32
    %dma_wait3A_65 = tpu.memref_slice %arg9[%dma_wait3A_61, %dma_wait3A_63, %dma_wait3A_64] : memref<4x128x32xi32, #tpu.memory_space<vmem>> -> memref<1x128x32xi32, #tpu.memory_space<vmem>>
    %dma_wait3A_66 = tpu.memref_squeeze %dma_wait3A_65 : memref<1x128x32xi32, #tpu.memory_space<vmem>> -> memref<128x32xi32, #tpu.memory_space<vmem>>
    %dma_wait3A_67 = arith.constant 0 : i32
    %dma_wait3A_68 = arith.constant 0 : i32
    %dma_wait3A_69 = tpu.memref_slice %arg5[%dma_wait3A_62, %dma_wait3A_67, %dma_wait3A_68] : memref<2048x128x32xi32, #tpu.memory_space<hbm>> -> memref<1x128x32xi32, #tpu.memory_space<hbm>>
    %dma_wait3A_70 = tpu.memref_squeeze %dma_wait3A_69 : memref<1x128x32xi32, #tpu.memory_space<hbm>> -> memref<128x32xi32, #tpu.memory_space<hbm>>
    %dma_wait3A_71 = arith.constant 0 : i32
    %dma_wait3A_72 = arith.constant 0 : i32
    %dma_wait3A_73 = tpu.memref_slice %arg5[%dma_wait3A_62, %dma_wait3A_71, %dma_wait3A_72] : memref<2048x128x32xi32, #tpu.memory_space<hbm>> -> memref<1x128x32xi32, #tpu.memory_space<hbm>>
    %dma_wait3A_74 = tpu.memref_squeeze %dma_wait3A_73 : memref<1x128x32xi32, #tpu.memory_space<hbm>> -> memref<128x32xi32, #tpu.memory_space<hbm>>
    %dma_wait3A_75 = arith.constant 0 : i32
    %dma_wait3A_76 = arith.constant 0 : i32
    %dma_wait3A_77 = tpu.memref_slice %arg9[%dma_wait3A_61, %dma_wait3A_75, %dma_wait3A_76] : memref<4x128x32xi32, #tpu.memory_space<vmem>> -> memref<1x128x32xi32, #tpu.memory_space<vmem>>
    %dma_wait3A_78 = tpu.memref_squeeze %dma_wait3A_77 : memref<1x128x32xi32, #tpu.memory_space<vmem>> -> memref<128x32xi32, #tpu.memory_space<vmem>>
    tpu.wait_dma2 semaphore(%arg13 : memref<!tpu.dma_semaphore, #tpu.memory_space<semaphore_mem>>) src(%dma_wait3A_78 : memref<128x32xi32, #tpu.memory_space<vmem>>) dst(%dma_wait3A_74 : memref<128x32xi32, #tpu.memory_space<hbm>>)
    %dma_wait3A_79 = arith.constant 0 : i32
    %dma_wait3A_80 = arith.constant 0 : i32
    %dma_wait3A_81 = arith.constant 0 : i32
    %dma_wait3A_82 = arith.constant 0 : i32
    %dma_wait3A_83 = tpu.memref_slice %arg10[%dma_wait3A_79, %dma_wait3A_81, %dma_wait3A_82] : memref<4x128x32xi32, #tpu.memory_space<vmem>> -> memref<1x128x32xi32, #tpu.memory_space<vmem>>
    %dma_wait3A_84 = tpu.memref_squeeze %dma_wait3A_83 : memref<1x128x32xi32, #tpu.memory_space<vmem>> -> memref<128x32xi32, #tpu.memory_space<vmem>>
    %dma_wait3A_85 = arith.constant 0 : i32
    %dma_wait3A_86 = arith.constant 0 : i32
    %dma_wait3A_87 = tpu.memref_slice %arg6[%dma_wait3A_80, %dma_wait3A_85, %dma_wait3A_86] : memref<2048x128x32xi32, #tpu.memory_space<hbm>> -> memref<1x128x32xi32, #tpu.memory_space<hbm>>
    %dma_wait3A_88 = tpu.memref_squeeze %dma_wait3A_87 : memref<1x128x32xi32, #tpu.memory_space<hbm>> -> memref<128x32xi32, #tpu.memory_space<hbm>>
    %dma_wait3A_89 = arith.constant 0 : i32
    %dma_wait3A_90 = arith.constant 0 : i32
    %dma_wait3A_91 = tpu.memref_slice %arg6[%dma_wait3A_80, %dma_wait3A_89, %dma_wait3A_90] : memref<2048x128x32xi32, #tpu.memory_space<hbm>> -> memref<1x128x32xi32, #tpu.memory_space<hbm>>
    %dma_wait3A_92 = tpu.memref_squeeze %dma_wait3A_91 : memref<1x128x32xi32, #tpu.memory_space<hbm>> -> memref<128x32xi32, #tpu.memory_space<hbm>>
    %dma_wait3A_93 = arith.constant 0 : i32
    %dma_wait3A_94 = arith.constant 0 : i32
    %dma_wait3A_95 = tpu.memref_slice %arg10[%dma_wait3A_79, %dma_wait3A_93, %dma_wait3A_94] : memref<4x128x32xi32, #tpu.memory_space<vmem>> -> memref<1x128x32xi32, #tpu.memory_space<vmem>>
    %dma_wait3A_96 = tpu.memref_squeeze %dma_wait3A_95 : memref<1x128x32xi32, #tpu.memory_space<vmem>> -> memref<128x32xi32, #tpu.memory_space<vmem>>
    tpu.wait_dma2 semaphore(%arg14 : memref<!tpu.dma_semaphore, #tpu.memory_space<semaphore_mem>>) src(%dma_wait3A_96 : memref<128x32xi32, #tpu.memory_space<vmem>>) dst(%dma_wait3A_92 : memref<128x32xi32, #tpu.memory_space<hbm>>)
    %dma_wait3A_97 = arith.constant 1 : i32
    %dma_wait3A_98 = arith.constant 1 : i32
    %dma_wait3A_99 = arith.constant 0 : i32
    %dma_wait3A_100 = arith.constant 0 : i32
    %dma_wait3A_101 = tpu.memref_slice %arg10[%dma_wait3A_97, %dma_wait3A_99, %dma_wait3A_100] : memref<4x128x32xi32, #tpu.memory_space<vmem>> -> memref<1x128x32xi32, #tpu.memory_space<vmem>>
    %dma_wait3A_102 = tpu.memref_squeeze %dma_wait3A_101 : memref<1x128x32xi32, #tpu.memory_space<vmem>> -> memref<128x32xi32, #tpu.memory_space<vmem>>
    %dma_wait3A_103 = arith.constant 0 : i32
    %dma_wait3A_104 = arith.constant 0 : i32
    %dma_wait3A_105 = tpu.memref_slice %arg6[%dma_wait3A_98, %dma_wait3A_103, %dma_wait3A_104] : memref<2048x128x32xi32, #tpu.memory_space<hbm>> -> memref<1x128x32xi32, #tpu.memory_space<hbm>>
    %dma_wait3A_106 = tpu.memref_squeeze %dma_wait3A_105 : memref<1x128x32xi32, #tpu.memory_space<hbm>> -> memref<128x32xi32, #tpu.memory_space<hbm>>
    %dma_wait3A_107 = arith.constant 0 : i32
    %dma_wait3A_108 = arith.constant 0 : i32
    %dma_wait3A_109 = tpu.memref_slice %arg6[%dma_wait3A_98, %dma_wait3A_107, %dma_wait3A_108] : memref<2048x128x32xi32, #tpu.memory_space<hbm>> -> memref<1x128x32xi32, #tpu.memory_space<hbm>>
    %dma_wait3A_110 = tpu.memref_squeeze %dma_wait3A_109 : memref<1x128x32xi32, #tpu.memory_space<hbm>> -> memref<128x32xi32, #tpu.memory_space<hbm>>
    %dma_wait3A_111 = arith.constant 0 : i32
    %dma_wait3A_112 = arith.constant 0 : i32
    %dma_wait3A_113 = tpu.memref_slice %arg10[%dma_wait3A_97, %dma_wait3A_111, %dma_wait3A_112] : memref<4x128x32xi32, #tpu.memory_space<vmem>> -> memref<1x128x32xi32, #tpu.memory_space<vmem>>
    %dma_wait3A_114 = tpu.memref_squeeze %dma_wait3A_113 : memref<1x128x32xi32, #tpu.memory_space<vmem>> -> memref<128x32xi32, #tpu.memory_space<vmem>>
    tpu.wait_dma2 semaphore(%arg14 : memref<!tpu.dma_semaphore, #tpu.memory_space<semaphore_mem>>) src(%dma_wait3A_114 : memref<128x32xi32, #tpu.memory_space<vmem>>) dst(%dma_wait3A_110 : memref<128x32xi32, #tpu.memory_space<hbm>>)
    %dma_wait3A_115 = arith.constant 2 : i32
    %dma_wait3A_116 = arith.constant 2 : i32
    %dma_wait3A_117 = arith.constant 0 : i32
    %dma_wait3A_118 = arith.constant 0 : i32
    %dma_wait3A_119 = tpu.memref_slice %arg10[%dma_wait3A_115, %dma_wait3A_117, %dma_wait3A_118] : memref<4x128x32xi32, #tpu.memory_space<vmem>> -> memref<1x128x32xi32, #tpu.memory_space<vmem>>
    %dma_wait3A_120 = tpu.memref_squeeze %dma_wait3A_119 : memref<1x128x32xi32, #tpu.memory_space<vmem>> -> memref<128x32xi32, #tpu.memory_space<vmem>>
    %dma_wait3A_121 = arith.constant 0 : i32
    %dma_wait3A_122 = arith.constant 0 : i32
    %dma_wait3A_123 = tpu.memref_slice %arg6[%dma_wait3A_116, %dma_wait3A_121, %dma_wait3A_122] : memref<2048x128x32xi32, #tpu.memory_space<hbm>> -> memref<1x128x32xi32, #tpu.memory_space<hbm>>
    %dma_wait3A_124 = tpu.memref_squeeze %dma_wait3A_123 : memref<1x128x32xi32, #tpu.memory_space<hbm>> -> memref<128x32xi32, #tpu.memory_space<hbm>>
    %dma_wait3A_125 = arith.constant 0 : i32
    %dma_wait3A_126 = arith.constant 0 : i32
    %dma_wait3A_127 = tpu.memref_slice %arg6[%dma_wait3A_116, %dma_wait3A_125, %dma_wait3A_126] : memref<2048x128x32xi32, #tpu.memory_space<hbm>> -> memref<1x128x32xi32, #tpu.memory_space<hbm>>
    %dma_wait3A_128 = tpu.memref_squeeze %dma_wait3A_127 : memref<1x128x32xi32, #tpu.memory_space<hbm>> -> memref<128x32xi32, #tpu.memory_space<hbm>>
    %dma_wait3A_129 = arith.constant 0 : i32
    %dma_wait3A_130 = arith.constant 0 : i32
    %dma_wait3A_131 = tpu.memref_slice %arg10[%dma_wait3A_115, %dma_wait3A_129, %dma_wait3A_130] : memref<4x128x32xi32, #tpu.memory_space<vmem>> -> memref<1x128x32xi32, #tpu.memory_space<vmem>>
    %dma_wait3A_132 = tpu.memref_squeeze %dma_wait3A_131 : memref<1x128x32xi32, #tpu.memory_space<vmem>> -> memref<128x32xi32, #tpu.memory_space<vmem>>
    tpu.wait_dma2 semaphore(%arg14 : memref<!tpu.dma_semaphore, #tpu.memory_space<semaphore_mem>>) src(%dma_wait3A_132 : memref<128x32xi32, #tpu.memory_space<vmem>>) dst(%dma_wait3A_128 : memref<128x32xi32, #tpu.memory_space<hbm>>)
    %dma_wait3A_133 = arith.constant 3 : i32
    %dma_wait3A_134 = arith.constant 3 : i32
    %dma_wait3A_135 = arith.constant 0 : i32
    %dma_wait3A_136 = arith.constant 0 : i32
    %dma_wait3A_137 = tpu.memref_slice %arg10[%dma_wait3A_133, %dma_wait3A_135, %dma_wait3A_136] : memref<4x128x32xi32, #tpu.memory_space<vmem>> -> memref<1x128x32xi32, #tpu.memory_space<vmem>>
    %dma_wait3A_138 = tpu.memref_squeeze %dma_wait3A_137 : memref<1x128x32xi32, #tpu.memory_space<vmem>> -> memref<128x32xi32, #tpu.memory_space<vmem>>
    %dma_wait3A_139 = arith.constant 0 : i32
    %dma_wait3A_140 = arith.constant 0 : i32
    %dma_wait3A_141 = tpu.memref_slice %arg6[%dma_wait3A_134, %dma_wait3A_139, %dma_wait3A_140] : memref<2048x128x32xi32, #tpu.memory_space<hbm>> -> memref<1x128x32xi32, #tpu.memory_space<hbm>>
    %dma_wait3A_142 = tpu.memref_squeeze %dma_wait3A_141 : memref<1x128x32xi32, #tpu.memory_space<hbm>> -> memref<128x32xi32, #tpu.memory_space<hbm>>
    %dma_wait3A_143 = arith.constant 0 : i32
    %dma_wait3A_144 = arith.constant 0 : i32
    %dma_wait3A_145 = tpu.memref_slice %arg6[%dma_wait3A_134, %dma_wait3A_143, %dma_wait3A_144] : memref<2048x128x32xi32, #tpu.memory_space<hbm>> -> memref<1x128x32xi32, #tpu.memory_space<hbm>>
    %dma_wait3A_146 = tpu.memref_squeeze %dma_wait3A_145 : memref<1x128x32xi32, #tpu.memory_space<hbm>> -> memref<128x32xi32, #tpu.memory_space<hbm>>
    %dma_wait3A_147 = arith.constant 0 : i32
    %dma_wait3A_148 = arith.constant 0 : i32
    %dma_wait3A_149 = tpu.memref_slice %arg10[%dma_wait3A_133, %dma_wait3A_147, %dma_wait3A_148] : memref<4x128x32xi32, #tpu.memory_space<vmem>> -> memref<1x128x32xi32, #tpu.memory_space<vmem>>
    %dma_wait3A_150 = tpu.memref_squeeze %dma_wait3A_149 : memref<1x128x32xi32, #tpu.memory_space<vmem>> -> memref<128x32xi32, #tpu.memory_space<vmem>>
    tpu.wait_dma2 semaphore(%arg14 : memref<!tpu.dma_semaphore, #tpu.memory_space<semaphore_mem>>) src(%dma_wait3A_150 : memref<128x32xi32, #tpu.memory_space<vmem>>) dst(%dma_wait3A_146 : memref<128x32xi32, #tpu.memory_space<hbm>>)
    return
  }
}

#map = affine_map<(d0, d1) -> (0, 0)>
#map1 = affine_map<(d0, d1) -> (0, 0, 0)>
module attributes {stable_mosaic.version = 14 : i64} {
  func.func @_sc_gather_rel_body(%arg0: i32, %arg1: i32, %arg2: memref<2048x128xi32, #tpu.memory_space<hbm>>, %arg3: memref<1000000x32xi32, #tpu.memory_space<hbm>>, %arg4: memref<2048x128x32xi32, #tpu.memory_space<hbm>>, %arg5: memref<64x128xi32, #tpu.memory_space<vmem>>, %arg6: memref<4x128x32xi32, #tpu.memory_space<vmem>>, %arg7: memref<!tpu.dma_semaphore, #tpu.memory_space<semaphore_mem>>, %arg8: memref<!tpu.dma_semaphore, #tpu.memory_space<semaphore_mem>>) attributes {dimension_semantics = [#tpu.dimension_semantics<core_parallel>, #tpu.dimension_semantics<subcore_parallel>], iteration_bounds = array<i64: 2, 16>, scalar_prefetch = 0 : i64, scratch_operands = 4 : i64, tpu.core_type = #tpu.core_type<sc_vector_subcore>, window_params = [{transform_indices = #map}, {transform_indices = #map}, {transform_indices = #map1}]} {
    %mul3A = arith.constant 2 : i32
    %mul3A_0 = arith.muli %arg1, %mul3A : i32
    %add3A = arith.addi %mul3A_0, %arg0 : i32
    %mul3A_1 = arith.constant 64 : i32
    %mul3A_2 = arith.muli %add3A, %mul3A_1 : i32
    "tpu.region"() ({
      %run_scoped3A = tpu.sem_alloc : memref<!tpu.dma_semaphore, #tpu.memory_space<semaphore_mem>>
      %dma_start3A = arith.constant 0 : i32
      %dma_start3A_79 = tpu.memref_slice %arg2[%mul3A_2, %dma_start3A] : memref<2048x128xi32, #tpu.memory_space<hbm>> -> memref<64x128xi32, #tpu.memory_space<hbm>>
      %dma_start3A_80 = arith.constant 0 : i32
      %dma_start3A_81 = tpu.memref_slice %arg2[%mul3A_2, %dma_start3A_80] : memref<2048x128xi32, #tpu.memory_space<hbm>> -> memref<64x128xi32, #tpu.memory_space<hbm>>
      tpu.enqueue_dma source(%dma_start3A_81 : memref<64x128xi32, #tpu.memory_space<hbm>>) target(%arg5 : memref<64x128xi32, #tpu.memory_space<vmem>>) target_semaphore(%run_scoped3A : memref<!tpu.dma_semaphore, #tpu.memory_space<semaphore_mem>>)
      %dma_wait3A_82 = arith.constant 0 : i32
      %dma_wait3A_83 = tpu.memref_slice %arg2[%mul3A_2, %dma_wait3A_82] : memref<2048x128xi32, #tpu.memory_space<hbm>> -> memref<64x128xi32, #tpu.memory_space<hbm>>
      %dma_wait3A_84 = arith.constant 0 : i32
      %dma_wait3A_85 = tpu.memref_slice %arg2[%mul3A_2, %dma_wait3A_84] : memref<2048x128xi32, #tpu.memory_space<hbm>> -> memref<64x128xi32, #tpu.memory_space<hbm>>
      tpu.wait_dma2 semaphore(%run_scoped3A : memref<!tpu.dma_semaphore, #tpu.memory_space<semaphore_mem>>) src(%dma_wait3A_85 : memref<64x128xi32, #tpu.memory_space<hbm>>) dst(%arg5 : memref<64x128xi32, #tpu.memory_space<vmem>>)
      tpu.yield
    }) : () -> ()
    %scan3A = arith.constant 0 : i32
    %scan3A_3 = arith.constant 0 : i32
    %scan3A_4 = arith.constant 16 : i32
    %scan3A_5 = arith.addi %scan3A_3, %scan3A_4 : i32
    %scan3A_6 = arith.constant 1 : i32
    scf.for %scan3A_79 = %scan3A_3 to %scan3A_5 step %scan3A_6  : i32 {
      %gt3A = arith.constant 0 : i32
      %gt3A_80 = arith.cmpi sgt, %scan3A_79, %gt3A : i32
      %convert_element_type3A = arith.extui %gt3A_80 : i1 to i32
      %cond3A = arith.constant 0 : i32
      %cond3A_81 = arith.cmpi ne, %convert_element_type3A, %cond3A : i32
      scf.if %cond3A_81 {
        %dma_wait3A_273 = arith.constant 0 : i32
        %dma_wait3A_274 = arith.constant 0 : i32
        %dma_wait3A_275 = arith.constant 0 : i32
        %dma_wait3A_276 = arith.constant 0 : i32
        %dma_wait3A_277 = tpu.memref_slice %arg6[%dma_wait3A_273, %dma_wait3A_275, %dma_wait3A_276] : memref<4x128x32xi32, #tpu.memory_space<vmem>> -> memref<1x128x32xi32, #tpu.memory_space<vmem>>
        %dma_wait3A_278 = tpu.memref_squeeze %dma_wait3A_277 : memref<1x128x32xi32, #tpu.memory_space<vmem>> -> memref<128x32xi32, #tpu.memory_space<vmem>>
        %dma_wait3A_279 = arith.constant 0 : i32
        %dma_wait3A_280 = arith.constant 0 : i32
        %dma_wait3A_281 = tpu.memref_slice %arg4[%dma_wait3A_274, %dma_wait3A_279, %dma_wait3A_280] : memref<2048x128x32xi32, #tpu.memory_space<hbm>> -> memref<1x128x32xi32, #tpu.memory_space<hbm>>
        %dma_wait3A_282 = tpu.memref_squeeze %dma_wait3A_281 : memref<1x128x32xi32, #tpu.memory_space<hbm>> -> memref<128x32xi32, #tpu.memory_space<hbm>>
        %dma_wait3A_283 = arith.constant 0 : i32
        %dma_wait3A_284 = arith.constant 0 : i32
        %dma_wait3A_285 = tpu.memref_slice %arg4[%dma_wait3A_274, %dma_wait3A_283, %dma_wait3A_284] : memref<2048x128x32xi32, #tpu.memory_space<hbm>> -> memref<1x128x32xi32, #tpu.memory_space<hbm>>
        %dma_wait3A_286 = tpu.memref_squeeze %dma_wait3A_285 : memref<1x128x32xi32, #tpu.memory_space<hbm>> -> memref<128x32xi32, #tpu.memory_space<hbm>>
        %dma_wait3A_287 = arith.constant 0 : i32
        %dma_wait3A_288 = arith.constant 0 : i32
        %dma_wait3A_289 = tpu.memref_slice %arg6[%dma_wait3A_273, %dma_wait3A_287, %dma_wait3A_288] : memref<4x128x32xi32, #tpu.memory_space<vmem>> -> memref<1x128x32xi32, #tpu.memory_space<vmem>>
        %dma_wait3A_290 = tpu.memref_squeeze %dma_wait3A_289 : memref<1x128x32xi32, #tpu.memory_space<vmem>> -> memref<128x32xi32, #tpu.memory_space<vmem>>
        tpu.wait_dma2 semaphore(%arg8 : memref<!tpu.dma_semaphore, #tpu.memory_space<semaphore_mem>>) src(%dma_wait3A_290 : memref<128x32xi32, #tpu.memory_space<vmem>>) dst(%dma_wait3A_286 : memref<128x32xi32, #tpu.memory_space<hbm>>)
        %dma_wait3A_291 = arith.constant 1 : i32
        %dma_wait3A_292 = arith.constant 1 : i32
        %dma_wait3A_293 = arith.constant 0 : i32
        %dma_wait3A_294 = arith.constant 0 : i32
        %dma_wait3A_295 = tpu.memref_slice %arg6[%dma_wait3A_291, %dma_wait3A_293, %dma_wait3A_294] : memref<4x128x32xi32, #tpu.memory_space<vmem>> -> memref<1x128x32xi32, #tpu.memory_space<vmem>>
        %dma_wait3A_296 = tpu.memref_squeeze %dma_wait3A_295 : memref<1x128x32xi32, #tpu.memory_space<vmem>> -> memref<128x32xi32, #tpu.memory_space<vmem>>
        %dma_wait3A_297 = arith.constant 0 : i32
        %dma_wait3A_298 = arith.constant 0 : i32
        %dma_wait3A_299 = tpu.memref_slice %arg4[%dma_wait3A_292, %dma_wait3A_297, %dma_wait3A_298] : memref<2048x128x32xi32, #tpu.memory_space<hbm>> -> memref<1x128x32xi32, #tpu.memory_space<hbm>>
        %dma_wait3A_300 = tpu.memref_squeeze %dma_wait3A_299 : memref<1x128x32xi32, #tpu.memory_space<hbm>> -> memref<128x32xi32, #tpu.memory_space<hbm>>
        %dma_wait3A_301 = arith.constant 0 : i32
        %dma_wait3A_302 = arith.constant 0 : i32
        %dma_wait3A_303 = tpu.memref_slice %arg4[%dma_wait3A_292, %dma_wait3A_301, %dma_wait3A_302] : memref<2048x128x32xi32, #tpu.memory_space<hbm>> -> memref<1x128x32xi32, #tpu.memory_space<hbm>>
        %dma_wait3A_304 = tpu.memref_squeeze %dma_wait3A_303 : memref<1x128x32xi32, #tpu.memory_space<hbm>> -> memref<128x32xi32, #tpu.memory_space<hbm>>
        %dma_wait3A_305 = arith.constant 0 : i32
        %dma_wait3A_306 = arith.constant 0 : i32
        %dma_wait3A_307 = tpu.memref_slice %arg6[%dma_wait3A_291, %dma_wait3A_305, %dma_wait3A_306] : memref<4x128x32xi32, #tpu.memory_space<vmem>> -> memref<1x128x32xi32, #tpu.memory_space<vmem>>
        %dma_wait3A_308 = tpu.memref_squeeze %dma_wait3A_307 : memref<1x128x32xi32, #tpu.memory_space<vmem>> -> memref<128x32xi32, #tpu.memory_space<vmem>>
        tpu.wait_dma2 semaphore(%arg8 : memref<!tpu.dma_semaphore, #tpu.memory_space<semaphore_mem>>) src(%dma_wait3A_308 : memref<128x32xi32, #tpu.memory_space<vmem>>) dst(%dma_wait3A_304 : memref<128x32xi32, #tpu.memory_space<hbm>>)
        %dma_wait3A_309 = arith.constant 2 : i32
        %dma_wait3A_310 = arith.constant 2 : i32
        %dma_wait3A_311 = arith.constant 0 : i32
        %dma_wait3A_312 = arith.constant 0 : i32
        %dma_wait3A_313 = tpu.memref_slice %arg6[%dma_wait3A_309, %dma_wait3A_311, %dma_wait3A_312] : memref<4x128x32xi32, #tpu.memory_space<vmem>> -> memref<1x128x32xi32, #tpu.memory_space<vmem>>
        %dma_wait3A_314 = tpu.memref_squeeze %dma_wait3A_313 : memref<1x128x32xi32, #tpu.memory_space<vmem>> -> memref<128x32xi32, #tpu.memory_space<vmem>>
        %dma_wait3A_315 = arith.constant 0 : i32
        %dma_wait3A_316 = arith.constant 0 : i32
        %dma_wait3A_317 = tpu.memref_slice %arg4[%dma_wait3A_310, %dma_wait3A_315, %dma_wait3A_316] : memref<2048x128x32xi32, #tpu.memory_space<hbm>> -> memref<1x128x32xi32, #tpu.memory_space<hbm>>
        %dma_wait3A_318 = tpu.memref_squeeze %dma_wait3A_317 : memref<1x128x32xi32, #tpu.memory_space<hbm>> -> memref<128x32xi32, #tpu.memory_space<hbm>>
        %dma_wait3A_319 = arith.constant 0 : i32
        %dma_wait3A_320 = arith.constant 0 : i32
        %dma_wait3A_321 = tpu.memref_slice %arg4[%dma_wait3A_310, %dma_wait3A_319, %dma_wait3A_320] : memref<2048x128x32xi32, #tpu.memory_space<hbm>> -> memref<1x128x32xi32, #tpu.memory_space<hbm>>
        %dma_wait3A_322 = tpu.memref_squeeze %dma_wait3A_321 : memref<1x128x32xi32, #tpu.memory_space<hbm>> -> memref<128x32xi32, #tpu.memory_space<hbm>>
        %dma_wait3A_323 = arith.constant 0 : i32
        %dma_wait3A_324 = arith.constant 0 : i32
        %dma_wait3A_325 = tpu.memref_slice %arg6[%dma_wait3A_309, %dma_wait3A_323, %dma_wait3A_324] : memref<4x128x32xi32, #tpu.memory_space<vmem>> -> memref<1x128x32xi32, #tpu.memory_space<vmem>>
        %dma_wait3A_326 = tpu.memref_squeeze %dma_wait3A_325 : memref<1x128x32xi32, #tpu.memory_space<vmem>> -> memref<128x32xi32, #tpu.memory_space<vmem>>
        tpu.wait_dma2 semaphore(%arg8 : memref<!tpu.dma_semaphore, #tpu.memory_space<semaphore_mem>>) src(%dma_wait3A_326 : memref<128x32xi32, #tpu.memory_space<vmem>>) dst(%dma_wait3A_322 : memref<128x32xi32, #tpu.memory_space<hbm>>)
        %dma_wait3A_327 = arith.constant 3 : i32
        %dma_wait3A_328 = arith.constant 3 : i32
        %dma_wait3A_329 = arith.constant 0 : i32
        %dma_wait3A_330 = arith.constant 0 : i32
        %dma_wait3A_331 = tpu.memref_slice %arg6[%dma_wait3A_327, %dma_wait3A_329, %dma_wait3A_330] : memref<4x128x32xi32, #tpu.memory_space<vmem>> -> memref<1x128x32xi32, #tpu.memory_space<vmem>>
        %dma_wait3A_332 = tpu.memref_squeeze %dma_wait3A_331 : memref<1x128x32xi32, #tpu.memory_space<vmem>> -> memref<128x32xi32, #tpu.memory_space<vmem>>
        %dma_wait3A_333 = arith.constant 0 : i32
        %dma_wait3A_334 = arith.constant 0 : i32
        %dma_wait3A_335 = tpu.memref_slice %arg4[%dma_wait3A_328, %dma_wait3A_333, %dma_wait3A_334] : memref<2048x128x32xi32, #tpu.memory_space<hbm>> -> memref<1x128x32xi32, #tpu.memory_space<hbm>>
        %dma_wait3A_336 = tpu.memref_squeeze %dma_wait3A_335 : memref<1x128x32xi32, #tpu.memory_space<hbm>> -> memref<128x32xi32, #tpu.memory_space<hbm>>
        %dma_wait3A_337 = arith.constant 0 : i32
        %dma_wait3A_338 = arith.constant 0 : i32
        %dma_wait3A_339 = tpu.memref_slice %arg4[%dma_wait3A_328, %dma_wait3A_337, %dma_wait3A_338] : memref<2048x128x32xi32, #tpu.memory_space<hbm>> -> memref<1x128x32xi32, #tpu.memory_space<hbm>>
        %dma_wait3A_340 = tpu.memref_squeeze %dma_wait3A_339 : memref<1x128x32xi32, #tpu.memory_space<hbm>> -> memref<128x32xi32, #tpu.memory_space<hbm>>
        %dma_wait3A_341 = arith.constant 0 : i32
        %dma_wait3A_342 = arith.constant 0 : i32
        %dma_wait3A_343 = tpu.memref_slice %arg6[%dma_wait3A_327, %dma_wait3A_341, %dma_wait3A_342] : memref<4x128x32xi32, #tpu.memory_space<vmem>> -> memref<1x128x32xi32, #tpu.memory_space<vmem>>
        %dma_wait3A_344 = tpu.memref_squeeze %dma_wait3A_343 : memref<1x128x32xi32, #tpu.memory_space<vmem>> -> memref<128x32xi32, #tpu.memory_space<vmem>>
        tpu.wait_dma2 semaphore(%arg8 : memref<!tpu.dma_semaphore, #tpu.memory_space<semaphore_mem>>) src(%dma_wait3A_344 : memref<128x32xi32, #tpu.memory_space<vmem>>) dst(%dma_wait3A_340 : memref<128x32xi32, #tpu.memory_space<hbm>>)
      } else {
      }
      %mul3A_82 = arith.constant 4 : i32
      %mul3A_83 = arith.muli %scan3A_79, %mul3A_82 : i32
      %add3A_84 = arith.constant 0 : i32
      %add3A_85 = arith.addi %mul3A_83, %add3A_84 : i32
      %dma_start3A = arith.constant 0 : i32
      %dma_start3A_86 = arith.constant 0 : i32
      %dma_start3A_87 = arith.constant 0 : i32
      %dma_start3A_88 = tpu.memref_slice %arg6[%dma_start3A, %dma_start3A_86, %dma_start3A_87] : memref<4x128x32xi32, #tpu.memory_space<vmem>> -> memref<1x128x32xi32, #tpu.memory_space<vmem>>
      %dma_start3A_89 = tpu.memref_squeeze %dma_start3A_88 : memref<1x128x32xi32, #tpu.memory_space<vmem>> -> memref<128x32xi32, #tpu.memory_space<vmem>>
      %dma_start3A_90 = arith.constant 0 : i32
      %dma_start3A_91 = tpu.memref_slice %arg5[%add3A_85, %dma_start3A_90] : memref<64x128xi32, #tpu.memory_space<vmem>> -> memref<1x128xi32, #tpu.memory_space<vmem>>
      %dma_start3A_92 = tpu.memref_squeeze %dma_start3A_91 : memref<1x128xi32, #tpu.memory_space<vmem>> -> memref<128xi32, #tpu.memory_space<vmem>>
      %dma_start3A_93 = arith.constant 0 : i32
      %dma_start3A_94 = arith.constant 0 : i32
      %dma_start3A_95 = tpu.memref_slice %arg3[%dma_start3A_93, %dma_start3A_94] : memref<1000000x32xi32, #tpu.memory_space<hbm>> -> memref<1000000x32xi32, #tpu.memory_space<hbm>>
      tpu.enqueue_indirect_dma source(%dma_start3A_95 : memref<1000000x32xi32, #tpu.memory_space<hbm>>) target(%dma_start3A_89 : memref<128x32xi32, #tpu.memory_space<vmem>>) offsets(%dma_start3A_92 : memref<128xi32, #tpu.memory_space<vmem>>) semaphore(%arg7 : memref<!tpu.dma_semaphore, #tpu.memory_space<semaphore_mem>>)
      %mul3A_96 = arith.constant 4 : i32
      %mul3A_97 = arith.muli %scan3A_79, %mul3A_96 : i32
      %add3A_98 = arith.constant 1 : i32
      %add3A_99 = arith.addi %mul3A_97, %add3A_98 : i32
      %dma_start3A_100 = arith.constant 1 : i32
      %dma_start3A_101 = arith.constant 0 : i32
      %dma_start3A_102 = arith.constant 0 : i32
      %dma_start3A_103 = tpu.memref_slice %arg6[%dma_start3A_100, %dma_start3A_101, %dma_start3A_102] : memref<4x128x32xi32, #tpu.memory_space<vmem>> -> memref<1x128x32xi32, #tpu.memory_space<vmem>>
      %dma_start3A_104 = tpu.memref_squeeze %dma_start3A_103 : memref<1x128x32xi32, #tpu.memory_space<vmem>> -> memref<128x32xi32, #tpu.memory_space<vmem>>
      %dma_start3A_105 = arith.constant 0 : i32
      %dma_start3A_106 = tpu.memref_slice %arg5[%add3A_99, %dma_start3A_105] : memref<64x128xi32, #tpu.memory_space<vmem>> -> memref<1x128xi32, #tpu.memory_space<vmem>>
      %dma_start3A_107 = tpu.memref_squeeze %dma_start3A_106 : memref<1x128xi32, #tpu.memory_space<vmem>> -> memref<128xi32, #tpu.memory_space<vmem>>
      %dma_start3A_108 = arith.constant 0 : i32
      %dma_start3A_109 = arith.constant 0 : i32
      %dma_start3A_110 = tpu.memref_slice %arg3[%dma_start3A_108, %dma_start3A_109] : memref<1000000x32xi32, #tpu.memory_space<hbm>> -> memref<1000000x32xi32, #tpu.memory_space<hbm>>
      tpu.enqueue_indirect_dma source(%dma_start3A_110 : memref<1000000x32xi32, #tpu.memory_space<hbm>>) target(%dma_start3A_104 : memref<128x32xi32, #tpu.memory_space<vmem>>) offsets(%dma_start3A_107 : memref<128xi32, #tpu.memory_space<vmem>>) semaphore(%arg7 : memref<!tpu.dma_semaphore, #tpu.memory_space<semaphore_mem>>)
      %mul3A_111 = arith.constant 4 : i32
      %mul3A_112 = arith.muli %scan3A_79, %mul3A_111 : i32
      %add3A_113 = arith.constant 2 : i32
      %add3A_114 = arith.addi %mul3A_112, %add3A_113 : i32
      %dma_start3A_115 = arith.constant 2 : i32
      %dma_start3A_116 = arith.constant 0 : i32
      %dma_start3A_117 = arith.constant 0 : i32
      %dma_start3A_118 = tpu.memref_slice %arg6[%dma_start3A_115, %dma_start3A_116, %dma_start3A_117] : memref<4x128x32xi32, #tpu.memory_space<vmem>> -> memref<1x128x32xi32, #tpu.memory_space<vmem>>
      %dma_start3A_119 = tpu.memref_squeeze %dma_start3A_118 : memref<1x128x32xi32, #tpu.memory_space<vmem>> -> memref<128x32xi32, #tpu.memory_space<vmem>>
      %dma_start3A_120 = arith.constant 0 : i32
      %dma_start3A_121 = tpu.memref_slice %arg5[%add3A_114, %dma_start3A_120] : memref<64x128xi32, #tpu.memory_space<vmem>> -> memref<1x128xi32, #tpu.memory_space<vmem>>
      %dma_start3A_122 = tpu.memref_squeeze %dma_start3A_121 : memref<1x128xi32, #tpu.memory_space<vmem>> -> memref<128xi32, #tpu.memory_space<vmem>>
      %dma_start3A_123 = arith.constant 0 : i32
      %dma_start3A_124 = arith.constant 0 : i32
      %dma_start3A_125 = tpu.memref_slice %arg3[%dma_start3A_123, %dma_start3A_124] : memref<1000000x32xi32, #tpu.memory_space<hbm>> -> memref<1000000x32xi32, #tpu.memory_space<hbm>>
      tpu.enqueue_indirect_dma source(%dma_start3A_125 : memref<1000000x32xi32, #tpu.memory_space<hbm>>) target(%dma_start3A_119 : memref<128x32xi32, #tpu.memory_space<vmem>>) offsets(%dma_start3A_122 : memref<128xi32, #tpu.memory_space<vmem>>) semaphore(%arg7 : memref<!tpu.dma_semaphore, #tpu.memory_space<semaphore_mem>>)
      %mul3A_126 = arith.constant 4 : i32
      %mul3A_127 = arith.muli %scan3A_79, %mul3A_126 : i32
      %add3A_128 = arith.constant 3 : i32
      %add3A_129 = arith.addi %mul3A_127, %add3A_128 : i32
      %dma_start3A_130 = arith.constant 3 : i32
      %dma_start3A_131 = arith.constant 0 : i32
      %dma_start3A_132 = arith.constant 0 : i32
      %dma_start3A_133 = tpu.memref_slice %arg6[%dma_start3A_130, %dma_start3A_131, %dma_start3A_132] : memref<4x128x32xi32, #tpu.memory_space<vmem>> -> memref<1x128x32xi32, #tpu.memory_space<vmem>>
      %dma_start3A_134 = tpu.memref_squeeze %dma_start3A_133 : memref<1x128x32xi32, #tpu.memory_space<vmem>> -> memref<128x32xi32, #tpu.memory_space<vmem>>
      %dma_start3A_135 = arith.constant 0 : i32
      %dma_start3A_136 = tpu.memref_slice %arg5[%add3A_129, %dma_start3A_135] : memref<64x128xi32, #tpu.memory_space<vmem>> -> memref<1x128xi32, #tpu.memory_space<vmem>>
      %dma_start3A_137 = tpu.memref_squeeze %dma_start3A_136 : memref<1x128xi32, #tpu.memory_space<vmem>> -> memref<128xi32, #tpu.memory_space<vmem>>
      %dma_start3A_138 = arith.constant 0 : i32
      %dma_start3A_139 = arith.constant 0 : i32
      %dma_start3A_140 = tpu.memref_slice %arg3[%dma_start3A_138, %dma_start3A_139] : memref<1000000x32xi32, #tpu.memory_space<hbm>> -> memref<1000000x32xi32, #tpu.memory_space<hbm>>
      tpu.enqueue_indirect_dma source(%dma_start3A_140 : memref<1000000x32xi32, #tpu.memory_space<hbm>>) target(%dma_start3A_134 : memref<128x32xi32, #tpu.memory_space<vmem>>) offsets(%dma_start3A_137 : memref<128xi32, #tpu.memory_space<vmem>>) semaphore(%arg7 : memref<!tpu.dma_semaphore, #tpu.memory_space<semaphore_mem>>)
      %dma_wait3A_141 = arith.constant 0 : i32
      %dma_wait3A_142 = arith.constant 0 : i32
      %dma_wait3A_143 = arith.constant 0 : i32
      %dma_wait3A_144 = tpu.memref_slice %arg6[%dma_wait3A_141, %dma_wait3A_142, %dma_wait3A_143] : memref<4x128x32xi32, #tpu.memory_space<vmem>> -> memref<1x128x32xi32, #tpu.memory_space<vmem>>
      %dma_wait3A_145 = tpu.memref_squeeze %dma_wait3A_144 : memref<1x128x32xi32, #tpu.memory_space<vmem>> -> memref<128x32xi32, #tpu.memory_space<vmem>>
      %dma_wait3A_146 = arith.constant 0 : i32
      %dma_wait3A_147 = tpu.memref_slice %arg5[%add3A_85, %dma_wait3A_146] : memref<64x128xi32, #tpu.memory_space<vmem>> -> memref<1x128xi32, #tpu.memory_space<vmem>>
      %dma_wait3A_148 = tpu.memref_squeeze %dma_wait3A_147 : memref<1x128xi32, #tpu.memory_space<vmem>> -> memref<128xi32, #tpu.memory_space<vmem>>
      %dma_wait3A_149 = arith.constant 0 : i32
      %dma_wait3A_150 = arith.constant 0 : i32
      %dma_wait3A_151 = tpu.memref_slice %arg3[%dma_wait3A_149, %dma_wait3A_150] : memref<1000000x32xi32, #tpu.memory_space<hbm>> -> memref<1000000x32xi32, #tpu.memory_space<hbm>>
      tpu.wait_indirect_dma semaphore(%arg7 : memref<!tpu.dma_semaphore, #tpu.memory_space<semaphore_mem>>) src(%dma_wait3A_151 : memref<1000000x32xi32, #tpu.memory_space<hbm>>) dst(%dma_wait3A_145 : memref<128x32xi32, #tpu.memory_space<vmem>>)
      %mul3A_152 = arith.constant 4 : i32
      %mul3A_153 = arith.muli %scan3A_79, %mul3A_152 : i32
      %add3A_154 = arith.addi %mul3A_2, %mul3A_153 : i32
      %add3A_155 = arith.constant 0 : i32
      %add3A_156 = arith.addi %add3A_154, %add3A_155 : i32
      %dma_start3A_157 = arith.constant 0 : i32
      %dma_start3A_158 = arith.constant 0 : i32
      %dma_start3A_159 = arith.constant 0 : i32
      %dma_start3A_160 = tpu.memref_slice %arg6[%dma_start3A_157, %dma_start3A_158, %dma_start3A_159] : memref<4x128x32xi32, #tpu.memory_space<vmem>> -> memref<1x128x32xi32, #tpu.memory_space<vmem>>
      %dma_start3A_161 = tpu.memref_squeeze %dma_start3A_160 : memref<1x128x32xi32, #tpu.memory_space<vmem>> -> memref<128x32xi32, #tpu.memory_space<vmem>>
      %dma_start3A_162 = arith.constant 0 : i32
      %dma_start3A_163 = arith.constant 0 : i32
      %dma_start3A_164 = tpu.memref_slice %arg4[%add3A_156, %dma_start3A_162, %dma_start3A_163] : memref<2048x128x32xi32, #tpu.memory_space<hbm>> -> memref<1x128x32xi32, #tpu.memory_space<hbm>>
      %dma_start3A_165 = tpu.memref_squeeze %dma_start3A_164 : memref<1x128x32xi32, #tpu.memory_space<hbm>> -> memref<128x32xi32, #tpu.memory_space<hbm>>
      %dma_start3A_166 = arith.constant 0 : i32
      %dma_start3A_167 = arith.constant 0 : i32
      %dma_start3A_168 = tpu.memref_slice %arg4[%add3A_156, %dma_start3A_166, %dma_start3A_167] : memref<2048x128x32xi32, #tpu.memory_space<hbm>> -> memref<1x128x32xi32, #tpu.memory_space<hbm>>
      %dma_start3A_169 = tpu.memref_squeeze %dma_start3A_168 : memref<1x128x32xi32, #tpu.memory_space<hbm>> -> memref<128x32xi32, #tpu.memory_space<hbm>>
      %dma_start3A_170 = arith.constant 0 : i32
      %dma_start3A_171 = arith.constant 0 : i32
      %dma_start3A_172 = tpu.memref_slice %arg6[%dma_start3A_157, %dma_start3A_170, %dma_start3A_171] : memref<4x128x32xi32, #tpu.memory_space<vmem>> -> memref<1x128x32xi32, #tpu.memory_space<vmem>>
      %dma_start3A_173 = tpu.memref_squeeze %dma_start3A_172 : memref<1x128x32xi32, #tpu.memory_space<vmem>> -> memref<128x32xi32, #tpu.memory_space<vmem>>
      tpu.enqueue_dma source(%dma_start3A_173 : memref<128x32xi32, #tpu.memory_space<vmem>>) target(%dma_start3A_169 : memref<128x32xi32, #tpu.memory_space<hbm>>) target_semaphore(%arg8 : memref<!tpu.dma_semaphore, #tpu.memory_space<semaphore_mem>>)
      %dma_wait3A_174 = arith.constant 1 : i32
      %dma_wait3A_175 = arith.constant 0 : i32
      %dma_wait3A_176 = arith.constant 0 : i32
      %dma_wait3A_177 = tpu.memref_slice %arg6[%dma_wait3A_174, %dma_wait3A_175, %dma_wait3A_176] : memref<4x128x32xi32, #tpu.memory_space<vmem>> -> memref<1x128x32xi32, #tpu.memory_space<vmem>>
      %dma_wait3A_178 = tpu.memref_squeeze %dma_wait3A_177 : memref<1x128x32xi32, #tpu.memory_space<vmem>> -> memref<128x32xi32, #tpu.memory_space<vmem>>
      %dma_wait3A_179 = arith.constant 0 : i32
      %dma_wait3A_180 = tpu.memref_slice %arg5[%add3A_99, %dma_wait3A_179] : memref<64x128xi32, #tpu.memory_space<vmem>> -> memref<1x128xi32, #tpu.memory_space<vmem>>
      %dma_wait3A_181 = tpu.memref_squeeze %dma_wait3A_180 : memref<1x128xi32, #tpu.memory_space<vmem>> -> memref<128xi32, #tpu.memory_space<vmem>>
      %dma_wait3A_182 = arith.constant 0 : i32
      %dma_wait3A_183 = arith.constant 0 : i32
      %dma_wait3A_184 = tpu.memref_slice %arg3[%dma_wait3A_182, %dma_wait3A_183] : memref<1000000x32xi32, #tpu.memory_space<hbm>> -> memref<1000000x32xi32, #tpu.memory_space<hbm>>
      tpu.wait_indirect_dma semaphore(%arg7 : memref<!tpu.dma_semaphore, #tpu.memory_space<semaphore_mem>>) src(%dma_wait3A_184 : memref<1000000x32xi32, #tpu.memory_space<hbm>>) dst(%dma_wait3A_178 : memref<128x32xi32, #tpu.memory_space<vmem>>)
      %mul3A_185 = arith.constant 4 : i32
      %mul3A_186 = arith.muli %scan3A_79, %mul3A_185 : i32
      %add3A_187 = arith.addi %mul3A_2, %mul3A_186 : i32
      %add3A_188 = arith.constant 1 : i32
      %add3A_189 = arith.addi %add3A_187, %add3A_188 : i32
      %dma_start3A_190 = arith.constant 1 : i32
      %dma_start3A_191 = arith.constant 0 : i32
      %dma_start3A_192 = arith.constant 0 : i32
      %dma_start3A_193 = tpu.memref_slice %arg6[%dma_start3A_190, %dma_start3A_191, %dma_start3A_192] : memref<4x128x32xi32, #tpu.memory_space<vmem>> -> memref<1x128x32xi32, #tpu.memory_space<vmem>>
      %dma_start3A_194 = tpu.memref_squeeze %dma_start3A_193 : memref<1x128x32xi32, #tpu.memory_space<vmem>> -> memref<128x32xi32, #tpu.memory_space<vmem>>
      %dma_start3A_195 = arith.constant 0 : i32
      %dma_start3A_196 = arith.constant 0 : i32
      %dma_start3A_197 = tpu.memref_slice %arg4[%add3A_189, %dma_start3A_195, %dma_start3A_196] : memref<2048x128x32xi32, #tpu.memory_space<hbm>> -> memref<1x128x32xi32, #tpu.memory_space<hbm>>
      %dma_start3A_198 = tpu.memref_squeeze %dma_start3A_197 : memref<1x128x32xi32, #tpu.memory_space<hbm>> -> memref<128x32xi32, #tpu.memory_space<hbm>>
      %dma_start3A_199 = arith.constant 0 : i32
      %dma_start3A_200 = arith.constant 0 : i32
      %dma_start3A_201 = tpu.memref_slice %arg4[%add3A_189, %dma_start3A_199, %dma_start3A_200] : memref<2048x128x32xi32, #tpu.memory_space<hbm>> -> memref<1x128x32xi32, #tpu.memory_space<hbm>>
      %dma_start3A_202 = tpu.memref_squeeze %dma_start3A_201 : memref<1x128x32xi32, #tpu.memory_space<hbm>> -> memref<128x32xi32, #tpu.memory_space<hbm>>
      %dma_start3A_203 = arith.constant 0 : i32
      %dma_start3A_204 = arith.constant 0 : i32
      %dma_start3A_205 = tpu.memref_slice %arg6[%dma_start3A_190, %dma_start3A_203, %dma_start3A_204] : memref<4x128x32xi32, #tpu.memory_space<vmem>> -> memref<1x128x32xi32, #tpu.memory_space<vmem>>
      %dma_start3A_206 = tpu.memref_squeeze %dma_start3A_205 : memref<1x128x32xi32, #tpu.memory_space<vmem>> -> memref<128x32xi32, #tpu.memory_space<vmem>>
      tpu.enqueue_dma source(%dma_start3A_206 : memref<128x32xi32, #tpu.memory_space<vmem>>) target(%dma_start3A_202 : memref<128x32xi32, #tpu.memory_space<hbm>>) target_semaphore(%arg8 : memref<!tpu.dma_semaphore, #tpu.memory_space<semaphore_mem>>)
      %dma_wait3A_207 = arith.constant 2 : i32
      %dma_wait3A_208 = arith.constant 0 : i32
      %dma_wait3A_209 = arith.constant 0 : i32
      %dma_wait3A_210 = tpu.memref_slice %arg6[%dma_wait3A_207, %dma_wait3A_208, %dma_wait3A_209] : memref<4x128x32xi32, #tpu.memory_space<vmem>> -> memref<1x128x32xi32, #tpu.memory_space<vmem>>
      %dma_wait3A_211 = tpu.memref_squeeze %dma_wait3A_210 : memref<1x128x32xi32, #tpu.memory_space<vmem>> -> memref<128x32xi32, #tpu.memory_space<vmem>>
      %dma_wait3A_212 = arith.constant 0 : i32
      %dma_wait3A_213 = tpu.memref_slice %arg5[%add3A_114, %dma_wait3A_212] : memref<64x128xi32, #tpu.memory_space<vmem>> -> memref<1x128xi32, #tpu.memory_space<vmem>>
      %dma_wait3A_214 = tpu.memref_squeeze %dma_wait3A_213 : memref<1x128xi32, #tpu.memory_space<vmem>> -> memref<128xi32, #tpu.memory_space<vmem>>
      %dma_wait3A_215 = arith.constant 0 : i32
      %dma_wait3A_216 = arith.constant 0 : i32
      %dma_wait3A_217 = tpu.memref_slice %arg3[%dma_wait3A_215, %dma_wait3A_216] : memref<1000000x32xi32, #tpu.memory_space<hbm>> -> memref<1000000x32xi32, #tpu.memory_space<hbm>>
      tpu.wait_indirect_dma semaphore(%arg7 : memref<!tpu.dma_semaphore, #tpu.memory_space<semaphore_mem>>) src(%dma_wait3A_217 : memref<1000000x32xi32, #tpu.memory_space<hbm>>) dst(%dma_wait3A_211 : memref<128x32xi32, #tpu.memory_space<vmem>>)
      %mul3A_218 = arith.constant 4 : i32
      %mul3A_219 = arith.muli %scan3A_79, %mul3A_218 : i32
      %add3A_220 = arith.addi %mul3A_2, %mul3A_219 : i32
      %add3A_221 = arith.constant 2 : i32
      %add3A_222 = arith.addi %add3A_220, %add3A_221 : i32
      %dma_start3A_223 = arith.constant 2 : i32
      %dma_start3A_224 = arith.constant 0 : i32
      %dma_start3A_225 = arith.constant 0 : i32
      %dma_start3A_226 = tpu.memref_slice %arg6[%dma_start3A_223, %dma_start3A_224, %dma_start3A_225] : memref<4x128x32xi32, #tpu.memory_space<vmem>> -> memref<1x128x32xi32, #tpu.memory_space<vmem>>
      %dma_start3A_227 = tpu.memref_squeeze %dma_start3A_226 : memref<1x128x32xi32, #tpu.memory_space<vmem>> -> memref<128x32xi32, #tpu.memory_space<vmem>>
      %dma_start3A_228 = arith.constant 0 : i32
      %dma_start3A_229 = arith.constant 0 : i32
      %dma_start3A_230 = tpu.memref_slice %arg4[%add3A_222, %dma_start3A_228, %dma_start3A_229] : memref<2048x128x32xi32, #tpu.memory_space<hbm>> -> memref<1x128x32xi32, #tpu.memory_space<hbm>>
      %dma_start3A_231 = tpu.memref_squeeze %dma_start3A_230 : memref<1x128x32xi32, #tpu.memory_space<hbm>> -> memref<128x32xi32, #tpu.memory_space<hbm>>
      %dma_start3A_232 = arith.constant 0 : i32
      %dma_start3A_233 = arith.constant 0 : i32
      %dma_start3A_234 = tpu.memref_slice %arg4[%add3A_222, %dma_start3A_232, %dma_start3A_233] : memref<2048x128x32xi32, #tpu.memory_space<hbm>> -> memref<1x128x32xi32, #tpu.memory_space<hbm>>
      %dma_start3A_235 = tpu.memref_squeeze %dma_start3A_234 : memref<1x128x32xi32, #tpu.memory_space<hbm>> -> memref<128x32xi32, #tpu.memory_space<hbm>>
      %dma_start3A_236 = arith.constant 0 : i32
      %dma_start3A_237 = arith.constant 0 : i32
      %dma_start3A_238 = tpu.memref_slice %arg6[%dma_start3A_223, %dma_start3A_236, %dma_start3A_237] : memref<4x128x32xi32, #tpu.memory_space<vmem>> -> memref<1x128x32xi32, #tpu.memory_space<vmem>>
      %dma_start3A_239 = tpu.memref_squeeze %dma_start3A_238 : memref<1x128x32xi32, #tpu.memory_space<vmem>> -> memref<128x32xi32, #tpu.memory_space<vmem>>
      tpu.enqueue_dma source(%dma_start3A_239 : memref<128x32xi32, #tpu.memory_space<vmem>>) target(%dma_start3A_235 : memref<128x32xi32, #tpu.memory_space<hbm>>) target_semaphore(%arg8 : memref<!tpu.dma_semaphore, #tpu.memory_space<semaphore_mem>>)
      %dma_wait3A_240 = arith.constant 3 : i32
      %dma_wait3A_241 = arith.constant 0 : i32
      %dma_wait3A_242 = arith.constant 0 : i32
      %dma_wait3A_243 = tpu.memref_slice %arg6[%dma_wait3A_240, %dma_wait3A_241, %dma_wait3A_242] : memref<4x128x32xi32, #tpu.memory_space<vmem>> -> memref<1x128x32xi32, #tpu.memory_space<vmem>>
      %dma_wait3A_244 = tpu.memref_squeeze %dma_wait3A_243 : memref<1x128x32xi32, #tpu.memory_space<vmem>> -> memref<128x32xi32, #tpu.memory_space<vmem>>
      %dma_wait3A_245 = arith.constant 0 : i32
      %dma_wait3A_246 = tpu.memref_slice %arg5[%add3A_129, %dma_wait3A_245] : memref<64x128xi32, #tpu.memory_space<vmem>> -> memref<1x128xi32, #tpu.memory_space<vmem>>
      %dma_wait3A_247 = tpu.memref_squeeze %dma_wait3A_246 : memref<1x128xi32, #tpu.memory_space<vmem>> -> memref<128xi32, #tpu.memory_space<vmem>>
      %dma_wait3A_248 = arith.constant 0 : i32
      %dma_wait3A_249 = arith.constant 0 : i32
      %dma_wait3A_250 = tpu.memref_slice %arg3[%dma_wait3A_248, %dma_wait3A_249] : memref<1000000x32xi32, #tpu.memory_space<hbm>> -> memref<1000000x32xi32, #tpu.memory_space<hbm>>
      tpu.wait_indirect_dma semaphore(%arg7 : memref<!tpu.dma_semaphore, #tpu.memory_space<semaphore_mem>>) src(%dma_wait3A_250 : memref<1000000x32xi32, #tpu.memory_space<hbm>>) dst(%dma_wait3A_244 : memref<128x32xi32, #tpu.memory_space<vmem>>)
      %mul3A_251 = arith.constant 4 : i32
      %mul3A_252 = arith.muli %scan3A_79, %mul3A_251 : i32
      %add3A_253 = arith.addi %mul3A_2, %mul3A_252 : i32
      %add3A_254 = arith.constant 3 : i32
      %add3A_255 = arith.addi %add3A_253, %add3A_254 : i32
      %dma_start3A_256 = arith.constant 3 : i32
      %dma_start3A_257 = arith.constant 0 : i32
      %dma_start3A_258 = arith.constant 0 : i32
      %dma_start3A_259 = tpu.memref_slice %arg6[%dma_start3A_256, %dma_start3A_257, %dma_start3A_258] : memref<4x128x32xi32, #tpu.memory_space<vmem>> -> memref<1x128x32xi32, #tpu.memory_space<vmem>>
      %dma_start3A_260 = tpu.memref_squeeze %dma_start3A_259 : memref<1x128x32xi32, #tpu.memory_space<vmem>> -> memref<128x32xi32, #tpu.memory_space<vmem>>
      %dma_start3A_261 = arith.constant 0 : i32
      %dma_start3A_262 = arith.constant 0 : i32
      %dma_start3A_263 = tpu.memref_slice %arg4[%add3A_255, %dma_start3A_261, %dma_start3A_262] : memref<2048x128x32xi32, #tpu.memory_space<hbm>> -> memref<1x128x32xi32, #tpu.memory_space<hbm>>
      %dma_start3A_264 = tpu.memref_squeeze %dma_start3A_263 : memref<1x128x32xi32, #tpu.memory_space<hbm>> -> memref<128x32xi32, #tpu.memory_space<hbm>>
      %dma_start3A_265 = arith.constant 0 : i32
      %dma_start3A_266 = arith.constant 0 : i32
      %dma_start3A_267 = tpu.memref_slice %arg4[%add3A_255, %dma_start3A_265, %dma_start3A_266] : memref<2048x128x32xi32, #tpu.memory_space<hbm>> -> memref<1x128x32xi32, #tpu.memory_space<hbm>>
      %dma_start3A_268 = tpu.memref_squeeze %dma_start3A_267 : memref<1x128x32xi32, #tpu.memory_space<hbm>> -> memref<128x32xi32, #tpu.memory_space<hbm>>
      %dma_start3A_269 = arith.constant 0 : i32
      %dma_start3A_270 = arith.constant 0 : i32
      %dma_start3A_271 = tpu.memref_slice %arg6[%dma_start3A_256, %dma_start3A_269, %dma_start3A_270] : memref<4x128x32xi32, #tpu.memory_space<vmem>> -> memref<1x128x32xi32, #tpu.memory_space<vmem>>
      %dma_start3A_272 = tpu.memref_squeeze %dma_start3A_271 : memref<1x128x32xi32, #tpu.memory_space<vmem>> -> memref<128x32xi32, #tpu.memory_space<vmem>>
      tpu.enqueue_dma source(%dma_start3A_272 : memref<128x32xi32, #tpu.memory_space<vmem>>) target(%dma_start3A_268 : memref<128x32xi32, #tpu.memory_space<hbm>>) target_semaphore(%arg8 : memref<!tpu.dma_semaphore, #tpu.memory_space<semaphore_mem>>)
    }
    %scan3A_7 = arith.constant 16 : i32
    %dma_wait3A = arith.constant 0 : i32
    %dma_wait3A_8 = arith.constant 0 : i32
    %dma_wait3A_9 = arith.constant 0 : i32
    %dma_wait3A_10 = arith.constant 0 : i32
    %dma_wait3A_11 = tpu.memref_slice %arg6[%dma_wait3A, %dma_wait3A_9, %dma_wait3A_10] : memref<4x128x32xi32, #tpu.memory_space<vmem>> -> memref<1x128x32xi32, #tpu.memory_space<vmem>>
    %dma_wait3A_12 = tpu.memref_squeeze %dma_wait3A_11 : memref<1x128x32xi32, #tpu.memory_space<vmem>> -> memref<128x32xi32, #tpu.memory_space<vmem>>
    %dma_wait3A_13 = arith.constant 0 : i32
    %dma_wait3A_14 = arith.constant 0 : i32
    %dma_wait3A_15 = tpu.memref_slice %arg4[%dma_wait3A_8, %dma_wait3A_13, %dma_wait3A_14] : memref<2048x128x32xi32, #tpu.memory_space<hbm>> -> memref<1x128x32xi32, #tpu.memory_space<hbm>>
    %dma_wait3A_16 = tpu.memref_squeeze %dma_wait3A_15 : memref<1x128x32xi32, #tpu.memory_space<hbm>> -> memref<128x32xi32, #tpu.memory_space<hbm>>
    %dma_wait3A_17 = arith.constant 0 : i32
    %dma_wait3A_18 = arith.constant 0 : i32
    %dma_wait3A_19 = tpu.memref_slice %arg4[%dma_wait3A_8, %dma_wait3A_17, %dma_wait3A_18] : memref<2048x128x32xi32, #tpu.memory_space<hbm>> -> memref<1x128x32xi32, #tpu.memory_space<hbm>>
    %dma_wait3A_20 = tpu.memref_squeeze %dma_wait3A_19 : memref<1x128x32xi32, #tpu.memory_space<hbm>> -> memref<128x32xi32, #tpu.memory_space<hbm>>
    %dma_wait3A_21 = arith.constant 0 : i32
    %dma_wait3A_22 = arith.constant 0 : i32
    %dma_wait3A_23 = tpu.memref_slice %arg6[%dma_wait3A, %dma_wait3A_21, %dma_wait3A_22] : memref<4x128x32xi32, #tpu.memory_space<vmem>> -> memref<1x128x32xi32, #tpu.memory_space<vmem>>
    %dma_wait3A_24 = tpu.memref_squeeze %dma_wait3A_23 : memref<1x128x32xi32, #tpu.memory_space<vmem>> -> memref<128x32xi32, #tpu.memory_space<vmem>>
    tpu.wait_dma2 semaphore(%arg8 : memref<!tpu.dma_semaphore, #tpu.memory_space<semaphore_mem>>) src(%dma_wait3A_24 : memref<128x32xi32, #tpu.memory_space<vmem>>) dst(%dma_wait3A_20 : memref<128x32xi32, #tpu.memory_space<hbm>>)
    %dma_wait3A_25 = arith.constant 1 : i32
    %dma_wait3A_26 = arith.constant 1 : i32
    %dma_wait3A_27 = arith.constant 0 : i32
    %dma_wait3A_28 = arith.constant 0 : i32
    %dma_wait3A_29 = tpu.memref_slice %arg6[%dma_wait3A_25, %dma_wait3A_27, %dma_wait3A_28] : memref<4x128x32xi32, #tpu.memory_space<vmem>> -> memref<1x128x32xi32, #tpu.memory_space<vmem>>
    %dma_wait3A_30 = tpu.memref_squeeze %dma_wait3A_29 : memref<1x128x32xi32, #tpu.memory_space<vmem>> -> memref<128x32xi32, #tpu.memory_space<vmem>>
    %dma_wait3A_31 = arith.constant 0 : i32
    %dma_wait3A_32 = arith.constant 0 : i32
    %dma_wait3A_33 = tpu.memref_slice %arg4[%dma_wait3A_26, %dma_wait3A_31, %dma_wait3A_32] : memref<2048x128x32xi32, #tpu.memory_space<hbm>> -> memref<1x128x32xi32, #tpu.memory_space<hbm>>
    %dma_wait3A_34 = tpu.memref_squeeze %dma_wait3A_33 : memref<1x128x32xi32, #tpu.memory_space<hbm>> -> memref<128x32xi32, #tpu.memory_space<hbm>>
    %dma_wait3A_35 = arith.constant 0 : i32
    %dma_wait3A_36 = arith.constant 0 : i32
    %dma_wait3A_37 = tpu.memref_slice %arg4[%dma_wait3A_26, %dma_wait3A_35, %dma_wait3A_36] : memref<2048x128x32xi32, #tpu.memory_space<hbm>> -> memref<1x128x32xi32, #tpu.memory_space<hbm>>
    %dma_wait3A_38 = tpu.memref_squeeze %dma_wait3A_37 : memref<1x128x32xi32, #tpu.memory_space<hbm>> -> memref<128x32xi32, #tpu.memory_space<hbm>>
    %dma_wait3A_39 = arith.constant 0 : i32
    %dma_wait3A_40 = arith.constant 0 : i32
    %dma_wait3A_41 = tpu.memref_slice %arg6[%dma_wait3A_25, %dma_wait3A_39, %dma_wait3A_40] : memref<4x128x32xi32, #tpu.memory_space<vmem>> -> memref<1x128x32xi32, #tpu.memory_space<vmem>>
    %dma_wait3A_42 = tpu.memref_squeeze %dma_wait3A_41 : memref<1x128x32xi32, #tpu.memory_space<vmem>> -> memref<128x32xi32, #tpu.memory_space<vmem>>
    tpu.wait_dma2 semaphore(%arg8 : memref<!tpu.dma_semaphore, #tpu.memory_space<semaphore_mem>>) src(%dma_wait3A_42 : memref<128x32xi32, #tpu.memory_space<vmem>>) dst(%dma_wait3A_38 : memref<128x32xi32, #tpu.memory_space<hbm>>)
    %dma_wait3A_43 = arith.constant 2 : i32
    %dma_wait3A_44 = arith.constant 2 : i32
    %dma_wait3A_45 = arith.constant 0 : i32
    %dma_wait3A_46 = arith.constant 0 : i32
    %dma_wait3A_47 = tpu.memref_slice %arg6[%dma_wait3A_43, %dma_wait3A_45, %dma_wait3A_46] : memref<4x128x32xi32, #tpu.memory_space<vmem>> -> memref<1x128x32xi32, #tpu.memory_space<vmem>>
    %dma_wait3A_48 = tpu.memref_squeeze %dma_wait3A_47 : memref<1x128x32xi32, #tpu.memory_space<vmem>> -> memref<128x32xi32, #tpu.memory_space<vmem>>
    %dma_wait3A_49 = arith.constant 0 : i32
    %dma_wait3A_50 = arith.constant 0 : i32
    %dma_wait3A_51 = tpu.memref_slice %arg4[%dma_wait3A_44, %dma_wait3A_49, %dma_wait3A_50] : memref<2048x128x32xi32, #tpu.memory_space<hbm>> -> memref<1x128x32xi32, #tpu.memory_space<hbm>>
    %dma_wait3A_52 = tpu.memref_squeeze %dma_wait3A_51 : memref<1x128x32xi32, #tpu.memory_space<hbm>> -> memref<128x32xi32, #tpu.memory_space<hbm>>
    %dma_wait3A_53 = arith.constant 0 : i32
    %dma_wait3A_54 = arith.constant 0 : i32
    %dma_wait3A_55 = tpu.memref_slice %arg4[%dma_wait3A_44, %dma_wait3A_53, %dma_wait3A_54] : memref<2048x128x32xi32, #tpu.memory_space<hbm>> -> memref<1x128x32xi32, #tpu.memory_space<hbm>>
    %dma_wait3A_56 = tpu.memref_squeeze %dma_wait3A_55 : memref<1x128x32xi32, #tpu.memory_space<hbm>> -> memref<128x32xi32, #tpu.memory_space<hbm>>
    %dma_wait3A_57 = arith.constant 0 : i32
    %dma_wait3A_58 = arith.constant 0 : i32
    %dma_wait3A_59 = tpu.memref_slice %arg6[%dma_wait3A_43, %dma_wait3A_57, %dma_wait3A_58] : memref<4x128x32xi32, #tpu.memory_space<vmem>> -> memref<1x128x32xi32, #tpu.memory_space<vmem>>
    %dma_wait3A_60 = tpu.memref_squeeze %dma_wait3A_59 : memref<1x128x32xi32, #tpu.memory_space<vmem>> -> memref<128x32xi32, #tpu.memory_space<vmem>>
    tpu.wait_dma2 semaphore(%arg8 : memref<!tpu.dma_semaphore, #tpu.memory_space<semaphore_mem>>) src(%dma_wait3A_60 : memref<128x32xi32, #tpu.memory_space<vmem>>) dst(%dma_wait3A_56 : memref<128x32xi32, #tpu.memory_space<hbm>>)
    %dma_wait3A_61 = arith.constant 3 : i32
    %dma_wait3A_62 = arith.constant 3 : i32
    %dma_wait3A_63 = arith.constant 0 : i32
    %dma_wait3A_64 = arith.constant 0 : i32
    %dma_wait3A_65 = tpu.memref_slice %arg6[%dma_wait3A_61, %dma_wait3A_63, %dma_wait3A_64] : memref<4x128x32xi32, #tpu.memory_space<vmem>> -> memref<1x128x32xi32, #tpu.memory_space<vmem>>
    %dma_wait3A_66 = tpu.memref_squeeze %dma_wait3A_65 : memref<1x128x32xi32, #tpu.memory_space<vmem>> -> memref<128x32xi32, #tpu.memory_space<vmem>>
    %dma_wait3A_67 = arith.constant 0 : i32
    %dma_wait3A_68 = arith.constant 0 : i32
    %dma_wait3A_69 = tpu.memref_slice %arg4[%dma_wait3A_62, %dma_wait3A_67, %dma_wait3A_68] : memref<2048x128x32xi32, #tpu.memory_space<hbm>> -> memref<1x128x32xi32, #tpu.memory_space<hbm>>
    %dma_wait3A_70 = tpu.memref_squeeze %dma_wait3A_69 : memref<1x128x32xi32, #tpu.memory_space<hbm>> -> memref<128x32xi32, #tpu.memory_space<hbm>>
    %dma_wait3A_71 = arith.constant 0 : i32
    %dma_wait3A_72 = arith.constant 0 : i32
    %dma_wait3A_73 = tpu.memref_slice %arg4[%dma_wait3A_62, %dma_wait3A_71, %dma_wait3A_72] : memref<2048x128x32xi32, #tpu.memory_space<hbm>> -> memref<1x128x32xi32, #tpu.memory_space<hbm>>
    %dma_wait3A_74 = tpu.memref_squeeze %dma_wait3A_73 : memref<1x128x32xi32, #tpu.memory_space<hbm>> -> memref<128x32xi32, #tpu.memory_space<hbm>>
    %dma_wait3A_75 = arith.constant 0 : i32
    %dma_wait3A_76 = arith.constant 0 : i32
    %dma_wait3A_77 = tpu.memref_slice %arg6[%dma_wait3A_61, %dma_wait3A_75, %dma_wait3A_76] : memref<4x128x32xi32, #tpu.memory_space<vmem>> -> memref<1x128x32xi32, #tpu.memory_space<vmem>>
    %dma_wait3A_78 = tpu.memref_squeeze %dma_wait3A_77 : memref<1x128x32xi32, #tpu.memory_space<vmem>> -> memref<128x32xi32, #tpu.memory_space<vmem>>
    tpu.wait_dma2 semaphore(%arg8 : memref<!tpu.dma_semaphore, #tpu.memory_space<semaphore_mem>>) src(%dma_wait3A_78 : memref<128x32xi32, #tpu.memory_space<vmem>>) dst(%dma_wait3A_74 : memref<128x32xi32, #tpu.memory_space<hbm>>)
    return
  }
}

module attributes {stable_mosaic.version = 14 : i64} {
  func.func @_mm_body(%arg0: i32, %arg1: memref<512x128xi32, #tpu.memory_space<vmem>>, %arg2: memref<512x128xi32, #tpu.memory_space<vmem>>, %arg3: memref<512x128xi32, #tpu.memory_space<vmem>>, %arg4: memref<128x256xf32, #tpu.memory_space<vmem>>, %arg5: memref<128x256xf32, #tpu.memory_space<vmem>>, %arg6: memref<128x256xf32, #tpu.memory_space<vmem>>, %arg7: memref<128x256xf32, #tpu.memory_space<vmem>>, %arg8: memref<128x256xf32, #tpu.memory_space<vmem>>, %arg9: memref<128x256xf32, #tpu.memory_space<vmem>>, %arg10: memref<1x256xf32, #tpu.memory_space<vmem>>, %arg11: memref<512x256xf32, #tpu.memory_space<vmem>>) attributes {dimension_semantics = [#tpu.dimension_semantics<arbitrary>], iteration_bounds = array<i64: 128>, scalar_prefetch = 0 : i64, scratch_operands = 0 : i64, tpu.core_type = #tpu.core_type<tc>, window_params = [{transform_indices = @transform_0, window_bounds = array<i64: 512, 128>}, {transform_indices = @transform_1, window_bounds = array<i64: 512, 128>}, {transform_indices = @transform_2, window_bounds = array<i64: 512, 128>}, {pipeline_mode = #tpu.pipeline_mode<synchronous>, transform_indices = @transform_3, window_bounds = array<i64: 128, 256>}, {pipeline_mode = #tpu.pipeline_mode<synchronous>, transform_indices = @transform_4, window_bounds = array<i64: 128, 256>}, {pipeline_mode = #tpu.pipeline_mode<synchronous>, transform_indices = @transform_5, window_bounds = array<i64: 128, 256>}, {pipeline_mode = #tpu.pipeline_mode<synchronous>, transform_indices = @transform_6, window_bounds = array<i64: 128, 256>}, {pipeline_mode = #tpu.pipeline_mode<synchronous>, transform_indices = @transform_7, window_bounds = array<i64: 128, 256>}, {pipeline_mode = #tpu.pipeline_mode<synchronous>, transform_indices = @transform_8, window_bounds = array<i64: 128, 256>}, {pipeline_mode = #tpu.pipeline_mode<synchronous>, transform_indices = @transform_9, window_bounds = array<i64: 1, 256>}, {transform_indices = @transform_10, window_bounds = array<i64: 512, 256>}]} {
    %get3A = arith.constant 0 : index
    %get3A_0 = arith.constant 0 : index
    %get3A_1 = vector.load %arg10[%get3A, %get3A_0] : memref<1x256xf32, #tpu.memory_space<vmem>>, vector<1x256xf32>
    %get3A_2 = arith.constant 0 : index
    %get3A_3 = arith.constant 0 : index
    %get3A_4 = vector.load %arg1[%get3A_2, %get3A_3] : memref<512x128xi32, #tpu.memory_space<vmem>>, vector<512x128xi32>
    %shift_left3A = arith.constant 16 : i32
    %shift_left3A_5 = vector.broadcast %shift_left3A : i32 to vector<512x128xi32>
    %shift_left3A_6 = arith.shli %get3A_4, %shift_left3A_5 : vector<512x128xi32>
    %bitcast_convert_type3A = tpu.bitcast %shift_left3A_6 : vector<512x128xi32> -> vector<512x128xf32>
    %and3A = arith.constant -65536 : i32
    %and3A_7 = vector.broadcast %and3A : i32 to vector<512x128xi32>
    %and3A_8 = arith.andi %get3A_4, %and3A_7 : vector<512x128xi32>
    %bitcast_convert_type3A_9 = tpu.bitcast %and3A_8 : vector<512x128xi32> -> vector<512x128xf32>
    %get3A_10 = arith.constant 0 : index
    %get3A_11 = arith.constant 0 : index
    %get3A_12 = vector.load %arg4[%get3A_10, %get3A_11] : memref<128x256xf32, #tpu.memory_space<vmem>>, vector<128x256xf32>
    %dot_general3A = arith.constant dense<0.000000e+00> : vector<512x256xf32>
    %dot_general3A_13 = tpu.matmul %bitcast_convert_type3A, %get3A_12, %dot_general3A {dimension_numbers = #tpu.dot_dimension_numbers<[1], [0], [0], [1], [0, 0, 1, 1], [], []>, transpose_lhs_hint = false} : vector<512x128xf32>, vector<128x256xf32>, vector<512x256xf32> -> vector<512x256xf32>
    %add3A = vector.broadcast %get3A_1 : vector<1x256xf32> to vector<512x256xf32>
    %add3A_14 = arith.addf %add3A, %dot_general3A_13 : vector<512x256xf32>
    %get3A_15 = arith.constant 0 : index
    %get3A_16 = arith.constant 0 : index
    %get3A_17 = vector.load %arg5[%get3A_15, %get3A_16] : memref<128x256xf32, #tpu.memory_space<vmem>>, vector<128x256xf32>
    %dot_general3A_18 = arith.constant dense<0.000000e+00> : vector<512x256xf32>
    %dot_general3A_19 = tpu.matmul %bitcast_convert_type3A_9, %get3A_17, %dot_general3A_18 {dimension_numbers = #tpu.dot_dimension_numbers<[1], [0], [0], [1], [0, 0, 1, 1], [], []>, transpose_lhs_hint = false} : vector<512x128xf32>, vector<128x256xf32>, vector<512x256xf32> -> vector<512x256xf32>
    %add3A_20 = arith.addf %add3A_14, %dot_general3A_19 : vector<512x256xf32>
    %get3A_21 = arith.constant 0 : index
    %get3A_22 = arith.constant 0 : index
    %get3A_23 = vector.load %arg2[%get3A_21, %get3A_22] : memref<512x128xi32, #tpu.memory_space<vmem>>, vector<512x128xi32>
    %shift_left3A_24 = arith.constant 16 : i32
    %shift_left3A_25 = vector.broadcast %shift_left3A_24 : i32 to vector<512x128xi32>
    %shift_left3A_26 = arith.shli %get3A_23, %shift_left3A_25 : vector<512x128xi32>
    %bitcast_convert_type3A_27 = tpu.bitcast %shift_left3A_26 : vector<512x128xi32> -> vector<512x128xf32>
    %and3A_28 = arith.constant -65536 : i32
    %and3A_29 = vector.broadcast %and3A_28 : i32 to vector<512x128xi32>
    %and3A_30 = arith.andi %get3A_23, %and3A_29 : vector<512x128xi32>
    %bitcast_convert_type3A_31 = tpu.bitcast %and3A_30 : vector<512x128xi32> -> vector<512x128xf32>
    %get3A_32 = arith.constant 0 : index
    %get3A_33 = arith.constant 0 : index
    %get3A_34 = vector.load %arg6[%get3A_32, %get3A_33] : memref<128x256xf32, #tpu.memory_space<vmem>>, vector<128x256xf32>
    %dot_general3A_35 = arith.constant dense<0.000000e+00> : vector<512x256xf32>
    %dot_general3A_36 = tpu.matmul %bitcast_convert_type3A_27, %get3A_34, %dot_general3A_35 {dimension_numbers = #tpu.dot_dimension_numbers<[1], [0], [0], [1], [0, 0, 1, 1], [], []>, transpose_lhs_hint = false} : vector<512x128xf32>, vector<128x256xf32>, vector<512x256xf32> -> vector<512x256xf32>
    %add3A_37 = arith.addf %add3A_20, %dot_general3A_36 : vector<512x256xf32>
    %get3A_38 = arith.constant 0 : index
    %get3A_39 = arith.constant 0 : index
    %get3A_40 = vector.load %arg7[%get3A_38, %get3A_39] : memref<128x256xf32, #tpu.memory_space<vmem>>, vector<128x256xf32>
    %dot_general3A_41 = arith.constant dense<0.000000e+00> : vector<512x256xf32>
    %dot_general3A_42 = tpu.matmul %bitcast_convert_type3A_31, %get3A_40, %dot_general3A_41 {dimension_numbers = #tpu.dot_dimension_numbers<[1], [0], [0], [1], [0, 0, 1, 1], [], []>, transpose_lhs_hint = false} : vector<512x128xf32>, vector<128x256xf32>, vector<512x256xf32> -> vector<512x256xf32>
    %add3A_43 = arith.addf %add3A_37, %dot_general3A_42 : vector<512x256xf32>
    %get3A_44 = arith.constant 0 : index
    %get3A_45 = arith.constant 0 : index
    %get3A_46 = vector.load %arg3[%get3A_44, %get3A_45] : memref<512x128xi32, #tpu.memory_space<vmem>>, vector<512x128xi32>
    %shift_left3A_47 = arith.constant 16 : i32
    %shift_left3A_48 = vector.broadcast %shift_left3A_47 : i32 to vector<512x128xi32>
    %shift_left3A_49 = arith.shli %get3A_46, %shift_left3A_48 : vector<512x128xi32>
    %bitcast_convert_type3A_50 = tpu.bitcast %shift_left3A_49 : vector<512x128xi32> -> vector<512x128xf32>
    %and3A_51 = arith.constant -65536 : i32
    %and3A_52 = vector.broadcast %and3A_51 : i32 to vector<512x128xi32>
    %and3A_53 = arith.andi %get3A_46, %and3A_52 : vector<512x128xi32>
    %bitcast_convert_type3A_54 = tpu.bitcast %and3A_53 : vector<512x128xi32> -> vector<512x128xf32>
    %get3A_55 = arith.constant 0 : index
    %get3A_56 = arith.constant 0 : index
    %get3A_57 = vector.load %arg8[%get3A_55, %get3A_56] : memref<128x256xf32, #tpu.memory_space<vmem>>, vector<128x256xf32>
    %dot_general3A_58 = arith.constant dense<0.000000e+00> : vector<512x256xf32>
    %dot_general3A_59 = tpu.matmul %bitcast_convert_type3A_50, %get3A_57, %dot_general3A_58 {dimension_numbers = #tpu.dot_dimension_numbers<[1], [0], [0], [1], [0, 0, 1, 1], [], []>, transpose_lhs_hint = false} : vector<512x128xf32>, vector<128x256xf32>, vector<512x256xf32> -> vector<512x256xf32>
    %add3A_60 = arith.addf %add3A_43, %dot_general3A_59 : vector<512x256xf32>
    %get3A_61 = arith.constant 0 : index
    %get3A_62 = arith.constant 0 : index
    %get3A_63 = vector.load %arg9[%get3A_61, %get3A_62] : memref<128x256xf32, #tpu.memory_space<vmem>>, vector<128x256xf32>
    %dot_general3A_64 = arith.constant dense<0.000000e+00> : vector<512x256xf32>
    %dot_general3A_65 = tpu.matmul %bitcast_convert_type3A_54, %get3A_63, %dot_general3A_64 {dimension_numbers = #tpu.dot_dimension_numbers<[1], [0], [0], [1], [0, 0, 1, 1], [], []>, transpose_lhs_hint = false} : vector<512x128xf32>, vector<128x256xf32>, vector<512x256xf32> -> vector<512x256xf32>
    %add3A_66 = arith.addf %add3A_60, %dot_general3A_65 : vector<512x256xf32>
    %swap3A = arith.constant 0 : index
    %swap3A_67 = arith.constant 0 : index
    %swap3A_68 = vector.load %arg11[%swap3A, %swap3A_67] : memref<512x256xf32, #tpu.memory_space<vmem>>, vector<512x256xf32>
    tpu.vector_store %arg11[%swap3A, %swap3A_67], %add3A_66 {strides = array<i32>} : memref<512x256xf32, #tpu.memory_space<vmem>>, vector<512x256xf32>,
    return
  }
  func.func @transform_0(%arg0: i32) -> (i32, i32) {
    %c0_i32 = arith.constant 0 : i32
    %c0_i32_0 = arith.constant 0 : i32
    return %arg0, %c0_i32 : i32, i32
  }
  func.func @transform_1(%arg0: i32) -> (i32, i32) {
    %c0_i32 = arith.constant 0 : i32
    %c0_i32_0 = arith.constant 0 : i32
    return %arg0, %c0_i32 : i32, i32
  }
  func.func @transform_2(%arg0: i32) -> (i32, i32) {
    %c0_i32 = arith.constant 0 : i32
    %c0_i32_0 = arith.constant 0 : i32
    return %arg0, %c0_i32 : i32, i32
  }
  func.func @transform_3(%arg0: i32) -> (i32, i32) {
    %c0_i32 = arith.constant 0 : i32
    %c0_i32_0 = arith.constant 0 : i32
    %c0_i32_1 = arith.constant 0 : i32
    return %c0_i32, %c0_i32_0 : i32, i32
  }
  func.func @transform_4(%arg0: i32) -> (i32, i32) {
    %c0_i32 = arith.constant 0 : i32
    %c0_i32_0 = arith.constant 0 : i32
    %c0_i32_1 = arith.constant 0 : i32
    return %c0_i32, %c0_i32_0 : i32, i32
  }
  func.func @transform_5(%arg0: i32) -> (i32, i32) {
    %c0_i32 = arith.constant 0 : i32
    %c0_i32_0 = arith.constant 0 : i32
    %c0_i32_1 = arith.constant 0 : i32
    return %c0_i32, %c0_i32_0 : i32, i32
  }
  func.func @transform_6(%arg0: i32) -> (i32, i32) {
    %c0_i32 = arith.constant 0 : i32
    %c0_i32_0 = arith.constant 0 : i32
    %c0_i32_1 = arith.constant 0 : i32
    return %c0_i32, %c0_i32_0 : i32, i32
  }
  func.func @transform_7(%arg0: i32) -> (i32, i32) {
    %c0_i32 = arith.constant 0 : i32
    %c0_i32_0 = arith.constant 0 : i32
    %c0_i32_1 = arith.constant 0 : i32
    return %c0_i32, %c0_i32_0 : i32, i32
  }
  func.func @transform_8(%arg0: i32) -> (i32, i32) {
    %c0_i32 = arith.constant 0 : i32
    %c0_i32_0 = arith.constant 0 : i32
    %c0_i32_1 = arith.constant 0 : i32
    return %c0_i32, %c0_i32_0 : i32, i32
  }
  func.func @transform_9(%arg0: i32) -> (i32, i32) {
    %c0_i32 = arith.constant 0 : i32
    %c0_i32_0 = arith.constant 0 : i32
    %c0_i32_1 = arith.constant 0 : i32
    return %c0_i32, %c0_i32_0 : i32, i32
  }
  func.func @transform_10(%arg0: i32) -> (i32, i32) {
    %c0_i32 = arith.constant 0 : i32
    %c0_i32_0 = arith.constant 0 : i32
    return %arg0, %c0_i32 : i32, i32
  }
}

</mosaic_0001>

<sc_bundles>
// kernel: kernel.5.cloned.1.call-start
scs
__scs_entry_jumppad:
0x0: {  	(pc) =	sbr.rel $0x88, $3  }
0x1: {  	(tag) =	ssettag $0x0;
	lr =	simm.s32 $0x1  }
0x2: {  	[smem:$0x3F9C] =	sst lr;
	_ =	strace $0xD0000000  }
0x3: {  	_ = 	snop  }
0x4: {  	_ = 	snop  }
0x5: {  	_ = 	snop  }
0x6: {  	_ = 	snop  }
0x7: {  	_ = 	snop  }
__scs_overlays_trampoline_lowered:
0x8: {  	[smem:$0x3FAB] =	sst s0  }
0x9: {  	[smem:$0x3FAC] =	sst s1  }
0xa: {  	[smem:$0x3FAD] =	sst s2  }
0xb: {  	[smem:$0x3FAE] =	sst s3  }
0xc: {  	[smem:$0x3FAF] =	sst s4  }
0xd: {  	[smem:$0x3FB0] =	sst s5  }
0xe: {  	[smem:$0x3FB1] =	sst s6  }
0xf: {  	[smem:$0x3FB2] =	sst s7  }
0x10: {  	[smem:$0x3FB3] =	sst s8  }
0x11: {  	[smem:$0x3FB4] =	sst s9;
	s0 =	simm.s32 @!p0 $0x0  }
0x12: {  	s1 =	sld [smem:$0x3F9A];
	s0 =	simm.s32 @p0 $0x1  }
0x13: {  	[smem:$0x3FB5] =	sst s0;
	s0 =	simm.s32 @!p1 $0x0  }
0x14: {  	s2 =	sld [smem:$0x3F99];
	s0 =	simm.s32 @p1 $0x1  }
0x15: {  	[smem:$0x3FB6] =	sst s0;
	s0 =	simm.s32 @!p2 $0x0  }
0x16: {  	s3 =	sld [smem:$0x3FDB];
	s0 =	simm.s32 @p2 $0x1  }
0x17: {  	s4 =	simm.s32 $0x1BF5;
	[smem:$0x3FB8] =	sst s0  }
0x18: {  	s0 =	sld [smem:$0x3F9B];
	_ =	swait.ge [sflag:s4], $0x0  }
0x19: {  	s7 =	sld [smem:$0x3F9C]  }
0x1a: {  	s8 =	sadd.s32 $0xFFFFE003, lr  }
0x1b: {  	s9 =	sadd.s32 $0xFFFFFEF7, lr;
	s5 =	simm.s32 $0xFFFFFFFF;
	p2 =	slt.u32 s8, $0xFFFFF086  }
0x1c: {  	p1 =	slt.u32 s9, $0xF7A;
	s5 =	simm.s32 @!p2 $0x0  }
0x1d: {  	s5 =	simm.s32 @p1 $0x1;
	p0 =	seq.s32 s7, s2  }
0x1e: {  	s7 =	smul.u32 @!p0 $0xF7A, s2;
	p2 =	seq.s32 @!p0 s5, $0x0  }
0x1f: {  	s9 =	smul.u32 $0xF7A, s1;
	s8 =	simm.s32 @!p0 $0x1BF5;
	p2 =	por !p2, p0  }
0x20: {  	[sflag:s8] =	ssyncset.s32 @!p0 $0xFFFFF086;
	s6 =	sadd.s32 @!p0 s3, s7;
	s7 =	simm.s32 @!p0 $0x108  }
0x21: {  	s3 =	sadd.s32 s3, s9;
	s6 =	sadd.s32 @!p0 $0x88, s6;
	s7 =	simm.s32 @p2 $0x1082  }
0x22: {  	[simem:s7], [sflag:s8] =	dma.local @!p0 [hbm:s6], $0xF7A  }
0x23: {  	s9 =	sor.u32 $0xD0000000, s2;
	s6 =	simm.s32 $0x108;
	_ =	swait.ge @!p0 [sflag:s8], $0x0  }
0x24: {  	s3 =	sadd.s32 $0x88, s3;
	s6 =	simm.s32 @!p1 $0x1082;
	[sflag:s4] =	ssyncset.s32 $0xFFFFF086  }
0x25: {  	[simem:s6], [sflag:s4] =	dma.local [hbm:s3], $0xF7A  }
0x26: {  	[smem:$0x3F9C] =	sst s1;
	(tag) =	ssettag s2;
	_ =	strace s9  }
0x27: {  	s1 =	sld [smem:$0x3FAC]  }
0x28: {  	s2 =	sld [smem:$0x3FAD]  }
0x29: {  	s4 =	sld [smem:$0x3FAF]  }
0x2a: {  	p0 =	seq.s32 s5, $0x0;
	s5 =	sld [smem:$0x3FB0]  }
0x2b: {  	s6 =	sld [smem:$0x3FB1]  }
0x2c: {  	s7 =	sld [smem:$0x3FB2]  }
0x2d: {  	s3 =	simm.s32 $0x108;
	s8 =	sld [smem:$0x3FB3]  }
0x2e: {  	s3 =	simm.s32 @!p0 $0x1082;
	s9 =	sld [smem:$0x3FB4]  }
0x2f: {  	lr =	sadd.s32 s0, s3;
	s0 =	sld [smem:$0x3FAB]  }
0x30: {  	s3 =	sld [smem:$0x3FAE]  }
0x31: {  	[smem:$0x3FB7] =	sst s10  }
0x32: {  	s10 =	sld [smem:$0x3FB5];
	_ =	sdelay $0x3  }
0x33: {  	p0 =	seq.s32 s10, $0x1;
	s10 =	sld [smem:$0x3FB7];
	_ =	sdelay $0x3  }
0x34: {  	[smem:$0x3FB7] =	sst s10  }
0x35: {  	s10 =	sld [smem:$0x3FB6];
	_ =	sdelay $0x3  }
0x36: {  	p1 =	seq.s32 s10, $0x1;
	s10 =	sld [smem:$0x3FB7];
	_ =	sdelay $0x3  }
0x37: {  	[smem:$0x3FB7] =	sst s10  }
0x38: {  	s10 =	sld [smem:$0x3FB8]  }
0x39: {  	_ = 	snop;
	(pc) =	sbr.ind lr, $3  }
0x3a: {  	_ = 	snop  }
0x3b: {  	_ = 	snop  }
0x3c: {  	p2 =	seq.s32 s10, $0x1;
	s10 =	sld [smem:$0x3FB7]  }
0x3d: {  	_ =	shalt  }
0x3e: {  	_ =	shalt  }
0x3f: {  	_ =	shalt  }
0x40: {  	_ =	shalt  }
0x41: {  	_ =	shalt  }
0x42: {  	_ =	shalt  }
0x43: {  	_ =	shalt  }
0x44: {  	_ =	shalt  }
0x45: {  	_ =	shalt  }
0x46: {  	_ =	shalt  }
0x47: {  	_ =	shalt  }
0x48: {  	_ =	shalt  }
0x49: {  	_ =	shalt  }
0x4a: {  	_ =	shalt  }
0x4b: {  	_ =	shalt  }
0x4c: {  	_ =	shalt  }
0x4d: {  	_ =	shalt  }
0x4e: {  	_ =	shalt  }
0x4f: {  	_ =	shalt  }
0x50: {  	_ =	shalt  }
0x51: {  	_ =	shalt  }
0x52: {  	_ =	shalt  }
0x53: {  	_ =	shalt  }
0x54: {  	_ =	shalt  }
0x55: {  	_ =	shalt  }
0x56: {  	_ =	shalt  }
0x57: {  	_ =	shalt  }
0x58: {  	_ =	shalt  }
0x59: {  	_ =	shalt  }
0x5a: {  	_ =	shalt  }
0x5b: {  	_ =	shalt  }
0x5c: {  	_ =	shalt  }
0x5d: {  	_ =	shalt  }
0x5e: {  	_ =	shalt  }
0x5f: {  	_ =	shalt  }
0x60: {  	_ =	shalt  }
0x61: {  	_ =	shalt  }
0x62: {  	_ =	shalt  }
0x63: {  	_ =	shalt  }
0x64: {  	_ =	shalt  }
0x65: {  	_ =	shalt  }
0x66: {  	_ =	shalt  }
0x67: {  	_ =	shalt  }
0x68: {  	_ =	shalt  }
0x69: {  	_ =	shalt  }
0x6a: {  	_ =	shalt  }
0x6b: {  	_ =	shalt  }
0x6c: {  	_ =	shalt  }
0x6d: {  	_ =	shalt  }
0x6e: {  	_ =	shalt  }
0x6f: {  	_ =	shalt  }
0x70: {  	_ =	shalt  }
0x71: {  	_ =	shalt  }
0x72: {  	_ =	shalt  }
0x73: {  	_ =	shalt  }
0x74: {  	_ =	shalt  }
0x75: {  	_ =	shalt  }
0x76: {  	_ =	shalt  }
0x77: {  	_ =	shalt  }
0x78: {  	_ =	shalt  }
0x79: {  	_ =	shalt  }
0x7a: {  	_ =	shalt  }
0x7b: {  	_ =	shalt  }
0x7c: {  	_ =	shalt  }
0x7d: {  	_ =	shalt  }
0x7e: {  	_ =	shalt  }
0x7f: {  	_ =	shalt  }
0x80: {  	_ =	shalt  }
0x81: {  	_ =	shalt  }
0x82: {  	_ =	shalt  }
0x83: {  	_ =	shalt  }
0x84: {  	_ =	shalt  }
0x85: {  	_ =	shalt  }
0x86: {  	_ =	shalt  }
0x87: {  	_ =	shalt  }
.Lfunc_end0:
.L_simem_size_0:
called_computation.3_lowered:
.L_overlay_start_0:
0x88: {  	s2 =	sld [smem:$0x3FD9]  }
0x89: {  	s3 =	sld [smem:$0x3FFE];
	_ =	sdelay $0x1  }
0x8a: {  	s1 =	srdreg.scid  }
0x8b: {  	s0 =	sand.u32 $0x1, s1  }
0x8c: {  	s17 =	sshll.u32 s0, $0xA;
	s2 =	sadd.s32 s3, s2  }
0x8d: {  	s2 =	sadd.s32 s2, s17  }
0x8e: {  	[smem:$0x3FC3] =	sst s2  }
0x8f: {  	_ = 	snop  }
0x90: {  	(tm) =	ssettm $0x1  }
0x91: {  	s18 =	sld [smem:$0x3FFB];
	_ =	sdelay $0x3  }
0x92: {  	_ =	strace s18  }
0x93: {  	s2 =	sld [smem:$0x3FFC];
	_ =	sdelay $0x3  }
0x94: {  	_ =	strace s2  }
0x95: {  	s2 =	sld [smem:$0x3FFD];
	_ =	sdelay $0x3  }
0x96: {  	_ =	strace s2  }
0x97: {  	_ =	strace $0x8FFFFFFF  }
0x98: {  	s19 =	sld [smem:$0x3FDB];
	_ =	sdelay $0x1  }
0x99: {  	s20 =	simm.s32 $_scs_section_size  }
0x9a: {  	s4 =	simm.s32 $_size__tile_overlayer_lowered;
	s5 =	simm.s32 $_tile_overlayer_lowered  }
0x9b: {  	s6 =	simm.s32 $0x1BFF;
	s21 =	sshll.u32 s5, $0x1;
	s3 =	sadd.s32 s20, s19  }
0x9c: {  	s22 =	simm.s32 $0x0;
	s4 =	sshll.u32 s4, $0x1;
	s5 =	sadd.s32 s21, s3  }
0x9d: {  	[timem:s22], [sflag:s6] =	dma.local [hbm:s5], s4  }
0x9e: {  	_ =	swait.ge [sflag:s6], s4  }
0x9f: {  	s4 =	ssub.s32 $0x0, s4;
	[sflag:s6] =	ssyncset.done $0x0  }
0xa0: {  	[sflag:s6] =	ssyncadd.s32 s4;
	_ =	sdelay $0x1  }
0xa1: {  	s23 =	simm.s32 $0x1B8B  }
0xa2: {  	_ =	swait.ge [sflag:s23], $0x1  }
0xa3: {  	[sflag:s23] =	ssyncset.done $0x0  }
0xa4: {  	[sflag:s23] =	ssyncadd.s32 $0xFFFFFFFF  }
0xa5: {  	s4 =	sld [smem:$0x0]  }
0xa6: {  	s5 =	sand.u32 $0xFFFFFFFE, s1  }
0xa7: {  	p0 =	sne.s32 s1, s5  }
0xa8: {  	s5 =	sshll.u32 @p0 s5, $0xE  }
0xa9: {  	s5 =	sadd.s32 @p0 $0x11B8D, s5;
	s6 =	sshll.u32 @p0 s4, $0x11  }
0xaa: {  	s5 =	sor.u32 @p0 s6, s5  }
0xab: {  	[sflag:s5] =	ssyncadd.remote.s32 @p0 $0x1;
	_ =	sdelay $0x1  }
0xac: {  	s5 =	simm.s32 @p0 $0x1B8D  }
0xad: {  	_ =	swait.eq @p0 [sflag:s5], $0x1  }
0xae: {  	[sflag:s5] =	ssyncadd.s32 @p0 $0xFFFFFFFF  }
0xaf: {  	s6 =	sshll.u32 @!p0 s1, $0xE  }
0xb0: {  	s6 =	sor.u32 @!p0 $0x4000, s6;
	s5 =	simm.s32 @!p0 $0x1B8D  }
0xb1: {  	s4 =	sshll.u32 @!p0 s4, $0x11;
	s6 =	sadd.s32 @!p0 $0x11B8D, s6;
	_ =	swait.eq @!p0 [sflag:s5], $0x1  }
0xb2: {  	s4 =	sor.u32 @!p0 s4, s6;
	[sflag:s5] =	ssyncadd.s32 @!p0 $0xFFFFFFFF  }
0xb3: {  	s25 =	simm.s32 $0x1B8E;
	s24 =	sld [smem:$0x3FFE];
	[sflag:s4] =	ssyncadd.remote.s32 @!p0 $0x1  }
0xb4: {  	s26 =	simm.s32 $execute0_lowered;
	[smem:$0x3FD2] =	sst s25  }
0xb5: {  	s5 =	sshll.u32 s26, $0x1;
	_ =	strace $0x8000004C;
	[dreg:$0x1] =	wrdreg $0xFFFFFFFF  }
0xb6: {  	s28 =	simm.s32 $_size_execute0_lowered;
	s3 =	sadd.s32 s3, s5;
	[dreg:$0x0] =	wrdreg $0x0  }
0xb7: {  	s5 =	sshll.u32 s28, $0x1;
	[dreg:$0x2] =	wrdreg s3  }
0xb8: {  	[dreg:$0x3] =	wrdreg s5  }
0xb9: {  	[dreg:$0x4] =	wrdreg $0xC0  }
0xba: {  	_ =	task [dreg:s22], $0x5FFFF  }
0xbb: {  	[dreg:$0x1] =	wrdreg $0xFFFFFFFF  }
0xbc: {  	[dreg:$0x0] =	wrdreg $0x60  }
0xbd: {  	[dreg:$0x2] =	wrdreg s24  }
0xbe: {  	[dreg:$0x3] =	wrdreg $0xA  }
0xbf: {  	_ =	task.clear_ibuf [dreg:s22], $0x4FFFF;
	_ =	strace $0x9000004C  }
0xc0: {  	s29 =	simm.s32 $0xA;
	_ =	strace $0x8000004E  }
0xc1: {  	_ =	swait.ge [sflag:s29], $0x1  }
0xc2: {  	[sflag:s29] =	ssyncadd.s32 $0xFFFFFFFF  }
0xc3: {  	_ =	strace $0x9000004E  }
0xc4: {  	_ =	sfence  }
0xc5: {  	s30 =	sld [smem:$0x0];
	_ =	sdelay $0x2  }
0xc6: {  	s31 =	sshll.u32 s1, $0xD;
	s1 =	sshrl.u32 s1, $0x2  }
0xc7: {  	s4 =	sand.u32 $0x4000, s31;
	s1 =	sadd.s32 s1, s30  }
0xc8: {  	s0 =	sor.u32 s4, s0;
	s1 =	sshll.u32 s1, $0x11  }
0xc9: {  	s0 =	sor.u32 s1, s0  }
0xca: {  	s0 =	sadd.s32 $0x8F2B, s0  }
0xcb: {  	[sflag:s0] =	ssyncadd.remote.s32 $0x1  }
0xcc: {  	_ =	sfence.sel $0xFFFF  }
0xcd: {  	[dreg:$0x0] =	wrdreg $0xFFFFFFFF;
	(pc) =	sbr.abs _section_cstart, $3  }
0xce: {  	[dreg:$0x1] =	wrdreg $0xFFFFFFFF  }
0xcf: {  	_ =	task.clear_ibuf [dreg:s22], $0x2FFFF;
	_ =	strace $0x9FFFFFFF  }
0xd0: {  	(tm) =	ssettm $0x7FFFFFFF  }
0xd1: {  	_ =	shalt  }
tec
execute0_lowered:
.L_overlay_start_1:
0x0: {  	(tag) =	ssettag $0x1  }
0x1: {  	s4 =	rddreg [dreg:$0x0]  }
0x2: {  	s2 =	srdreg.scid;
	s0 =	rddreg [dreg:$0x1]  }
0x3: {  	s1 =	stileid.u32;
	s9 =	simm.s32 $0x2000;
	s10 =	simm.s32 $0x80  }
0x4: {  	s11 =	simm.s32 $0x4000;
	s12 =	simm.s32 $0x5000;
	s13 =	simm.s32 $0x6000  }
0x5: {  	s14 =	simm.s32 $0x7000;
	s15 =	simm.s32 $0x8000;
	s16 =	simm.s32 $0x9000  }
0x6: {  	s17 =	simm.s32 $0xA000;
	s18 =	simm.s32 $0xB000;
	s19 =	simm.s32 $0x1  }
0x7: {  	s20 =	simm.s32 $0x2;
	s21 =	simm.s32 $0x3;
	s22 =	simm.s32 $0x4  }
0x8: {  	s23 =	simm.s32 $0x0;
	s5 =	sand.u32 $0x1, s2;
	s2 =	simm.s32 $0x0  }
0x9: {  	s3 =	sshll.u32 s1, $0xB;
	s7 =	sshll.u32 s1, $0x10;
	s6 =	sshll.u32 s5, $0xA  }
0xa: {  	[smem:$0x7FF] =	sst s2;
	s8 =	ssub.s32 $0x2, s5;
	s7 =	sadd.s32 s7, s4  }
0xb: {  	s5 =	sshll.u32 s5, $0xF;
	s3 =	sor.u32 s6, s3;
	_ =	strace $0x8000004D  }
0xc: {  	s30 =	sshrl.u32 s8, $0x1;
	s7 =	sadd.s32 s5, s7;
	s6 =	sadd.s32 s3, s4  }
0xd: {  	s3 =	sadd.s32 $0x11E00, s4;
	s8 =	ssub.s32 s8, s30;
	s31 =	sadd.s32 $0x3E2800, s7  }
0xe: {  	s7 =	sadd.s32 $0x4E2800, s7;
	s4 =	sadd.s32 $0x9E00, s6;
	s5 =	sadd.s32 $0x1E00, s6  }
0xf: {  	s6 =	smax.u32 s8, $0x1;
	[dreg:$0x2] =	wrdreg s31;
	s8 =	simm.s32 $0x5  }
.LBB2_1:
0x10: {  	[tilespmem:s2], [sflag:$0x5] =	stream.linear.gather [hbm4b:s4+s2], $0x2000, $0x38;
	[tilespmem:$0xC000] =	vst v63  }
0x11: {  	_ =	swait.ge [sflag:s8], $0x2000  }
0x12: {  	[sflag:s8] =	ssyncset.done $0x0  }
0x13: {  	[sflag:s8] =	ssyncadd.s32 $0xFFFFE000  }
0x14: {  	[tilespmem:s9], [sflag:$0x5] =	stream.linear.gather [hbm4b:s5+s2], $0x2000, $0x38;
	[tilespmem:$0xC000] =	vst v63  }
0x15: {  	_ =	swait.ge [sflag:s8], $0x2000  }
0x16: {  	p0 =	por $0x1, $0x1;
	[sflag:s8] =	ssyncset.done $0x0  }
0x17: {  	s24 =	simm.s32 @!p0 $0x3;
	[sflag:s8] =	ssyncadd.s32 $0xFFFFE000  }
0x18: {  	_ =	swait.ge @!p0 [sflag:s24], $0x1000  }
0x19: {  	[sflag:s24] =	ssyncset.done @!p0 $0x0  }
0x1a: {  	[sflag:s24] =	ssyncadd.s32 @!p0 $0xFFFFF000  }
0x1b: {  	_ =	swait.ge @!p0 [sflag:s24], $0x1000  }
0x1c: {  	[sflag:s24] =	ssyncset.done @!p0 $0x0  }
0x1d: {  	[sflag:s24] =	ssyncadd.s32 @!p0 $0xFFFFF000  }
0x1e: {  	_ =	swait.ge @!p0 [sflag:s24], $0x1000  }
0x1f: {  	[sflag:s24] =	ssyncset.done @!p0 $0x0  }
0x20: {  	[sflag:s24] =	ssyncadd.s32 @!p0 $0xFFFFF000  }
0x21: {  	_ =	swait.ge @!p0 [sflag:s24], $0x1000  }
0x22: {  	[sflag:s24] =	ssyncset.done @!p0 $0x0  }
0x23: {  	s26 =	simm.s32 $0x0;
	[sflag:s24] =	ssyncadd.s32 @!p0 $0xFFFFF000  }
0x24: {  	[tilespmem:s11], [sflag:$0x1] =	stream.indirect.gather [hbm4b:s3+s10], $0x20, s26, s10, $0xb8;
	[tilespmem:$0xC000] =	vst v63  }
0x25: {  	s29 =	simm.s32 $0x80  }
0x26: {  	[tilespmem:s12], [sflag:$0x1] =	stream.indirect.gather [hbm4b:s3+s10], $0x20, s29, s10, $0xb8;
	[tilespmem:$0xC000] =	vst v63  }
0x27: {  	s30 =	simm.s32 $0x100  }
0x28: {  	[tilespmem:s13], [sflag:$0x1] =	stream.indirect.gather [hbm4b:s3+s10], $0x20, s30, s10, $0xb8;
	[tilespmem:$0xC000] =	vst v63  }
0x29: {  	s31 =	simm.s32 $0x180;
	s25 =	simm.s32 @!p0 $0x4  }
0x2a: {  	[tilespmem:s14], [sflag:$0x1] =	stream.indirect.gather [hbm4b:s3+s10], $0x20, s31, s10, $0xb8;
	[tilespmem:$0xC000] =	vst v63  }
0x2b: {  	_ =	swait.ge @!p0 [sflag:s25], $0x1000  }
0x2c: {  	[sflag:s25] =	ssyncset.done @!p0 $0x0  }
0x2d: {  	[sflag:s25] =	ssyncadd.s32 @!p0 $0xFFFFF000  }
0x2e: {  	_ =	swait.ge @!p0 [sflag:s25], $0x1000  }
0x2f: {  	[sflag:s25] =	ssyncset.done @!p0 $0x0  }
0x30: {  	[sflag:s25] =	ssyncadd.s32 @!p0 $0xFFFFF000  }
0x31: {  	_ =	swait.ge @!p0 [sflag:s25], $0x1000  }
0x32: {  	[sflag:s25] =	ssyncset.done @!p0 $0x0  }
0x33: {  	[sflag:s25] =	ssyncadd.s32 @!p0 $0xFFFFF000  }
0x34: {  	_ =	swait.ge @!p0 [sflag:s25], $0x1000  }
0x35: {  	[sflag:s25] =	ssyncset.done @!p0 $0x0  }
0x36: {  	s26 =	simm.s32 $0x2000;
	[sflag:s25] =	ssyncadd.s32 @!p0 $0xFFFFF000  }
0x37: {  	[tilespmem:s15], [sflag:$0x2] =	stream.indirect.gather [hbm4b:s3+s10], $0x20, s26, s10, $0xb8;
	[tilespmem:$0xC000] =	vst v63  }
0x38: {  	s29 =	simm.s32 $0x2080  }
0x39: {  	[tilespmem:s16], [sflag:$0x2] =	stream.indirect.gather [hbm4b:s3+s10], $0x20, s29, s10, $0xb8;
	[tilespmem:$0xC000] =	vst v63  }
0x3a: {  	s30 =	simm.s32 $0x2100  }
0x3b: {  	[tilespmem:s17], [sflag:$0x2] =	stream.indirect.gather [hbm4b:s3+s10], $0x20, s30, s10, $0xb8;
	[tilespmem:$0xC000] =	vst v63  }
0x3c: {  	s31 =	simm.s32 $0x2180  }
0x3d: {  	[tilespmem:s18], [sflag:$0x2] =	stream.indirect.gather [hbm4b:s3+s10], $0x20, s31, s10, $0xb8;
	[tilespmem:$0xC000] =	vst v63  }
0x3e: {  	_ =	swait.ge [sflag:s19], $0x1000  }
0x3f: {  	s25 =	rddreg [dreg:$0x2];
	[sflag:s19] =	ssyncset.done $0x0  }
0x40: {  	[sflag:s19] =	ssyncadd.s32 $0xFFFFF000;
	s24 =	sadd.s32 $0x0, s25  }
0x41: {  	[hbm4b:s24+s2] =	stream.linear.scatter [tilespmem:s11], [sflag:$0x3], $0x1000, $0x38;
	[tilespmem:$0xC000] =	vst v63  }
0x42: {  	_ =	swait.ge [sflag:s19], $0x1000  }
0x43: {  	[sflag:s19] =	ssyncset.done $0x0  }
0x44: {  	s26 =	sadd.s32 $0x200, s24;
	[sflag:s19] =	ssyncadd.s32 $0xFFFFF000  }
0x45: {  	[hbm4b:s26+s2] =	stream.linear.scatter [tilespmem:s12], [sflag:$0x3], $0x1000, $0x38;
	[tilespmem:$0xC000] =	vst v63  }
0x46: {  	_ =	swait.ge [sflag:s19], $0x1000  }
0x47: {  	[sflag:s19] =	ssyncset.done $0x0  }
0x48: {  	s29 =	sadd.s32 $0x400, s24;
	[sflag:s19] =	ssyncadd.s32 $0xFFFFF000  }
0x49: {  	[hbm4b:s29+s2] =	stream.linear.scatter [tilespmem:s13], [sflag:$0x3], $0x1000, $0x38;
	[tilespmem:$0xC000] =	vst v63  }
0x4a: {  	_ =	swait.ge [sflag:s19], $0x1000  }
0x4b: {  	[sflag:s19] =	ssyncset.done $0x0  }
0x4c: {  	s24 =	sadd.s32 $0x600, s24;
	[sflag:s19] =	ssyncadd.s32 $0xFFFFF000  }
0x4d: {  	[hbm4b:s24+s2] =	stream.linear.scatter [tilespmem:s14], [sflag:$0x3], $0x1000, $0x38;
	[tilespmem:$0xC000] =	vst v63  }
0x4e: {  	_ =	swait.ge [sflag:s20], $0x1000  }
0x4f: {  	[sflag:s20] =	ssyncset.done $0x0  }
0x50: {  	s26 =	sadd.s32 $0x0, s7;
	[sflag:s20] =	ssyncadd.s32 $0xFFFFF000  }
0x51: {  	[hbm4b:s26+s2] =	stream.linear.scatter [tilespmem:s15], [sflag:$0x4], $0x1000, $0x38;
	[tilespmem:$0xC000] =	vst v63  }
0x52: {  	_ =	swait.ge [sflag:s20], $0x1000  }
0x53: {  	[sflag:s20] =	ssyncset.done $0x0  }
0x54: {  	s30 =	sadd.s32 $0x200, s26;
	[sflag:s20] =	ssyncadd.s32 $0xFFFFF000  }
0x55: {  	[hbm4b:s30+s2] =	stream.linear.scatter [tilespmem:s16], [sflag:$0x4], $0x1000, $0x38;
	[tilespmem:$0xC000] =	vst v63  }
0x56: {  	_ =	swait.ge [sflag:s20], $0x1000  }
0x57: {  	[sflag:s20] =	ssyncset.done $0x0  }
0x58: {  	s31 =	sadd.s32 $0x400, s26;
	[sflag:s20] =	ssyncadd.s32 $0xFFFFF000  }
0x59: {  	[hbm4b:s31+s2] =	stream.linear.scatter [tilespmem:s17], [sflag:$0x4], $0x1000, $0x38;
	[tilespmem:$0xC000] =	vst v63  }
0x5a: {  	p1 =	por $0x0, $0x0;
	s25 =	simm.s32 $0x1000;
	_ =	swait.ge [sflag:s20], $0x1000  }
0x5b: {  	s28 =	sadd.s32 $0x600, s26;
	s24 =	simm.s32 $0x800;
	[sflag:s20] =	ssyncset.done $0x0  }
.LBB2_2:
0x5c: {  	s29 =	simm.s32 @!p1 $0x3;
	[sflag:s20] =	ssyncadd.s32 $0xFFFFF000  }
0x5d: {  	[hbm4b:s28+s2] =	stream.linear.scatter [tilespmem:s18], [sflag:$0x4], $0x1000, $0x38;
	[tilespmem:$0xC000] =	vst v63  }
0x5e: {  	_ =	swait.ge @!p1 [sflag:s29], $0x1000  }
0x5f: {  	[sflag:s29] =	ssyncset.done @!p1 $0x0  }
0x60: {  	[sflag:s29] =	ssyncadd.s32 @!p1 $0xFFFFF000  }
0x61: {  	_ =	swait.ge @!p1 [sflag:s29], $0x1000  }
0x62: {  	[sflag:s29] =	ssyncset.done @!p1 $0x0  }
0x63: {  	[sflag:s29] =	ssyncadd.s32 @!p1 $0xFFFFF000  }
0x64: {  	_ =	swait.ge @!p1 [sflag:s29], $0x1000  }
0x65: {  	[sflag:s29] =	ssyncset.done @!p1 $0x0  }
0x66: {  	[sflag:s29] =	ssyncadd.s32 @!p1 $0xFFFFF000  }
0x67: {  	_ =	swait.ge @!p1 [sflag:s29], $0x1000  }
0x68: {  	[sflag:s29] =	ssyncset.done @!p1 $0x0  }
0x69: {  	s28 =	sshra.s32 s24, $0x2;
	[sflag:s29] =	ssyncadd.s32 @!p1 $0xFFFFF000  }
0x6a: {  	[tilespmem:s11], [sflag:$0x1] =	stream.indirect.gather [hbm4b:s3+s10], $0x20, s28, s10, $0xb8;
	[tilespmem:$0xC000] =	vst v63  }
0x6b: {  	s31 =	sadd.s32 $0x80, s28  }
0x6c: {  	[tilespmem:s12], [sflag:$0x1] =	stream.indirect.gather [hbm4b:s3+s10], $0x20, s31, s10, $0xb8;
	[tilespmem:$0xC000] =	vst v63  }
0x6d: {  	s30 =	sadd.s32 $0x100, s28  }
0x6e: {  	[tilespmem:s13], [sflag:$0x1] =	stream.indirect.gather [hbm4b:s3+s10], $0x20, s30, s10, $0xb8;
	[tilespmem:$0xC000] =	vst v63  }
0x6f: {  	s31 =	sadd.s32 $0x180, s28;
	s30 =	simm.s32 @!p1 $0x4  }
0x70: {  	[tilespmem:s14], [sflag:$0x1] =	stream.indirect.gather [hbm4b:s3+s10], $0x20, s31, s10, $0xb8;
	[tilespmem:$0xC000] =	vst v63  }
0x71: {  	_ =	swait.ge @!p1 [sflag:s30], $0x1000  }
0x72: {  	[sflag:s30] =	ssyncset.done @!p1 $0x0  }
0x73: {  	[sflag:s30] =	ssyncadd.s32 @!p1 $0xFFFFF000  }
0x74: {  	_ =	swait.ge @!p1 [sflag:s30], $0x1000  }
0x75: {  	[sflag:s30] =	ssyncset.done @!p1 $0x0  }
0x76: {  	[sflag:s30] =	ssyncadd.s32 @!p1 $0xFFFFF000  }
0x77: {  	_ =	swait.ge @!p1 [sflag:s30], $0x1000  }
0x78: {  	[sflag:s30] =	ssyncset.done @!p1 $0x0  }
0x79: {  	[sflag:s30] =	ssyncadd.s32 @!p1 $0xFFFFF000  }
0x7a: {  	_ =	swait.ge @!p1 [sflag:s30], $0x1000  }
0x7b: {  	[sflag:s30] =	ssyncset.done @!p1 $0x0  }
0x7c: {  	s31 =	sadd.s32 $0x2000, s28;
	[sflag:s30] =	ssyncadd.s32 @!p1 $0xFFFFF000  }
0x7d: {  	[tilespmem:s15], [sflag:$0x2] =	stream.indirect.gather [hbm4b:s3+s10], $0x20, s31, s10, $0xb8;
	[tilespmem:$0xC000] =	vst v63  }
0x7e: {  	s30 =	sadd.s32 $0x2080, s28  }
0x7f: {  	[tilespmem:s16], [sflag:$0x2] =	stream.indirect.gather [hbm4b:s3+s10], $0x20, s30, s10, $0xb8;
	[tilespmem:$0xC000] =	vst v63  }
0x80: {  	s31 =	sadd.s32 $0x2100, s28  }
0x81: {  	[tilespmem:s17], [sflag:$0x2] =	stream.indirect.gather [hbm4b:s3+s10], $0x20, s31, s10, $0xb8;
	[tilespmem:$0xC000] =	vst v63  }
0x82: {  	s28 =	sadd.s32 $0x2180, s28  }
0x83: {  	[tilespmem:s18], [sflag:$0x2] =	stream.indirect.gather [hbm4b:s3+s10], $0x20, s28, s10, $0xb8;
	[tilespmem:$0xC000] =	vst v63  }
0x84: {  	_ =	swait.ge [sflag:s19], $0x1000  }
0x85: {  	s28 =	rddreg [dreg:$0x2];
	[sflag:s19] =	ssyncset.done $0x0  }
0x86: {  	[sflag:s19] =	ssyncadd.s32 $0xFFFFF000;
	s28 =	sadd.s32 s24, s28  }
0x87: {  	[hbm4b:s28+s2] =	stream.linear.scatter [tilespmem:s11], [sflag:$0x3], $0x1000, $0x38;
	[tilespmem:$0xC000] =	vst v63  }
0x88: {  	_ =	swait.ge [sflag:s19], $0x1000  }
0x89: {  	[sflag:s19] =	ssyncset.done $0x0  }
0x8a: {  	s30 =	sadd.s32 $0x200, s28;
	[sflag:s19] =	ssyncadd.s32 $0xFFFFF000  }
0x8b: {  	[hbm4b:s30+s2] =	stream.linear.scatter [tilespmem:s12], [sflag:$0x3], $0x1000, $0x38;
	[tilespmem:$0xC000] =	vst v63  }
0x8c: {  	_ =	swait.ge [sflag:s19], $0x1000  }
0x8d: {  	[sflag:s19] =	ssyncset.done $0x0  }
0x8e: {  	s31 =	sadd.s32 $0x400, s28;
	[sflag:s19] =	ssyncadd.s32 $0xFFFFF000  }
0x8f: {  	[hbm4b:s31+s2] =	stream.linear.scatter [tilespmem:s13], [sflag:$0x3], $0x1000, $0x38;
	[tilespmem:$0xC000] =	vst v63  }
0x90: {  	_ =	swait.ge [sflag:s19], $0x1000  }
0x91: {  	[sflag:s19] =	ssyncset.done $0x0  }
0x92: {  	s28 =	sadd.s32 $0x600, s28;
	[sflag:s19] =	ssyncadd.s32 $0xFFFFF000  }
0x93: {  	[hbm4b:s28+s2] =	stream.linear.scatter [tilespmem:s14], [sflag:$0x3], $0x1000, $0x38;
	[tilespmem:$0xC000] =	vst v63  }
0x94: {  	_ =	swait.ge [sflag:s20], $0x1000  }
0x95: {  	[sflag:s20] =	ssyncset.done $0x0  }
0x96: {  	s28 =	sadd.s32 s24, s7;
	[sflag:s20] =	ssyncadd.s32 $0xFFFFF000  }
0x97: {  	[hbm4b:s28+s2] =	stream.linear.scatter [tilespmem:s15], [sflag:$0x4], $0x1000, $0x38;
	[tilespmem:$0xC000] =	vst v63  }
0x98: {  	_ =	swait.ge [sflag:s20], $0x1000  }
0x99: {  	s26 =	smov.u32 s25;
	[sflag:s20] =	ssyncset.done $0x0  }
0x9a: {  	s25 =	sadd.s32 $0x800, s25;
	s30 =	sadd.s32 $0x200, s28;
	[sflag:s20] =	ssyncadd.s32 $0xFFFFF000  }
0x9b: {  	[hbm4b:s30+s2] =	stream.linear.scatter [tilespmem:s16], [sflag:$0x4], $0x1000, $0x38;
	[tilespmem:$0xC000] =	vst v63  }
0x9c: {  	p0 =	sne.s32 s25, $0x8000;
	_ =	swait.ge [sflag:s20], $0x1000  }
.Ltmp0:
0x9d: {  	[sflag:s20] =	ssyncset.done $0x0;
	(pc) =	sbr.rel @p0 .LBB2_2-.Ltmp0, $4  }
0x9e: {  	s31 =	sadd.s32 $0x400, s28;
	[sflag:s20] =	ssyncadd.s32 $0xFFFFF000  }
0x9f: {  	[hbm4b:s31+s2] =	stream.linear.scatter [tilespmem:s17], [sflag:$0x4], $0x1000, $0x38;
	[tilespmem:$0xC000] =	vst v63  }
0xa0: {  	s24 =	smov.u32 s26;
	_ =	swait.ge [sflag:s20], $0x1000  }
0xa1: {  	p1 =	seq.s32 s24, $0x0;
	s28 =	sadd.s32 $0x600, s28;
	[sflag:s20] =	ssyncset.done $0x0  }
0xa2: {  	s25 =	simm.s32 @!p1 $0x3;
	[sflag:s20] =	ssyncadd.s32 $0xFFFFF000  }
0xa3: {  	[hbm4b:s28+s2] =	stream.linear.scatter [tilespmem:s18], [sflag:$0x4], $0x1000, $0x38;
	[tilespmem:$0xC000] =	vst v63  }
0xa4: {  	_ =	swait.ge @!p1 [sflag:s25], $0x1000  }
0xa5: {  	[sflag:s25] =	ssyncset.done @!p1 $0x0  }
0xa6: {  	[sflag:s25] =	ssyncadd.s32 @!p1 $0xFFFFF000  }
0xa7: {  	_ =	swait.ge @!p1 [sflag:s25], $0x1000  }
0xa8: {  	[sflag:s25] =	ssyncset.done @!p1 $0x0  }
0xa9: {  	[sflag:s25] =	ssyncadd.s32 @!p1 $0xFFFFF000  }
0xaa: {  	_ =	swait.ge @!p1 [sflag:s25], $0x1000  }
0xab: {  	[sflag:s25] =	ssyncset.done @!p1 $0x0  }
0xac: {  	[sflag:s25] =	ssyncadd.s32 @!p1 $0xFFFFF000  }
0xad: {  	_ =	swait.ge @!p1 [sflag:s25], $0x1000  }
0xae: {  	[sflag:s25] =	ssyncset.done @!p1 $0x0  }
0xaf: {  	[sflag:s25] =	ssyncadd.s32 @!p1 $0xFFFFF000;
	s25 =	sshra.s32 s24, $0x2  }
0xb0: {  	[tilespmem:s11], [sflag:$0x1] =	stream.indirect.gather [hbm4b:s3+s10], $0x20, s25, s10, $0xb8;
	[tilespmem:$0xC000] =	vst v63  }
0xb1: {  	s26 =	sadd.s32 $0x80, s25  }
0xb2: {  	[tilespmem:s12], [sflag:$0x1] =	stream.indirect.gather [hbm4b:s3+s10], $0x20, s26, s10, $0xb8;
	[tilespmem:$0xC000] =	vst v63  }
0xb3: {  	s29 =	sadd.s32 $0x100, s25  }
0xb4: {  	[tilespmem:s13], [sflag:$0x1] =	stream.indirect.gather [hbm4b:s3+s10], $0x20, s29, s10, $0xb8;
	[tilespmem:$0xC000] =	vst v63  }
0xb5: {  	s28 =	simm.s32 @!p1 $0x4;
	s30 =	sadd.s32 $0x180, s25  }
0xb6: {  	[tilespmem:s14], [sflag:$0x1] =	stream.indirect.gather [hbm4b:s3+s10], $0x20, s30, s10, $0xb8;
	[tilespmem:$0xC000] =	vst v63  }
0xb7: {  	_ =	swait.ge @!p1 [sflag:s28], $0x1000  }
0xb8: {  	[sflag:s28] =	ssyncset.done @!p1 $0x0  }
0xb9: {  	[sflag:s28] =	ssyncadd.s32 @!p1 $0xFFFFF000  }
0xba: {  	_ =	swait.ge @!p1 [sflag:s28], $0x1000  }
0xbb: {  	[sflag:s28] =	ssyncset.done @!p1 $0x0  }
0xbc: {  	[sflag:s28] =	ssyncadd.s32 @!p1 $0xFFFFF000  }
0xbd: {  	_ =	swait.ge @!p1 [sflag:s28], $0x1000  }
0xbe: {  	[sflag:s28] =	ssyncset.done @!p1 $0x0  }
0xbf: {  	[sflag:s28] =	ssyncadd.s32 @!p1 $0xFFFFF000  }
0xc0: {  	_ =	swait.ge @!p1 [sflag:s28], $0x1000  }
0xc1: {  	[sflag:s28] =	ssyncset.done @!p1 $0x0  }
0xc2: {  	s31 =	sadd.s32 $0x2000, s25;
	[sflag:s28] =	ssyncadd.s32 @!p1 $0xFFFFF000  }
0xc3: {  	[tilespmem:s15], [sflag:$0x2] =	stream.indirect.gather [hbm4b:s3+s10], $0x20, s31, s10, $0xb8;
	[tilespmem:$0xC000] =	vst v63  }
0xc4: {  	s28 =	sadd.s32 $0x2080, s25  }
0xc5: {  	[tilespmem:s16], [sflag:$0x2] =	stream.indirect.gather [hbm4b:s3+s10], $0x20, s28, s10, $0xb8;
	[tilespmem:$0xC000] =	vst v63  }
0xc6: {  	s29 =	sadd.s32 $0x2100, s25  }
0xc7: {  	[tilespmem:s17], [sflag:$0x2] =	stream.indirect.gather [hbm4b:s3+s10], $0x20, s29, s10, $0xb8;
	[tilespmem:$0xC000] =	vst v63  }
0xc8: {  	s25 =	sadd.s32 $0x2180, s25  }
0xc9: {  	[tilespmem:s18], [sflag:$0x2] =	stream.indirect.gather [hbm4b:s3+s10], $0x20, s25, s10, $0xb8;
	[tilespmem:$0xC000] =	vst v63  }
0xca: {  	_ =	swait.ge [sflag:s19], $0x1000  }
0xcb: {  	s30 =	rddreg [dreg:$0x2];
	[sflag:s19] =	ssyncset.done $0x0  }
0xcc: {  	[sflag:s19] =	ssyncadd.s32 $0xFFFFF000;
	s25 =	sadd.s32 s24, s30  }
0xcd: {  	[hbm4b:s25+s2] =	stream.linear.scatter [tilespmem:s11], [sflag:$0x3], $0x1000, $0x38;
	[tilespmem:$0xC000] =	vst v63  }
0xce: {  	_ =	swait.ge [sflag:s19], $0x1000  }
0xcf: {  	[sflag:s19] =	ssyncset.done $0x0  }
0xd0: {  	s31 =	sadd.s32 $0x200, s25;
	[sflag:s19] =	ssyncadd.s32 $0xFFFFF000  }
0xd1: {  	[hbm4b:s31+s2] =	stream.linear.scatter [tilespmem:s12], [sflag:$0x3], $0x1000, $0x38;
	[tilespmem:$0xC000] =	vst v63  }
0xd2: {  	_ =	swait.ge [sflag:s19], $0x1000  }
0xd3: {  	[sflag:s19] =	ssyncset.done $0x0  }
0xd4: {  	s28 =	sadd.s32 $0x400, s25;
	[sflag:s19] =	ssyncadd.s32 $0xFFFFF000  }
0xd5: {  	[hbm4b:s28+s2] =	stream.linear.scatter [tilespmem:s13], [sflag:$0x3], $0x1000, $0x38;
	[tilespmem:$0xC000] =	vst v63  }
0xd6: {  	_ =	swait.ge [sflag:s19], $0x1000  }
0xd7: {  	[sflag:s19] =	ssyncset.done $0x0  }
0xd8: {  	s25 =	sadd.s32 $0x600, s25;
	[sflag:s19] =	ssyncadd.s32 $0xFFFFF000  }
0xd9: {  	[hbm4b:s25+s2] =	stream.linear.scatter [tilespmem:s14], [sflag:$0x3], $0x1000, $0x38;
	[tilespmem:$0xC000] =	vst v63  }
0xda: {  	_ =	swait.ge [sflag:s20], $0x1000  }
0xdb: {  	[sflag:s20] =	ssyncset.done $0x0  }
0xdc: {  	s29 =	sadd.s32 s24, s7;
	[sflag:s20] =	ssyncadd.s32 $0xFFFFF000  }
0xdd: {  	[hbm4b:s29+s2] =	stream.linear.scatter [tilespmem:s15], [sflag:$0x4], $0x1000, $0x38;
	[tilespmem:$0xC000] =	vst v63  }
0xde: {  	_ =	swait.ge [sflag:s20], $0x1000  }
0xdf: {  	[sflag:s20] =	ssyncset.done $0x0  }
0xe0: {  	s30 =	sadd.s32 $0x200, s29;
	[sflag:s20] =	ssyncadd.s32 $0xFFFFF000  }
0xe1: {  	[hbm4b:s30+s2] =	stream.linear.scatter [tilespmem:s16], [sflag:$0x4], $0x1000, $0x38;
	[tilespmem:$0xC000] =	vst v63  }
0xe2: {  	_ =	swait.ge [sflag:s20], $0x1000  }
0xe3: {  	[sflag:s20] =	ssyncset.done $0x0  }
0xe4: {  	s31 =	sadd.s32 $0x400, s29;
	[sflag:s20] =	ssyncadd.s32 $0xFFFFF000  }
0xe5: {  	[hbm4b:s31+s2] =	stream.linear.scatter [tilespmem:s17], [sflag:$0x4], $0x1000, $0x38;
	[tilespmem:$0xC000] =	vst v63  }
0xe6: {  	_ =	swait.ge [sflag:s20], $0x1000  }
0xe7: {  	[sflag:s20] =	ssyncset.done $0x0  }
0xe8: {  	s24 =	sadd.s32 $0x600, s29;
	[sflag:s20] =	ssyncadd.s32 $0xFFFFF000  }
0xe9: {  	[hbm4b:s24+s2] =	stream.linear.scatter [tilespmem:s18], [sflag:$0x4], $0x1000, $0x38;
	[tilespmem:$0xC000] =	vst v63  }
0xea: {  	_ =	swait.ge [sflag:s21], $0x1000  }
0xeb: {  	[sflag:s21] =	ssyncset.done $0x0  }
0xec: {  	[sflag:s21] =	ssyncadd.s32 $0xFFFFF000  }
0xed: {  	_ =	swait.ge [sflag:s21], $0x1000  }
0xee: {  	[sflag:s21] =	ssyncset.done $0x0  }
0xef: {  	[sflag:s21] =	ssyncadd.s32 $0xFFFFF000  }
0xf0: {  	_ =	swait.ge [sflag:s21], $0x1000  }
0xf1: {  	[sflag:s21] =	ssyncset.done $0x0  }
0xf2: {  	[sflag:s21] =	ssyncadd.s32 $0xFFFFF000  }
0xf3: {  	_ =	swait.ge [sflag:s21], $0x1000  }
0xf4: {  	[sflag:s21] =	ssyncset.done $0x0  }
0xf5: {  	[sflag:s21] =	ssyncadd.s32 $0xFFFFF000  }
0xf6: {  	_ =	swait.ge [sflag:s22], $0x1000  }
0xf7: {  	[sflag:s22] =	ssyncset.done $0x0  }
0xf8: {  	[sflag:s22] =	ssyncadd.s32 $0xFFFFF000  }
0xf9: {  	_ =	swait.ge [sflag:s22], $0x1000  }
0xfa: {  	[sflag:s22] =	ssyncset.done $0x0  }
0xfb: {  	s23 =	sadd.s32 $0x1, s23;
	[sflag:s22] =	ssyncadd.s32 $0xFFFFF000  }
0xfc: {  	p0 =	sne.s32 s23, s6;
	_ =	swait.ge [sflag:s22], $0x1000  }
.Ltmp1:
0xfd: {  	[sflag:s22] =	ssyncset.done $0x0;
	(pc) =	sbr.rel @p0 .LBB2_1-.Ltmp1, $4  }
0xfe: {  	[sflag:s22] =	ssyncadd.s32 $0xFFFFF000  }
0xff: {  	_ =	swait.ge [sflag:s22], $0x1000  }
0x100: {  	[sflag:s22] =	ssyncset.done $0x0  }
0x101: {  	[sflag:s22] =	ssyncadd.s32 $0xFFFFF000  }
0x102: {  	_ =	sfence.sel $0x180000  }
0x103: {  	[bflag:$0x0] =	sbarrier.arrive $0xFFFF  }
0x104: {  	p0 =	sne.s32 s1, $0x0;
	_ =	strace $0x9000004D  }
0x105: {  	s0 =	sadd.s32 @!p0 $0x100000, s0;
	[bflag:$0x2] =	sbarrier.arrive $0xFFFF  }
0x106: {  	[sflag:s0] =	ssyncadd.tile.s32 @!p0 $0x1;
	_ =	shalt  }
.Lfunc_end2:
_tile_overlayer_lowered:
.L_overlay_start_2:
0x107: {  	(tag) =	ssettag $0x2  }
0x108: {  	s0 =	rddreg [dreg:$0x0];
	s2 =	stileid.u32  }
0x109: {  	s1 =	rddreg [dreg:$0x1];
	p0 =	sne.s32 s2, $0x0  }
0x10a: {  	s3 =	rddreg [dreg:$0x2];
	[bflag:$0x3] =	sbarrier.arrive $0xFFFF;
	s2 =	simm.s32 @!p0 $0x1C05  }
0x10b: {  	[timem:s3], [sflag:s2] =	dma.local @!p0 [hbm:s0], s1  }
0x10c: {  	s0 =	simm.s32 @!p0 $0x5  }
0x10d: {  	_ =	swait.ge @!p0 [sflag:s0], s1  }
0x10e: {  	s1 =	ssub.s32 @!p0 $0x0, s1;
	[sflag:s0] =	ssyncset.done @!p0 $0x0  }
0x10f: {  	[sflag:s0] =	ssyncadd.s32 @!p0 s1  }
0x110: {  	[bflag:$0x3] =	sbarrier.arrive $0xFFFF  }
0x111: {  	_ =	shalt  }

// kernel: kernel.8.cloned.1.call-start
scs
__scs_entry_jumppad:
0x0: {  	(pc) =	sbr.rel $0x88, $3  }
0x1: {  	(tag) =	ssettag $0x0;
	lr =	simm.s32 $0x1  }
0x2: {  	[smem:$0x3F9C] =	sst lr;
	_ =	strace $0xD0000000  }
0x3: {  	_ = 	snop  }
0x4: {  	_ = 	snop  }
0x5: {  	_ = 	snop  }
0x6: {  	_ = 	snop  }
0x7: {  	_ = 	snop  }
__scs_overlays_trampoline_lowered:
0x8: {  	[smem:$0x3FAB] =	sst s0  }
0x9: {  	[smem:$0x3FAC] =	sst s1  }
0xa: {  	[smem:$0x3FAD] =	sst s2  }
0xb: {  	[smem:$0x3FAE] =	sst s3  }
0xc: {  	[smem:$0x3FAF] =	sst s4  }
0xd: {  	[smem:$0x3FB0] =	sst s5  }
0xe: {  	[smem:$0x3FB1] =	sst s6  }
0xf: {  	[smem:$0x3FB2] =	sst s7  }
0x10: {  	[smem:$0x3FB3] =	sst s8  }
0x11: {  	[smem:$0x3FB4] =	sst s9;
	s0 =	simm.s32 @!p0 $0x0  }
0x12: {  	s1 =	sld [smem:$0x3F9A];
	s0 =	simm.s32 @p0 $0x1  }
0x13: {  	[smem:$0x3FB5] =	sst s0;
	s0 =	simm.s32 @!p1 $0x0  }
0x14: {  	s2 =	sld [smem:$0x3F99];
	s0 =	simm.s32 @p1 $0x1  }
0x15: {  	[smem:$0x3FB6] =	sst s0;
	s0 =	simm.s32 @!p2 $0x0  }
0x16: {  	s3 =	sld [smem:$0x3FDB];
	s0 =	simm.s32 @p2 $0x1  }
0x17: {  	s4 =	simm.s32 $0x1BF5;
	[smem:$0x3FB8] =	sst s0  }
0x18: {  	s0 =	sld [smem:$0x3F9B];
	_ =	swait.ge [sflag:s4], $0x0  }
0x19: {  	s7 =	sld [smem:$0x3F9C]  }
0x1a: {  	s8 =	sadd.s32 $0xFFFFE003, lr  }
0x1b: {  	s9 =	sadd.s32 $0xFFFFFEF7, lr;
	s5 =	simm.s32 $0xFFFFFFFF;
	p2 =	slt.u32 s8, $0xFFFFF086  }
0x1c: {  	p1 =	slt.u32 s9, $0xF7A;
	s5 =	simm.s32 @!p2 $0x0  }
0x1d: {  	s5 =	simm.s32 @p1 $0x1;
	p0 =	seq.s32 s7, s2  }
0x1e: {  	s7 =	smul.u32 @!p0 $0xF7A, s2;
	p2 =	seq.s32 @!p0 s5, $0x0  }
0x1f: {  	s9 =	smul.u32 $0xF7A, s1;
	s8 =	simm.s32 @!p0 $0x1BF5;
	p2 =	por !p2, p0  }
0x20: {  	[sflag:s8] =	ssyncset.s32 @!p0 $0xFFFFF086;
	s6 =	sadd.s32 @!p0 s3, s7;
	s7 =	simm.s32 @!p0 $0x108  }
0x21: {  	s3 =	sadd.s32 s3, s9;
	s6 =	sadd.s32 @!p0 $0x88, s6;
	s7 =	simm.s32 @p2 $0x1082  }
0x22: {  	[simem:s7], [sflag:s8] =	dma.local @!p0 [hbm:s6], $0xF7A  }
0x23: {  	s9 =	sor.u32 $0xD0000000, s2;
	s6 =	simm.s32 $0x108;
	_ =	swait.ge @!p0 [sflag:s8], $0x0  }
0x24: {  	s3 =	sadd.s32 $0x88, s3;
	s6 =	simm.s32 @!p1 $0x1082;
	[sflag:s4] =	ssyncset.s32 $0xFFFFF086  }
0x25: {  	[simem:s6], [sflag:s4] =	dma.local [hbm:s3], $0xF7A  }
0x26: {  	[smem:$0x3F9C] =	sst s1;
	(tag) =	ssettag s2;
	_ =	strace s9  }
0x27: {  	s1 =	sld [smem:$0x3FAC]  }
0x28: {  	s2 =	sld [smem:$0x3FAD]  }
0x29: {  	s4 =	sld [smem:$0x3FAF]  }
0x2a: {  	p0 =	seq.s32 s5, $0x0;
	s5 =	sld [smem:$0x3FB0]  }
0x2b: {  	s6 =	sld [smem:$0x3FB1]  }
0x2c: {  	s7 =	sld [smem:$0x3FB2]  }
0x2d: {  	s3 =	simm.s32 $0x108;
	s8 =	sld [smem:$0x3FB3]  }
0x2e: {  	s3 =	simm.s32 @!p0 $0x1082;
	s9 =	sld [smem:$0x3FB4]  }
0x2f: {  	lr =	sadd.s32 s0, s3;
	s0 =	sld [smem:$0x3FAB]  }
0x30: {  	s3 =	sld [smem:$0x3FAE]  }
0x31: {  	[smem:$0x3FB7] =	sst s10  }
0x32: {  	s10 =	sld [smem:$0x3FB5];
	_ =	sdelay $0x3  }
0x33: {  	p0 =	seq.s32 s10, $0x1;
	s10 =	sld [smem:$0x3FB7];
	_ =	sdelay $0x3  }
0x34: {  	[smem:$0x3FB7] =	sst s10  }
0x35: {  	s10 =	sld [smem:$0x3FB6];
	_ =	sdelay $0x3  }
0x36: {  	p1 =	seq.s32 s10, $0x1;
	s10 =	sld [smem:$0x3FB7];
	_ =	sdelay $0x3  }
0x37: {  	[smem:$0x3FB7] =	sst s10  }
0x38: {  	s10 =	sld [smem:$0x3FB8]  }
0x39: {  	_ = 	snop;
	(pc) =	sbr.ind lr, $3  }
0x3a: {  	_ = 	snop  }
0x3b: {  	_ = 	snop  }
0x3c: {  	p2 =	seq.s32 s10, $0x1;
	s10 =	sld [smem:$0x3FB7]  }
0x3d: {  	_ =	shalt  }
0x3e: {  	_ =	shalt  }
0x3f: {  	_ =	shalt  }
0x40: {  	_ =	shalt  }
0x41: {  	_ =	shalt  }
0x42: {  	_ =	shalt  }
0x43: {  	_ =	shalt  }
0x44: {  	_ =	shalt  }
0x45: {  	_ =	shalt  }
0x46: {  	_ =	shalt  }
0x47: {  	_ =	shalt  }
0x48: {  	_ =	shalt  }
0x49: {  	_ =	shalt  }
0x4a: {  	_ =	shalt  }
0x4b: {  	_ =	shalt  }
0x4c: {  	_ =	shalt  }
0x4d: {  	_ =	shalt  }
0x4e: {  	_ =	shalt  }
0x4f: {  	_ =	shalt  }
0x50: {  	_ =	shalt  }
0x51: {  	_ =	shalt  }
0x52: {  	_ =	shalt  }
0x53: {  	_ =	shalt  }
0x54: {  	_ =	shalt  }
0x55: {  	_ =	shalt  }
0x56: {  	_ =	shalt  }
0x57: {  	_ =	shalt  }
0x58: {  	_ =	shalt  }
0x59: {  	_ =	shalt  }
0x5a: {  	_ =	shalt  }
0x5b: {  	_ =	shalt  }
0x5c: {  	_ =	shalt  }
0x5d: {  	_ =	shalt  }
0x5e: {  	_ =	shalt  }
0x5f: {  	_ =	shalt  }
0x60: {  	_ =	shalt  }
0x61: {  	_ =	shalt  }
0x62: {  	_ =	shalt  }
0x63: {  	_ =	shalt  }
0x64: {  	_ =	shalt  }
0x65: {  	_ =	shalt  }
0x66: {  	_ =	shalt  }
0x67: {  	_ =	shalt  }
0x68: {  	_ =	shalt  }
0x69: {  	_ =	shalt  }
0x6a: {  	_ =	shalt  }
0x6b: {  	_ =	shalt  }
0x6c: {  	_ =	shalt  }
0x6d: {  	_ =	shalt  }
0x6e: {  	_ =	shalt  }
0x6f: {  	_ =	shalt  }
0x70: {  	_ =	shalt  }
0x71: {  	_ =	shalt  }
0x72: {  	_ =	shalt  }
0x73: {  	_ =	shalt  }
0x74: {  	_ =	shalt  }
0x75: {  	_ =	shalt  }
0x76: {  	_ =	shalt  }
0x77: {  	_ =	shalt  }
0x78: {  	_ =	shalt  }
0x79: {  	_ =	shalt  }
0x7a: {  	_ =	shalt  }
0x7b: {  	_ =	shalt  }
0x7c: {  	_ =	shalt  }
0x7d: {  	_ =	shalt  }
0x7e: {  	_ =	shalt  }
0x7f: {  	_ =	shalt  }
0x80: {  	_ =	shalt  }
0x81: {  	_ =	shalt  }
0x82: {  	_ =	shalt  }
0x83: {  	_ =	shalt  }
0x84: {  	_ =	shalt  }
0x85: {  	_ =	shalt  }
0x86: {  	_ =	shalt  }
0x87: {  	_ =	shalt  }
.Lfunc_end0:
.L_simem_size_0:
called_computation.4_lowered:
.L_overlay_start_0:
0x88: {  	s2 =	sld [smem:$0x3FD9]  }
0x89: {  	s3 =	sld [smem:$0x3FFE];
	_ =	sdelay $0x1  }
0x8a: {  	s1 =	srdreg.scid  }
0x8b: {  	s0 =	sand.u32 $0x1, s1  }
0x8c: {  	s17 =	sshll.u32 s0, $0xA;
	s2 =	sadd.s32 s3, s2  }
0x8d: {  	s2 =	sadd.s32 s2, s17  }
0x8e: {  	[smem:$0x3FC3] =	sst s2  }
0x8f: {  	_ = 	snop  }
0x90: {  	s18 =	sld [smem:$0x3FD0];
	(tm) =	ssettm $0x1  }
0x91: {  	s19 =	sld [smem:$0x3FFB];
	_ =	sdelay $0x3  }
0x92: {  	_ =	strace s19  }
0x93: {  	s2 =	sld [smem:$0x3FFC];
	_ =	sdelay $0x3  }
0x94: {  	_ =	strace s2  }
0x95: {  	s2 =	sld [smem:$0x3FFD];
	_ =	sdelay $0x3  }
0x96: {  	_ =	strace s2  }
0x97: {  	_ =	strace $0x8FFFFFFF  }
0x98: {  	s20 =	sld [smem:$0x3FDB];
	_ =	sdelay $0x1  }
0x99: {  	s4 =	simm.s32 $_scs_section_size  }
0x9a: {  	s5 =	simm.s32 $_size__tile_overlayer_lowered;
	s6 =	simm.s32 $_tile_overlayer_lowered  }
0x9b: {  	s7 =	simm.s32 $0x1BFF;
	s21 =	sshll.u32 s6, $0x1;
	s4 =	sadd.s32 s4, s20  }
0x9c: {  	s22 =	simm.s32 $0x0;
	s5 =	sshll.u32 s5, $0x1;
	s6 =	sadd.s32 s21, s4  }
0x9d: {  	[timem:s22], [sflag:s7] =	dma.local [hbm:s6], s5  }
0x9e: {  	_ =	swait.ge [sflag:s7], s5  }
0x9f: {  	s5 =	ssub.s32 $0x0, s5;
	[sflag:s7] =	ssyncset.done $0x0  }
0xa0: {  	[sflag:s7] =	ssyncadd.s32 s5;
	_ =	sdelay $0x1  }
0xa1: {  	s23 =	simm.s32 $0x1B8B  }
0xa2: {  	_ =	swait.ge [sflag:s23], $0x1  }
0xa3: {  	[sflag:s23] =	ssyncset.done $0x0  }
0xa4: {  	[sflag:s23] =	ssyncadd.s32 $0xFFFFFFFF  }
0xa5: {  	s5 =	sld [smem:$0x0]  }
0xa6: {  	s6 =	sand.u32 $0xFFFFFFFE, s1  }
0xa7: {  	p0 =	sne.s32 s1, s6  }
0xa8: {  	s6 =	sshll.u32 @p0 s6, $0xE  }
0xa9: {  	s6 =	sadd.s32 @p0 $0x11B8D, s6;
	s7 =	sshll.u32 @p0 s5, $0x11  }
0xaa: {  	s6 =	sor.u32 @p0 s7, s6  }
0xab: {  	[sflag:s6] =	ssyncadd.remote.s32 @p0 $0x1;
	_ =	sdelay $0x1  }
0xac: {  	s6 =	simm.s32 @p0 $0x1B8D  }
0xad: {  	_ =	swait.eq @p0 [sflag:s6], $0x1  }
0xae: {  	[sflag:s6] =	ssyncadd.s32 @p0 $0xFFFFFFFF  }
0xaf: {  	s7 =	sshll.u32 @!p0 s1, $0xE  }
0xb0: {  	s7 =	sor.u32 @!p0 $0x4000, s7;
	s6 =	simm.s32 @!p0 $0x1B8D  }
0xb1: {  	s5 =	sshll.u32 @!p0 s5, $0x11;
	s7 =	sadd.s32 @!p0 $0x11B8D, s7;
	_ =	swait.eq @!p0 [sflag:s6], $0x1  }
0xb2: {  	s5 =	sor.u32 @!p0 s5, s7;
	[sflag:s6] =	ssyncadd.s32 @!p0 $0xFFFFFFFF  }
0xb3: {  	s25 =	simm.s32 $0x1B8E;
	s24 =	sld [smem:$0x3FFE];
	[sflag:s5] =	ssyncadd.remote.s32 @!p0 $0x1  }
0xb4: {  	s26 =	simm.s32 $execute0_lowered;
	[smem:$0x3FD2] =	sst s25  }
0xb5: {  	s6 =	sshll.u32 s26, $0x1;
	_ =	strace $0x8000004F;
	[dreg:$0x1] =	wrdreg $0xFFFFFFFF  }
0xb6: {  	s28 =	simm.s32 $_size_execute0_lowered;
	s4 =	sadd.s32 s4, s6;
	[dreg:$0x0] =	wrdreg $0x0  }
0xb7: {  	s6 =	sshll.u32 s28, $0x1;
	[dreg:$0x2] =	wrdreg s4  }
0xb8: {  	[dreg:$0x3] =	wrdreg s6  }
0xb9: {  	[dreg:$0x4] =	wrdreg $0xC0  }
0xba: {  	_ =	task [dreg:s22], $0x5FFFF  }
0xbb: {  	[dreg:$0x1] =	wrdreg $0xFFFFFFFF  }
0xbc: {  	[dreg:$0x0] =	wrdreg $0x60  }
0xbd: {  	[dreg:$0x2] =	wrdreg s18  }
0xbe: {  	[dreg:$0x3] =	wrdreg s24  }
0xbf: {  	[dreg:$0x4] =	wrdreg $0x9  }
0xc0: {  	_ =	task.clear_ibuf [dreg:s22], $0x5FFFF;
	_ =	strace $0x9000004F  }
0xc1: {  	s29 =	simm.s32 $0x9;
	_ =	strace $0x80000051  }
0xc2: {  	_ =	swait.ge [sflag:s29], $0x1  }
0xc3: {  	[sflag:s29] =	ssyncadd.s32 $0xFFFFFFFF  }
0xc4: {  	_ =	strace $0x90000051  }
0xc5: {  	_ =	sfence  }
0xc6: {  	s30 =	sld [smem:$0x0];
	_ =	sdelay $0x2  }
0xc7: {  	s31 =	sshll.u32 s1, $0xD;
	s1 =	sshrl.u32 s1, $0x2  }
0xc8: {  	s4 =	sand.u32 $0x4000, s31;
	s1 =	sadd.s32 s1, s30  }
0xc9: {  	s0 =	sor.u32 s4, s0;
	s1 =	sshll.u32 s1, $0x11  }
0xca: {  	s0 =	sor.u32 s1, s0  }
0xcb: {  	s0 =	sadd.s32 $0x8F2B, s0  }
0xcc: {  	[sflag:s0] =	ssyncadd.remote.s32 $0x1  }
0xcd: {  	_ =	sfence.sel $0xFFFF  }
0xce: {  	[dreg:$0x0] =	wrdreg $0xFFFFFFFF;
	(pc) =	sbr.abs _section_cstart, $3  }
0xcf: {  	[dreg:$0x1] =	wrdreg $0xFFFFFFFF  }
0xd0: {  	_ =	task.clear_ibuf [dreg:s22], $0x2FFFF;
	_ =	strace $0x9FFFFFFF  }
0xd1: {  	(tm) =	ssettm $0x7FFFFFFF  }
tec
execute0_lowered:
.L_overlay_start_1:
0x0: {  	(tag) =	ssettag $0x1  }
0x1: {  	s4 =	rddreg [dreg:$0x0]  }
0x2: {  	s5 =	rddreg [dreg:$0x1]  }
0x3: {  	s0 =	rddreg [dreg:$0x2];
	s1 =	simm.s32 $0x0  }
0x4: {  	s6 =	srdreg.scid;
	s2 =	stileid.u32;
	s13 =	simm.s32 $0x2000  }
0x5: {  	s14 =	simm.s32 $0x3000;
	s15 =	simm.s32 $0x100;
	s16 =	simm.s32 $0x4000  }
0x6: {  	s17 =	simm.s32 $0x180;
	s18 =	simm.s32 $0x5000;
	s19 =	simm.s32 $0x1  }
0x7: {  	s20 =	simm.s32 $0x2;
	s21 =	simm.s32 $0x0;
	[smem:$0x7FF] =	sst s1  }
0x8: {  	s3 =	sadd.s32 $0x5E2800, s5;
	s10 =	sand.u32 $0x1, s6;
	s7 =	sshll.u32 s2, $0x7  }
0x9: {  	s11 =	sadd.s32 $0x9B3200, s5;
	s12 =	sshll.u32 s2, $0x10;
	s8 =	sshll.u32 s10, $0x6  }
0xa: {  	_ =	strace $0x80000050;
	s6 =	ssub.s32 $0x2, s10;
	s7 =	sor.u32 s8, s7  }
0xb: {  	s10 =	sshll.u32 s10, $0xF;
	s30 =	sshrl.u32 s6, $0x1;
	s31 =	sshll.u32 s7, $0x4  }
0xc: {  	s5 =	ssub.s32 s6, s30;
	s7 =	sshll.u32 s7, $0x9;
	s4 =	sadd.s32 s4, s31  }
0xd: {  	s5 =	smax.u32 s5, $0x1;
	s6 =	sadd.s32 s11, s7;
	s11 =	sadd.s32 s12, s11  }
0xe: {  	s12 =	simm.s32 $0x80;
	s7 =	sadd.s32 $0x200, s6;
	s8 =	sadd.s32 $0x400, s6  }
0xf: {  	s9 =	sadd.s32 $0x600, s6;
	s10 =	sadd.s32 s10, s11;
	s11 =	simm.s32 $0x3  }
.LBB2_1:
0x10: {  	[tilespmem:s1], [sflag:$0x3] =	stream.linear.gather [hbm4b:s4+s1], $0x2000, $0x38;
	[tilespmem:$0x6000] =	vst v63  }
0x11: {  	_ =	swait.ge [sflag:s11], $0x2000  }
0x12: {  	[sflag:s11] =	ssyncset.done $0x0  }
0x13: {  	[sflag:s11] =	ssyncadd.s32 $0xFFFFE000  }
0x14: {  	[tilespmem:s13], [sflag:$0x1] =	stream.indirect.gather [hbm4b:s3+s12], $0x20, s1, s12, $0xb8;
	[tilespmem:$0x6000] =	vst v63  }
0x15: {  	_ = 	snop  }
0x16: {  	[tilespmem:s14], [sflag:$0x1] =	stream.indirect.gather [hbm4b:s3+s12], $0x20, s12, s12, $0xb8;
	[tilespmem:$0x6000] =	vst v63  }
0x17: {  	_ = 	snop  }
0x18: {  	[tilespmem:s16], [sflag:$0x1] =	stream.indirect.gather [hbm4b:s3+s12], $0x20, s15, s12, $0xb8;
	[tilespmem:$0x6000] =	vst v63  }
0x19: {  	_ = 	snop  }
0x1a: {  	[tilespmem:s18], [sflag:$0x1] =	stream.indirect.gather [hbm4b:s3+s12], $0x20, s17, s12, $0xb8;
	[tilespmem:$0x6000] =	vst v63  }
0x1b: {  	_ =	swait.ge [sflag:s19], $0x1000  }
0x1c: {  	[sflag:s19] =	ssyncset.done $0x0  }
0x1d: {  	[sflag:s19] =	ssyncadd.s32 $0xFFFFF000  }
0x1e: {  	[hbm4b:s6+s1] =	stream.linear.scatter [tilespmem:s13], [sflag:$0x2], $0x1000, $0x38;
	[tilespmem:$0x6000] =	vst v63  }
0x1f: {  	_ =	swait.ge [sflag:s19], $0x1000  }
0x20: {  	[sflag:s19] =	ssyncset.done $0x0  }
0x21: {  	[sflag:s19] =	ssyncadd.s32 $0xFFFFF000  }
0x22: {  	[hbm4b:s7+s1] =	stream.linear.scatter [tilespmem:s14], [sflag:$0x2], $0x1000, $0x38;
	[tilespmem:$0x6000] =	vst v63  }
0x23: {  	_ =	swait.ge [sflag:s19], $0x1000  }
0x24: {  	[sflag:s19] =	ssyncset.done $0x0  }
0x25: {  	[sflag:s19] =	ssyncadd.s32 $0xFFFFF000  }
0x26: {  	[hbm4b:s8+s1] =	stream.linear.scatter [tilespmem:s16], [sflag:$0x2], $0x1000, $0x38;
	[tilespmem:$0x6000] =	vst v63  }
0x27: {  	_ =	swait.ge [sflag:s19], $0x1000  }
0x28: {  	[sflag:s19] =	ssyncset.done $0x0  }
0x29: {  	[sflag:s19] =	ssyncadd.s32 $0xFFFFF000  }
0x2a: {  	[hbm4b:s9+s1] =	stream.linear.scatter [tilespmem:s18], [sflag:$0x2], $0x1000, $0x38;
	[tilespmem:$0x6000] =	vst v63  }
0x2b: {  	_ =	swait.ge [sflag:s20], $0x1000  }
0x2c: {  	[sflag:s20] =	ssyncset.done $0x0  }
0x2d: {  	[sflag:s20] =	ssyncadd.s32 $0xFFFFF000  }
0x2e: {  	_ =	swait.ge [sflag:s20], $0x1000  }
0x2f: {  	[sflag:s20] =	ssyncset.done $0x0  }
0x30: {  	[sflag:s20] =	ssyncadd.s32 $0xFFFFF000  }
0x31: {  	_ =	swait.ge [sflag:s20], $0x1000  }
0x32: {  	[sflag:s20] =	ssyncset.done $0x0  }
0x33: {  	[sflag:s20] =	ssyncadd.s32 $0xFFFFF000  }
0x34: {  	_ =	swait.ge [sflag:s20], $0x1000  }
0x35: {  	[sflag:s20] =	ssyncset.done $0x0  }
0x36: {  	s22 =	simm.s32 $0x200;
	[sflag:s20] =	ssyncadd.s32 $0xFFFFF000  }
0x37: {  	[tilespmem:s13], [sflag:$0x1] =	stream.indirect.gather [hbm4b:s3+s12], $0x20, s22, s12, $0xb8;
	[tilespmem:$0x6000] =	vst v63  }
0x38: {  	s25 =	simm.s32 $0x280  }
0x39: {  	[tilespmem:s14], [sflag:$0x1] =	stream.indirect.gather [hbm4b:s3+s12], $0x20, s25, s12, $0xb8;
	[tilespmem:$0x6000] =	vst v63  }
0x3a: {  	s26 =	simm.s32 $0x300  }
0x3b: {  	[tilespmem:s16], [sflag:$0x1] =	stream.indirect.gather [hbm4b:s3+s12], $0x20, s26, s12, $0xb8;
	[tilespmem:$0x6000] =	vst v63  }
0x3c: {  	s28 =	simm.s32 $0x380  }
0x3d: {  	[tilespmem:s18], [sflag:$0x1] =	stream.indirect.gather [hbm4b:s3+s12], $0x20, s28, s12, $0xb8;
	[tilespmem:$0x6000] =	vst v63  }
0x3e: {  	_ =	swait.ge [sflag:s19], $0x1000  }
0x3f: {  	s23 =	sadd.s32 $0x0, s10;
	[sflag:s19] =	ssyncset.done $0x0  }
0x40: {  	s29 =	sadd.s32 $0x800, s23;
	[sflag:s19] =	ssyncadd.s32 $0xFFFFF000  }
0x41: {  	[hbm4b:s29+s1] =	stream.linear.scatter [tilespmem:s13], [sflag:$0x2], $0x1000, $0x38;
	[tilespmem:$0x6000] =	vst v63  }
0x42: {  	_ =	swait.ge [sflag:s19], $0x1000  }
0x43: {  	[sflag:s19] =	ssyncset.done $0x0  }
0x44: {  	s30 =	sadd.s32 $0xA00, s23;
	[sflag:s19] =	ssyncadd.s32 $0xFFFFF000  }
0x45: {  	[hbm4b:s30+s1] =	stream.linear.scatter [tilespmem:s14], [sflag:$0x2], $0x1000, $0x38;
	[tilespmem:$0x6000] =	vst v63  }
0x46: {  	_ =	swait.ge [sflag:s19], $0x1000  }
0x47: {  	[sflag:s19] =	ssyncset.done $0x0  }
0x48: {  	s31 =	sadd.s32 $0xC00, s23;
	[sflag:s19] =	ssyncadd.s32 $0xFFFFF000  }
0x49: {  	[hbm4b:s31+s1] =	stream.linear.scatter [tilespmem:s16], [sflag:$0x2], $0x1000, $0x38;
	[tilespmem:$0x6000] =	vst v63  }
0x4a: {  	_ =	swait.ge [sflag:s19], $0x1000  }
0x4b: {  	[sflag:s19] =	ssyncset.done $0x0  }
0x4c: {  	s23 =	sadd.s32 $0xE00, s23;
	s22 =	simm.s32 $0x800;
	[sflag:s19] =	ssyncadd.s32 $0xFFFFF000  }
.LBB2_2:
0x4d: {  	[hbm4b:s23+s1] =	stream.linear.scatter [tilespmem:s18], [sflag:$0x2], $0x1000, $0x38;
	[tilespmem:$0x6000] =	vst v63  }
0x4e: {  	s23 =	smov.u32 s22  }
0x4f: {  	p0 =	sne.s32 s22, $0x7000;
	s22 =	sadd.s32 $0x800, s22;
	_ =	swait.ge [sflag:s20], $0x1000  }
0x50: {  	[sflag:s20] =	ssyncset.done $0x0  }
0x51: {  	[sflag:s20] =	ssyncadd.s32 $0xFFFFF000  }
0x52: {  	_ =	swait.ge [sflag:s20], $0x1000  }
0x53: {  	[sflag:s20] =	ssyncset.done $0x0  }
0x54: {  	[sflag:s20] =	ssyncadd.s32 $0xFFFFF000  }
0x55: {  	_ =	swait.ge [sflag:s20], $0x1000  }
0x56: {  	[sflag:s20] =	ssyncset.done $0x0  }
0x57: {  	[sflag:s20] =	ssyncadd.s32 $0xFFFFF000  }
0x58: {  	_ =	swait.ge [sflag:s20], $0x1000  }
0x59: {  	s24 =	sshra.s32 s23, $0x2;
	[sflag:s20] =	ssyncset.done $0x0  }
0x5a: {  	s25 =	sadd.s32 $0x200, s24;
	[sflag:s20] =	ssyncadd.s32 $0xFFFFF000  }
0x5b: {  	[tilespmem:s13], [sflag:$0x1] =	stream.indirect.gather [hbm4b:s3+s12], $0x20, s25, s12, $0xb8;
	[tilespmem:$0x6000] =	vst v63  }
0x5c: {  	s25 =	sadd.s32 $0x280, s24  }
0x5d: {  	[tilespmem:s14], [sflag:$0x1] =	stream.indirect.gather [hbm4b:s3+s12], $0x20, s25, s12, $0xb8;
	[tilespmem:$0x6000] =	vst v63  }
0x5e: {  	s25 =	sadd.s32 $0x300, s24  }
0x5f: {  	[tilespmem:s16], [sflag:$0x1] =	stream.indirect.gather [hbm4b:s3+s12], $0x20, s25, s12, $0xb8;
	[tilespmem:$0x6000] =	vst v63  }
0x60: {  	s24 =	sadd.s32 $0x380, s24  }
0x61: {  	[tilespmem:s18], [sflag:$0x1] =	stream.indirect.gather [hbm4b:s3+s12], $0x20, s24, s12, $0xb8;
	[tilespmem:$0x6000] =	vst v63  }
0x62: {  	_ =	swait.ge [sflag:s19], $0x1000  }
0x63: {  	s23 =	sadd.s32 s23, s10;
	[sflag:s19] =	ssyncset.done $0x0  }
0x64: {  	s24 =	sadd.s32 $0x800, s23;
	[sflag:s19] =	ssyncadd.s32 $0xFFFFF000  }
0x65: {  	[hbm4b:s24+s1] =	stream.linear.scatter [tilespmem:s13], [sflag:$0x2], $0x1000, $0x38;
	[tilespmem:$0x6000] =	vst v63  }
0x66: {  	_ =	swait.ge [sflag:s19], $0x1000  }
0x67: {  	[sflag:s19] =	ssyncset.done $0x0  }
0x68: {  	s24 =	sadd.s32 $0xA00, s23;
	[sflag:s19] =	ssyncadd.s32 $0xFFFFF000  }
0x69: {  	[hbm4b:s24+s1] =	stream.linear.scatter [tilespmem:s14], [sflag:$0x2], $0x1000, $0x38;
	[tilespmem:$0x6000] =	vst v63  }
0x6a: {  	_ =	swait.ge [sflag:s19], $0x1000  }
0x6b: {  	[sflag:s19] =	ssyncset.done $0x0  }
.Ltmp0:
0x6c: {  	s24 =	sadd.s32 $0xC00, s23;
	[sflag:s19] =	ssyncadd.s32 $0xFFFFF000;
	(pc) =	sbr.rel @p0 .LBB2_2-.Ltmp0, $4  }
0x6d: {  	[hbm4b:s24+s1] =	stream.linear.scatter [tilespmem:s16], [sflag:$0x2], $0x1000, $0x38;
	[tilespmem:$0x6000] =	vst v63  }
0x6e: {  	_ =	swait.ge [sflag:s19], $0x1000  }
0x6f: {  	[sflag:s19] =	ssyncset.done $0x0  }
0x70: {  	s23 =	sadd.s32 $0xE00, s23;
	[sflag:s19] =	ssyncadd.s32 $0xFFFFF000  }
0x71: {  	[hbm4b:s23+s1] =	stream.linear.scatter [tilespmem:s18], [sflag:$0x2], $0x1000, $0x38;
	[tilespmem:$0x6000] =	vst v63  }
0x72: {  	_ =	swait.ge [sflag:s20], $0x1000  }
0x73: {  	[sflag:s20] =	ssyncset.done $0x0  }
0x74: {  	[sflag:s20] =	ssyncadd.s32 $0xFFFFF000  }
0x75: {  	_ =	swait.ge [sflag:s20], $0x1000  }
0x76: {  	[sflag:s20] =	ssyncset.done $0x0  }
0x77: {  	s21 =	sadd.s32 $0x1, s21;
	[sflag:s20] =	ssyncadd.s32 $0xFFFFF000  }
0x78: {  	p0 =	sne.s32 s21, s5;
	_ =	swait.ge [sflag:s20], $0x1000  }
.Ltmp1:
0x79: {  	[sflag:s20] =	ssyncset.done $0x0;
	(pc) =	sbr.rel @p0 .LBB2_1-.Ltmp1, $4  }
0x7a: {  	[sflag:s20] =	ssyncadd.s32 $0xFFFFF000  }
0x7b: {  	_ =	swait.ge [sflag:s20], $0x1000  }
0x7c: {  	[sflag:s20] =	ssyncset.done $0x0  }
0x7d: {  	[sflag:s20] =	ssyncadd.s32 $0xFFFFF000  }
0x7e: {  	_ =	sfence.sel $0x180000  }
0x7f: {  	[bflag:$0x0] =	sbarrier.arrive $0xFFFF  }
0x80: {  	p0 =	sne.s32 s2, $0x0;
	_ =	strace $0x90000050  }
0x81: {  	s0 =	sadd.s32 @!p0 $0x100000, s0;
	[bflag:$0x2] =	sbarrier.arrive $0xFFFF  }
0x82: {  	[sflag:s0] =	ssyncadd.tile.s32 @!p0 $0x1;
	_ =	shalt  }
.Lfunc_end2:
_tile_overlayer_lowered:
.L_overlay_start_2:
0x83: {  	(tag) =	ssettag $0x2  }
0x84: {  	s0 =	rddreg [dreg:$0x0];
	s2 =	stileid.u32  }
0x85: {  	s1 =	rddreg [dreg:$0x1];
	p0 =	sne.s32 s2, $0x0  }
0x86: {  	s3 =	rddreg [dreg:$0x2];
	[bflag:$0x3] =	sbarrier.arrive $0xFFFF;
	s2 =	simm.s32 @!p0 $0x1C03  }
0x87: {  	[timem:s3], [sflag:s2] =	dma.local @!p0 [hbm:s0], s1  }
0x88: {  	s0 =	simm.s32 @!p0 $0x3  }
0x89: {  	_ =	swait.ge @!p0 [sflag:s0], s1  }
0x8a: {  	s1 =	ssub.s32 @!p0 $0x0, s1;
	[sflag:s0] =	ssyncset.done @!p0 $0x0  }
0x8b: {  	[sflag:s0] =	ssyncadd.s32 @!p0 s1  }
0x8c: {  	[bflag:$0x3] =	sbarrier.arrive $0xFFFF  }
0x8d: {  	_ =	shalt  }

// kernel: sparse-core-data-format-call.1.cloned.1.call-start
scs
called_computation.1_lowered:
.L_overlay_start_0:
0x0: {  	s2 =	sld [smem:$0x3FD9]  }
0x1: {  	s3 =	sld [smem:$0x3FFE];
	_ =	sdelay $0x1  }
0x2: {  	s1 =	srdreg.scid  }
0x3: {  	s0 =	sand.u32 $0x1, s1  }
0x4: {  	s18 =	sshll.u32 s0, $0xA;
	s2 =	sadd.s32 s3, s2  }
0x5: {  	s2 =	sadd.s32 s2, s18  }
0x6: {  	[smem:$0x3FC3] =	sst s2  }
0x7: {  	_ = 	snop  }
0x8: {  	(tm) =	ssettm $0x1  }
0x9: {  	s19 =	sld [smem:$0x3FFB];
	_ =	sdelay $0x3  }
0xa: {  	_ =	strace s19  }
0xb: {  	s2 =	sld [smem:$0x3FFC];
	_ =	sdelay $0x3  }
0xc: {  	_ =	strace s2  }
0xd: {  	s2 =	sld [smem:$0x3FFD];
	_ =	sdelay $0x3  }
0xe: {  	_ =	strace s2  }
0xf: {  	_ =	strace $0x8FFFFFFF  }
0x10: {  	s20 =	sld [smem:$0x3FDB];
	_ =	sdelay $0x1  }
0x11: {  	s21 =	simm.s32 $_scs_section_size  }
0x12: {  	s4 =	simm.s32 $_size__tile_overlayer_lowered;
	s5 =	simm.s32 $_tile_overlayer_lowered  }
0x13: {  	s6 =	simm.s32 $0x1BFF;
	s22 =	sshll.u32 s5, $0x1;
	s3 =	sadd.s32 s21, s20  }
0x14: {  	s23 =	simm.s32 $0x0;
	s4 =	sshll.u32 s4, $0x1;
	s5 =	sadd.s32 s22, s3  }
0x15: {  	[timem:s23], [sflag:s6] =	dma.local [hbm:s5], s4  }
0x16: {  	_ =	swait.ge [sflag:s6], s4  }
0x17: {  	s4 =	ssub.s32 $0x0, s4;
	[sflag:s6] =	ssyncset.done $0x0  }
0x18: {  	[sflag:s6] =	ssyncadd.s32 s4;
	_ =	sdelay $0x1  }
0x19: {  	s24 =	simm.s32 $0x1B8B  }
0x1a: {  	_ =	swait.ge [sflag:s24], $0x1  }
0x1b: {  	[sflag:s24] =	ssyncset.done $0x0  }
0x1c: {  	[sflag:s24] =	ssyncadd.s32 $0xFFFFFFFF  }
0x1d: {  	s4 =	sld [smem:$0x0]  }
0x1e: {  	s5 =	sand.u32 $0xFFFFFFFE, s1  }
0x1f: {  	p0 =	sne.s32 s1, s5  }
0x20: {  	s5 =	sshll.u32 @p0 s5, $0xE  }
0x21: {  	s5 =	sadd.s32 @p0 $0x11B8D, s5;
	s6 =	sshll.u32 @p0 s4, $0x11  }
0x22: {  	s5 =	sor.u32 @p0 s6, s5  }
0x23: {  	[sflag:s5] =	ssyncadd.remote.s32 @p0 $0x1;
	_ =	sdelay $0x1  }
0x24: {  	s5 =	simm.s32 @p0 $0x1B8D  }
0x25: {  	_ =	swait.eq @p0 [sflag:s5], $0x1  }
0x26: {  	[sflag:s5] =	ssyncadd.s32 @p0 $0xFFFFFFFF  }
0x27: {  	s6 =	sshll.u32 @!p0 s1, $0xE  }
0x28: {  	s6 =	sor.u32 @!p0 $0x4000, s6;
	s5 =	simm.s32 @!p0 $0x1B8D  }
0x29: {  	s4 =	sshll.u32 @!p0 s4, $0x11;
	s6 =	sadd.s32 @!p0 $0x11B8D, s6;
	_ =	swait.eq @!p0 [sflag:s5], $0x1  }
0x2a: {  	s4 =	sor.u32 @!p0 s4, s6;
	[sflag:s5] =	ssyncadd.s32 @!p0 $0xFFFFFFFF  }
0x2b: {  	s26 =	simm.s32 $0x1B8E;
	s25 =	sld [smem:$0x3FFE];
	[sflag:s4] =	ssyncadd.remote.s32 @!p0 $0x1  }
0x2c: {  	s27 =	simm.s32 $execute0_lowered;
	[smem:$0x3FD2] =	sst s26  }
0x2d: {  	s5 =	sshll.u32 s27, $0x1;
	_ =	strace $0x80000049;
	[dreg:$0x1] =	wrdreg $0xFFFFFFFF  }
0x2e: {  	s28 =	simm.s32 $_size_execute0_lowered;
	s3 =	sadd.s32 s3, s5;
	[dreg:$0x0] =	wrdreg $0x0  }
0x2f: {  	s5 =	sshll.u32 s28, $0x1;
	[dreg:$0x2] =	wrdreg s3  }
0x30: {  	[dreg:$0x3] =	wrdreg s5  }
0x31: {  	[dreg:$0x4] =	wrdreg $0xC0  }
0x32: {  	_ =	task [dreg:s23], $0x5FFFF  }
0x33: {  	[dreg:$0x1] =	wrdreg $0xFFFFFFFF  }
0x34: {  	[dreg:$0x0] =	wrdreg $0x60  }
0x35: {  	[dreg:$0x2] =	wrdreg s25  }
0x36: {  	[dreg:$0x3] =	wrdreg $0x9  }
0x37: {  	_ =	task.clear_ibuf [dreg:s23], $0x4FFFF;
	_ =	strace $0x90000049  }
0x38: {  	s29 =	simm.s32 $0x9;
	_ =	strace $0x8000004B  }
0x39: {  	_ =	swait.ge [sflag:s29], $0x1  }
0x3a: {  	[sflag:s29] =	ssyncadd.s32 $0xFFFFFFFF  }
0x3b: {  	_ =	strace $0x9000004B  }
0x3c: {  	_ =	sfence  }
0x3d: {  	s30 =	sld [smem:$0x0];
	_ =	sdelay $0x2  }
0x3e: {  	s31 =	sshll.u32 s1, $0xD;
	s1 =	sshrl.u32 s1, $0x2  }
0x3f: {  	s4 =	sand.u32 $0x4000, s31;
	s1 =	sadd.s32 s1, s30  }
0x40: {  	s0 =	sor.u32 s4, s0;
	s1 =	sshll.u32 s1, $0x11  }
0x41: {  	s0 =	sor.u32 s1, s0  }
0x42: {  	s0 =	sadd.s32 $0x8F2B, s0  }
0x43: {  	[sflag:s0] =	ssyncadd.remote.s32 $0x1  }
0x44: {  	_ =	sfence.sel $0xFFFF  }
0x45: {  	[dreg:$0x0] =	wrdreg $0xFFFFFFFF;
	(pc) =	sbr.abs _section_cstart, $3  }
0x46: {  	[dreg:$0x1] =	wrdreg $0xFFFFFFFF  }
0x47: {  	_ =	task.clear_ibuf [dreg:s23], $0x2FFFF;
	_ =	strace $0x9FFFFFFF  }
0x48: {  	(tm) =	ssettm $0x7FFFFFFF  }
0x49: {  	_ =	shalt  }
tec
execute0_lowered:
.L_overlay_start_1:
0x0: {  	(tag) =	ssettag $0x1  }
0x1: {  	s0 =	srdreg.scid  }
0x2: {  	s5 =	rddreg [dreg:$0x0];
	s1 =	stileid.u32;
	s4 =	simm.s32 $0x1  }
0x3: {  	s6 =	simm.s32 $0x2;
	s15 =	simm.s32 $0x0;
	p0 =	por $0x0, $0x0  }
0x4: {  	s8 =	simm.s32 $0x80;
	s14 =	simm.s32 $0x0;
	s2 =	sshll.u32 s0, $0x4  }
0x5: {  	s9 =	simm.s32 $0x0;
	s10 =	simm.s32 $0x0;
	s2 =	sand.u32 $0x10, s2  }
.Ltmp0:
0x6: {  	s12 =	simm.s32 $0x0;
	s3 =	sor.u32 s1, s2;
	(pc) =	sbr.rel .LBB1_1-.Ltmp0, $4  }
0x7: {  	s0 =	rddreg [dreg:$0x1];
	_ =	strace $0x8000004A;
	s3 =	sshll.u32 s3, $0x7  }
0x8: {  	s13 =	simm.s32 $0x0;
	[sflag:s4] =	ssyncpa.u1 $0x0;
	s7 =	ssub.s32 $0xF4200, s3  }
0x9: {  	s2 =	sadd.s32 $0x16E5600, s5;
	[sflag:s6] =	ssyncpa.u1 $0x0;
	s6 =	sshrl.u32 s7, $0xC  }
0xa: {  	s5 =	sadd.s32 $0x1AB6000, s5;
	s11 =	smov.u32 s3;
	s7 =	sadd.s32 $0x2, s6  }
.LBB1_5:
0xb: {  	p1 =	slt.u32 s13, $0x2  }
0xc: {  	s17 =	smov.u32 s15;
	p2 =	sgt.s32 @!p1 s15, $0xF41C0;
	s16 =	sshra.s32 @!p1 s15, $0x1F  }
0xd: {  	p3 =	sgt.s32 @!p1 s14, $0x60;
	s18 =	sshra.s32 @!p1 s14, $0x1F;
	p2 =	por !p2, p1  }
0xe: {  	s15 =	sand.u32 @!p1 s16, s15;
	p3 =	por !p3, p1;
	s16 =	smov.u32 s14  }
0xf: {  	s14 =	sand.u32 @!p1 s18, s14;
	s17 =	simm.s32 @p2 $0xF41C0;
	s16 =	simm.s32 @p3 $0x60  }
0x10: {  	s15 =	ssub.s32 @!p1 s17, s15;
	s14 =	ssub.s32 @!p1 s16, s14  }
0x11: {  	s18 =	smov.u32 s12;
	s16 =	sadd.s32 @!p1 $0xFFF0BE40, s15;
	s17 =	sadd.s32 @!p1 $0xFFFFFFA0, s14  }
0x12: {  	s15 =	ssub.s32 @!p1 $0xF4240, s15;
	p2 =	sgt.s32 @!p1 s16, $0x7F;
	p3 =	sgt.s32 @!p1 s17, $0x1F  }
0x13: {  	s14 =	ssub.s32 @!p1 $0x80, s14;
	p2 =	por !p2, p1;
	p3 =	por !p3, p1  }
0x14: {  	s16 =	sadd.s32 $0x1000, s11;
	s15 =	simm.s32 @!p2 $0x0;
	s14 =	simm.s32 @!p3 $0x0  }
0x15: {  	p2 =	sgt.s32 s16, $0xF423F;
	s14 =	smul.u32 @!p1 s14, s15;
	s15 =	sadd.s32 $0x20, s12  }
0x16: {  	s18 =	smov.u32 @p2 s15  }
0x17: {  	s16 =	smov.u32 @p2 s3;
	p2 =	sgt.s32 s18, $0x1F  }
0x18: {  	s18 =	simm.s32 @p2 $0x0;
	p2 =	sne.s32 s13, s7  }
.Ltmp1:
0x19: {  	p0 =	por !p0, !p0;
	s17 =	simm.s32 @!p1 $0x2;
	(pc) =	sbr.rel @!p2 .LBB1_6-.Ltmp1, $4  }
0x1a: {  	s15 =	smov.u32 s9;
	s9 =	smov.u32 s11;
	s14 =	sand.u32 @!p1 $0x3FFFFFFF, s14  }
0x1b: {  	s11 =	smov.u32 s16;
	_ =	swait.ge @!p1 [sflag:s17], s14;
	s19 =	ssub.s32 @!p1 $0x0, s14  }
0x1c: {  	s14 =	smov.u32 s10;
	s13 =	sadd.s32 $0x1, s13;
	[sflag:s17] =	ssyncset.done @!p1 $0x0  }
0x1d: {  	s10 =	smov.u32 s12;
	s12 =	smov.u32 s18;
	[sflag:s17] =	ssyncadd.s32 @!p1 s19  }
.LBB1_1:
0x1e: {  	p1 =	sgt.u32 s13, s6  }
0x1f: {  	s16 =	sshrl.u32 @!p1 s12, $0x3  }
0x20: {  	s17 =	sshll.u32 @!p1 s11, $0x3;
	s16 =	smul.u32 @!p1 $0x7A1400, s16  }
0x21: {  	s18 =	sshll.u32 @!p1 s12, $0x7;
	s17 =	sand.u32 @!p1 $0xFFFFFC00, s17  }
0x22: {  	s16 =	sadd.s32 @!p1 s16, s17;
	s17 =	sand.u32 @!p1 $0x380, s18  }
0x23: {  	s18 =	sand.u32 @!p1 $0x7F, s11;
	s16 =	sor.u32 @!p1 s17, s16  }
0x24: {  	s17 =	sor.u32 @!p1 s18, s16  }
0x25: {  	s18 =	smulhi.u32 @!p1 $0x218D6287, s17;
	_ =	sdelay $0x1  }
0x26: {  	s16 =	smulhi.u32 @!p1 $0x218D6287, s16;
	s18 =	sshrl.u32 @!p1 s18, $0x11  }
0x27: {  	s18 =	smul.u32 @!p1 $0xF4280, s18  }
0x28: {  	s19 =	sxor.u32 @!p1 $0xFFFFFFFF, s13;
	s16 =	sshrl.u32 @!p1 s16, $0x11  }
0x29: {  	s19 =	sshll.u32 @!p1 s19, $0xC;
	s16 =	sand.u32 @!p1 $0x1F, s16;
	s17 =	ssub.s32 @!p1 s17, s18  }
0x2a: {  	s16 =	smul.u32 @!p1 $0x1E850, s16;
	s18 =	sshrl.u32 @!p1 s17, $0x3;
	s17 =	sand.u32 @!p1 $0x7, s17  }
0x2b: {  	s19 =	sand.u32 @!p1 $0x1000, s19;
	s18 =	sadd.s32 @!p1 s2, s18;
	s17 =	sshll.u32 @!p1 s17, $0x12  }
0x2c: {  	s16 =	sadd.s32 @!p1 s16, s18;
	s17 =	sor.u32 @!p1 $0x400, s17;
	s18 =	simm.s32 @!p1 $0x7A1400  }
0x2d: {  	[tilespmem:s19], [sflag:$0x1] =	stream.strided.gather @!p1 [hbm4b:s16+s17], $0x1000, s18, s17, $0x38;
	[tilespmem:$0x4100] =	vst v63  }
0x2e: {  	p1 =	seq.s32 s13, $0x0  }
0x2f: {  	p2 =	sge.u32 @!p1 s13, s7  }
0x30: {  	p1 =	por p1, p2  }
.Ltmp2:
0x31: {  	_ = 	snop;
	(pc) =	sbr.rel @p1 .LBB1_5-.Ltmp2, $1  }
0x32: {  	_ =	sdelay $0x3  }
0x33: {  	s16 =	simm.s32 $0x1  }
0x34: {  	_ =	swait.ge [sflag:s4], $0x1000;
	s16 =	simm.s32 @!p0 $0x0  }
0x35: {  	[sflag:s4] =	ssyncset.done $0x0;
	s17 =	sshll.u32 s16, $0xC  }
0x36: {  	[sflag:s4] =	ssyncadd.s32 $0xFFFFF000;
	s17 =	sor.u32 $0x40, s17  }
0x37: {  	s16 =	smul.u32 $0x4200, s16;
	v0 =	vld [tilespmem:s17+$0x30]  }
0x38: {  	v1 =	vld [tilespmem:s17+$0xFFFFFFD0]  }
0x39: {  	s16 =	sshrl.u32 s16, $0x2;
	v5 =	vld [tilespmem:s17+$0xFFFFFFE0]  }
0x3a: {  	v6 =	vld [tilespmem:s17+$0xFFFFFFF0];
	s19 =	sor.u32 $0x2000, s16  }
0x3b: {  	s31 =	sand.u32 $0x1, s13;
	v4 =	vld [tilespmem:s17+$0x0];
	s18 =	sadd.s32 $0x0, s19  }
0x3c: {  	v3 =	vld [tilespmem:s17+$0x10];
	s16 =	smul.u32 $0x4200, s31;
	[tilespmem:s18+$0xE70 ss:$0x21] =	vst.msk $0xffff, v0  }
0x3d: {  	v2 =	vld [tilespmem:s17+$0x20];
	[tilespmem:s18+$0x210 ss:$0x21] =	vst.msk $0xffff, v1  }
0x3e: {  	s16 =	sshrl.u32 s16, $0x2;
	v1 =	vld [tilespmem:s17+$0xFFFFFFC0];
	[tilespmem:s18+$0x420 ss:$0x21] =	vst.msk $0xffff, v5;
	s17 =	sadd.s32 $0x80, s17  }
0x3f: {  	s20 =	simm.s32 $0x4;
	s21 =	simm.s32 $0x8;
	s16 =	sor.u32 $0x2000, s16;
	[tilespmem:s18+$0x630 ss:$0x21] =	vst.msk $0xffff, v6;
	v0 =	vld [tilespmem:s17+$0x30]  }
.LBB1_3:
0x40: {  	p1 =	sne.s32 s21, $0x7C;
	v5 =	vld [tilespmem:s17+$0xFFFFFFD0];
	[tilespmem:s18+$0x840 ss:$0x21] =	vst.msk $0xffff, v4  }
0x41: {  	v6 =	vld [tilespmem:s17+$0xFFFFFFE0];
	[tilespmem:s18+$0xA50 ss:$0x21] =	vst.msk $0xffff, v3  }
0x42: {  	s22 =	sshra.s32 s20, $0x2;
	s20 =	smov.u32 s21;
	v7 =	vld [tilespmem:s17+$0xFFFFFFF0];
	[tilespmem:s18+$0xC60 ss:$0x21] =	vst.msk $0xffff, v2  }
.Ltmp3:
0x43: {  	v4 =	vld [tilespmem:s17+$0x0];
	[tilespmem:s18+$0x0 ss:$0x21] =	vst.msk $0xffff, v1;
	s18 =	sadd.s32 s22, s19;
	(pc) =	sbr.rel @p1 .LBB1_3-.Ltmp3, $4  }
0x44: {  	v3 =	vld [tilespmem:s17+$0x10];
	[tilespmem:s18+$0xE70 ss:$0x21] =	vst.msk $0xffff, v0  }
0x45: {  	[tilespmem:s18+$0x210 ss:$0x21] =	vst.msk $0xffff, v5;
	v2 =	vld [tilespmem:s17+$0x20]  }
0x46: {  	v1 =	vld [tilespmem:s17+$0xFFFFFFC0];
	[tilespmem:s18+$0x420 ss:$0x21] =	vst.msk $0xffff, v6;
	s17 =	sadd.s32 $0x80, s17  }
0x47: {  	s21 =	sadd.s32 $0x4, s21;
	v0 =	vld [tilespmem:s17+$0x30];
	[tilespmem:s18+$0x630 ss:$0x21] =	vst.msk $0xffff, v7  }
0x48: {  	s21 =	sshll.u32 s9, $0x7;
	s22 =	sshll.u32 s10, $0x3;
	s20 =	sshra.s32 s20, $0x2  }
0x49: {  	p1 =	sgt.s32 s9, $0xF41C0;
	s30 =	sshra.s32 s9, $0x1F;
	s25 =	sshra.s32 s10, $0x1F  }
0x4a: {  	v5 =	vld [tilespmem:s17+$0xFFFFFFD0];
	s28 =	sshrl.u32 s10, $0x3;
	s23 =	sand.u32 $0xFFFFFC00, s21;
	s22 =	sand.u32 $0xFFFFFC00, s22  }
0x4b: {  	[tilespmem:s18+$0x840 ss:$0x21] =	vst.msk $0xffff, v4;
	v58 =	vld [tilespmem:s17+$0xFFFFFFE0];
	s21 =	sand.u32 $0x380, s21;
	s19 =	sadd.s32 s20, s19;
	s22 =	sadd.s32 s22, s23  }
0x4c: {  	v59 =	vld [tilespmem:s17+$0xFFFFFFF0];
	[tilespmem:s18+$0xA50 ss:$0x21] =	vst.msk $0xffff, v3;
	s29 =	sor.u32 s21, s22;
	s21 =	smov.u32 s9;
	s22 =	sand.u32 s30, s9  }
0x4d: {  	v60 =	vld [tilespmem:s17+$0x0];
	[tilespmem:s18+$0xC60 ss:$0x21] =	vst.msk $0xffff, v2;
	s30 =	sand.u32 $0x7, s10;
	s20 =	sshrl.u32 s29, $0x7;
	s21 =	simm.s32 @!p1 $0xF41C0  }
0x4e: {  	v61 =	vld [tilespmem:s17+$0x10];
	[tilespmem:s18+$0x0 ss:$0x21] =	vst.msk $0xffff, v1;
	p1 =	sgt.s32 s10, $0x60;
	s24 =	ssub.s32 s21, s22;
	s21 =	smov.u32 s10  }
0x4f: {  	v62 =	vld [tilespmem:s17+$0x20];
	[tilespmem:s19+$0xE70 ss:$0x21] =	vst.msk $0xffff, v0;
	s31 =	smulhi.u32 $0x218DEF5, s20;
	s22 =	sand.u32 s25, s10;
	s21 =	simm.s32 @!p1 $0x60  }
0x50: {  	v63 =	vld [tilespmem:s17+$0xFFFFFFC0];
	[tilespmem:s19+$0x210 ss:$0x21] =	vst.msk $0xffff, v5;
	s26 =	sadd.s32 $0xFFF0BE40, s24;
	s17 =	ssub.s32 $0xF4240, s24;
	s21 =	ssub.s32 s21, s22  }
0x51: {  	[tilespmem:s19+$0x420 ss:$0x21] =	vst.msk $0xffff, v58;
	s23 =	sshrl.u32 s31, $0xD;
	p1 =	sgt.s32 s26, $0x7F;
	s27 =	sadd.s32 $0xFFFFFFA0, s21  }
0x52: {  	[tilespmem:s19+$0x630 ss:$0x21] =	vst.msk $0xffff, v59;
	s23 =	smul.u32 $0xF4240, s23;
	s18 =	ssub.s32 $0x80, s21;
	p2 =	sgt.s32 s27, $0x1F  }
.Ltmp4:
0x53: {  	[tilespmem:s19+$0x840 ss:$0x21] =	vst.msk $0xffff, v60;
	s17 =	simm.s32 @p1 $0x0;
	s18 =	simm.s32 @p2 $0x0;
	(pc) =	sbr.rel .LBB1_5-.Ltmp4, $4  }
0x54: {  	s29 =	sand.u32 $0xF, s28;
	[tilespmem:s19+$0xA50 ss:$0x21] =	vst.msk $0xffff, v61;
	s20 =	ssub.s32 s20, s23;
	s17 =	smul.u32 s18, s17  }
0x55: {  	[tilespmem:s19+$0xC60 ss:$0x21] =	vst.msk $0xffff, v62;
	s21 =	sshll.u32 s30, $0x12;
	s20 =	sshll.u32 s20, $0x4;
	s18 =	sadd.s32 s5, s29  }
0x56: {  	[tilespmem:s19+$0x0 ss:$0x21] =	vst.msk $0xffff, v63;
	s31 =	sor.u32 $0x20, s21;
	s18 =	sadd.s32 s20, s18;
	s17 =	sand.u32 $0x3FFFFFFF, s17  }
0x57: {  	[hbm4b:s18+s31] =	stream.strided.scatter [tilespmem:s16], [sflag:$0x2], s17, s8, s31, $0x10;
	[tilespmem:$0x4100] =	vst v63  }
.LBB1_6:
0x58: {  	_ =	sfence.sel $0x180000  }
0x59: {  	s2 =	simm.s32 $0x1;
	[bflag:$0x0] =	sbarrier.arrive $0xFFFF  }
0x5a: {  	s31 =	simm.s32 $0x2;
	[sflag:s2] =	ssyncpa.u1 $0x1  }
0x5b: {  	[sflag:s31] =	ssyncpa.u1 $0x1  }
0x5c: {  	p0 =	sne.s32 s1, $0x0;
	_ =	strace $0x9000004A  }
0x5d: {  	s0 =	sadd.s32 @!p0 $0x100000, s0;
	[bflag:$0x2] =	sbarrier.arrive $0xFFFF  }
0x5e: {  	[sflag:s0] =	ssyncadd.tile.s32 @!p0 $0x1;
	_ =	shalt  }
.Lfunc_end1:
_tile_overlayer_lowered:
.L_overlay_start_2:
0x5f: {  	(tag) =	ssettag $0x2  }
0x60: {  	s0 =	rddreg [dreg:$0x0];
	s2 =	stileid.u32  }
0x61: {  	s1 =	rddreg [dreg:$0x1];
	p0 =	sne.s32 s2, $0x0  }
0x62: {  	s3 =	rddreg [dreg:$0x2];
	[bflag:$0x3] =	sbarrier.arrive $0xFFFF;
	s2 =	simm.s32 @!p0 $0x1C01  }
0x63: {  	[timem:s3], [sflag:s2] =	dma.local @!p0 [hbm:s0], s1  }
0x64: {  	s0 =	simm.s32 @!p0 $0x1  }
0x65: {  	_ =	swait.ge @!p0 [sflag:s0], s1  }
0x66: {  	s1 =	ssub.s32 @!p0 $0x0, s1;
	[sflag:s0] =	ssyncset.done @!p0 $0x0  }
0x67: {  	[sflag:s0] =	ssyncadd.s32 @!p0 s1  }
0x68: {  	[bflag:$0x3] =	sbarrier.arrive $0xFFFF  }
0x69: {  	_ =	shalt  }

// kernel: sparse-core-data-format-call.2.cloned.1.call-start
scs
called_computation.2_lowered:
.L_overlay_start_0:
0x0: {  	s1 =	sld [smem:$0x3FD9]  }
0x1: {  	s2 =	sld [smem:$0x3FFE];
	_ =	sdelay $0x1  }
0x2: {  	s3 =	srdreg.scid  }
0x3: {  	s0 =	sand.u32 $0x1, s3  }
0x4: {  	s17 =	sshll.u32 s0, $0xA;
	s1 =	sadd.s32 s2, s1  }
0x5: {  	s1 =	sadd.s32 s1, s17  }
0x6: {  	[smem:$0x3FC3] =	sst s1  }
0x7: {  	_ = 	snop  }
0x8: {  	(tm) =	ssettm $0x1  }
0x9: {  	s18 =	sld [smem:$0x3FFB];
	_ =	sdelay $0x3  }
0xa: {  	_ =	strace s18  }
0xb: {  	s1 =	sld [smem:$0x3FFC];
	_ =	sdelay $0x3  }
0xc: {  	_ =	strace s1  }
0xd: {  	s1 =	sld [smem:$0x3FFD];
	_ =	sdelay $0x3  }
0xe: {  	_ =	strace s1  }
0xf: {  	_ =	strace $0x8FFFFFFF  }
0x10: {  	s19 =	sld [smem:$0x3FDB];
	_ =	sdelay $0x1  }
0x11: {  	s20 =	simm.s32 $_scs_section_size  }
0x12: {  	s4 =	simm.s32 $_size__tile_overlayer_lowered;
	s5 =	simm.s32 $_tile_overlayer_lowered  }
0x13: {  	s23 =	simm.s32 $0x1BFF;
	s22 =	sshll.u32 s5, $0x1;
	s1 =	sadd.s32 s20, s19  }
0x14: {  	s6 =	simm.s32 $0x0;
	s21 =	sshll.u32 s4, $0x1;
	s4 =	sadd.s32 s22, s1  }
0x15: {  	[timem:s6], [sflag:s23] =	dma.local [hbm:s4], s21  }
0x16: {  	_ =	swait.ge [sflag:s23], s21  }
0x17: {  	s2 =	ssub.s32 $0x0, s21;
	[sflag:s23] =	ssyncset.done $0x0  }
0x18: {  	[sflag:s23] =	ssyncadd.s32 s2;
	_ =	sdelay $0x1  }
0x19: {  	s24 =	simm.s32 $0x1B8B  }
0x1a: {  	_ =	swait.ge [sflag:s24], $0x1  }
0x1b: {  	[sflag:s24] =	ssyncset.done $0x0  }
0x1c: {  	s26 =	simm.s32 $0x1B8E;
	s25 =	sld [smem:$0x3FFE];
	[sflag:s24] =	ssyncadd.s32 $0xFFFFFFFF  }
0x1d: {  	s27 =	simm.s32 $execute0_lowered;
	[smem:$0x3FD2] =	sst s26  }
0x1e: {  	s4 =	sshll.u32 s27, $0x1;
	_ =	strace $0x80000046;
	[dreg:$0x1] =	wrdreg $0xFFFFFFFF  }
0x1f: {  	s28 =	simm.s32 $_size_execute0_lowered;
	s1 =	sadd.s32 s1, s4;
	[dreg:$0x0] =	wrdreg $0x0  }
0x20: {  	s4 =	sshll.u32 s28, $0x1;
	[dreg:$0x2] =	wrdreg s1  }
0x21: {  	[dreg:$0x3] =	wrdreg s4  }
0x22: {  	[dreg:$0x4] =	wrdreg $0xC0  }
0x23: {  	_ =	task [dreg:s6], $0x5FFFF  }
0x24: {  	[dreg:$0x1] =	wrdreg $0xFFFFFFFF  }
0x25: {  	[dreg:$0x0] =	wrdreg $0x60  }
0x26: {  	[dreg:$0x2] =	wrdreg s25  }
0x27: {  	[dreg:$0x3] =	wrdreg $0xA  }
0x28: {  	_ =	task.clear_ibuf [dreg:s6], $0x4FFFF;
	_ =	strace $0x90000046  }
0x29: {  	s29 =	simm.s32 $0xA;
	_ =	strace $0x80000048  }
0x2a: {  	_ =	swait.ge [sflag:s29], $0x1  }
0x2b: {  	[sflag:s29] =	ssyncadd.s32 $0xFFFFFFFF  }
0x2c: {  	_ =	strace $0x90000048  }
0x2d: {  	_ =	sfence  }
0x2e: {  	s30 =	sld [smem:$0x0];
	_ =	sdelay $0x2  }
0x2f: {  	s31 =	sshll.u32 s3, $0xD;
	s3 =	sshrl.u32 s3, $0x2  }
0x30: {  	s2 =	sand.u32 $0x4000, s31;
	s1 =	sadd.s32 s3, s30  }
0x31: {  	s0 =	sor.u32 s2, s0;
	s1 =	sshll.u32 s1, $0x11  }
0x32: {  	s0 =	sor.u32 s1, s0  }
0x33: {  	s0 =	sadd.s32 $0x8F2B, s0  }
0x34: {  	[sflag:s0] =	ssyncadd.remote.s32 $0x1  }
0x35: {  	_ =	sfence.sel $0xFFFF  }
0x36: {  	[dreg:$0x0] =	wrdreg $0xFFFFFFFF;
	(pc) =	sbr.abs _section_cstart, $3  }
0x37: {  	[dreg:$0x1] =	wrdreg $0xFFFFFFFF  }
0x38: {  	_ =	task.clear_ibuf [dreg:s6], $0x2FFFF;
	_ =	strace $0x9FFFFFFF  }
0x39: {  	(tm) =	ssettm $0x7FFFFFFF  }
tec
execute0_lowered:
.L_overlay_start_1:
0x0: {  	(tag) =	ssettag $0x1  }
0x1: {  	s0 =	srdreg.scid  }
0x2: {  	s5 =	rddreg [dreg:$0x0];
	s1 =	stileid.u32;
	s4 =	simm.s32 $0x1  }
0x3: {  	s6 =	simm.s32 $0x2;
	s15 =	simm.s32 $0x0;
	p0 =	por $0x0, $0x0  }
0x4: {  	s8 =	simm.s32 $0x80;
	s14 =	simm.s32 $0x0;
	s2 =	sshll.u32 s0, $0x4  }
0x5: {  	s9 =	simm.s32 $0x0;
	s10 =	simm.s32 $0x0;
	s2 =	sand.u32 $0x10, s2  }
.Ltmp0:
0x6: {  	s12 =	simm.s32 $0x0;
	s3 =	sor.u32 s1, s2;
	(pc) =	sbr.rel .LBB1_1-.Ltmp0, $4  }
0x7: {  	s0 =	rddreg [dreg:$0x1];
	_ =	strace $0x80000047;
	s3 =	sshll.u32 s3, $0x7  }
0x8: {  	s13 =	simm.s32 $0x0;
	[sflag:s4] =	ssyncpa.u1 $0x0;
	s7 =	ssub.s32 $0xF4200, s3  }
0x9: {  	s2 =	sadd.s32 $0x3D2800, s5;
	[sflag:s6] =	ssyncpa.u1 $0x0;
	s6 =	sshrl.u32 s7, $0xC  }
0xa: {  	s5 =	sadd.s32 $0x7A3200, s5;
	s11 =	smov.u32 s3;
	s7 =	sadd.s32 $0x2, s6  }
.LBB1_5:
0xb: {  	p1 =	slt.u32 s13, $0x2  }
0xc: {  	s17 =	smov.u32 s15;
	p2 =	sgt.s32 @!p1 s15, $0xF41C0;
	s16 =	sshra.s32 @!p1 s15, $0x1F  }
0xd: {  	p3 =	sgt.s32 @!p1 s14, $0x60;
	s18 =	sshra.s32 @!p1 s14, $0x1F;
	p2 =	por !p2, p1  }
0xe: {  	s15 =	sand.u32 @!p1 s16, s15;
	p3 =	por !p3, p1;
	s16 =	smov.u32 s14  }
0xf: {  	s14 =	sand.u32 @!p1 s18, s14;
	s17 =	simm.s32 @p2 $0xF41C0;
	s16 =	simm.s32 @p3 $0x60  }
0x10: {  	s15 =	ssub.s32 @!p1 s17, s15;
	s14 =	ssub.s32 @!p1 s16, s14  }
0x11: {  	s18 =	smov.u32 s12;
	s16 =	sadd.s32 @!p1 $0xFFF0BE40, s15;
	s17 =	sadd.s32 @!p1 $0xFFFFFFA0, s14  }
0x12: {  	s15 =	ssub.s32 @!p1 $0xF4240, s15;
	p2 =	sgt.s32 @!p1 s16, $0x7F;
	p3 =	sgt.s32 @!p1 s17, $0x1F  }
0x13: {  	s14 =	ssub.s32 @!p1 $0x80, s14;
	p2 =	por !p2, p1;
	p3 =	por !p3, p1  }
0x14: {  	s16 =	sadd.s32 $0x1000, s11;
	s15 =	simm.s32 @!p2 $0x0;
	s14 =	simm.s32 @!p3 $0x0  }
0x15: {  	p2 =	sgt.s32 s16, $0xF423F;
	s14 =	smul.u32 @!p1 s14, s15;
	s15 =	sadd.s32 $0x20, s12  }
0x16: {  	s18 =	smov.u32 @p2 s15  }
0x17: {  	s16 =	smov.u32 @p2 s3;
	p2 =	sgt.s32 s18, $0x1F  }
0x18: {  	s18 =	simm.s32 @p2 $0x0;
	p2 =	sne.s32 s13, s7  }
.Ltmp1:
0x19: {  	p0 =	por !p0, !p0;
	s17 =	simm.s32 @!p1 $0x2;
	(pc) =	sbr.rel @!p2 .LBB1_6-.Ltmp1, $4  }
0x1a: {  	s15 =	smov.u32 s9;
	s9 =	smov.u32 s11;
	s14 =	sand.u32 @!p1 $0x3FFFFFFF, s14  }
0x1b: {  	s11 =	smov.u32 s16;
	_ =	swait.ge @!p1 [sflag:s17], s14;
	s19 =	ssub.s32 @!p1 $0x0, s14  }
0x1c: {  	s14 =	smov.u32 s10;
	s13 =	sadd.s32 $0x1, s13;
	[sflag:s17] =	ssyncset.done @!p1 $0x0  }
0x1d: {  	s10 =	smov.u32 s12;
	s12 =	smov.u32 s18;
	[sflag:s17] =	ssyncadd.s32 @!p1 s19  }
.LBB1_1:
0x1e: {  	p1 =	sgt.u32 s13, s6  }
0x1f: {  	s16 =	sshrl.u32 @!p1 s12, $0x3  }
0x20: {  	s17 =	sshll.u32 @!p1 s11, $0x3;
	s16 =	smul.u32 @!p1 $0x7A1400, s16  }
0x21: {  	s18 =	sshll.u32 @!p1 s12, $0x7;
	s17 =	sand.u32 @!p1 $0xFFFFFC00, s17  }
0x22: {  	s16 =	sadd.s32 @!p1 s16, s17;
	s17 =	sand.u32 @!p1 $0x380, s18  }
0x23: {  	s18 =	sand.u32 @!p1 $0x7F, s11;
	s16 =	sor.u32 @!p1 s17, s16  }
0x24: {  	s17 =	sor.u32 @!p1 s18, s16  }
0x25: {  	s18 =	smulhi.u32 @!p1 $0x218D6287, s17;
	_ =	sdelay $0x1  }
0x26: {  	s16 =	smulhi.u32 @!p1 $0x218D6287, s16;
	s18 =	sshrl.u32 @!p1 s18, $0x11  }
0x27: {  	s18 =	smul.u32 @!p1 $0xF4280, s18  }
0x28: {  	s19 =	sxor.u32 @!p1 $0xFFFFFFFF, s13;
	s16 =	sshrl.u32 @!p1 s16, $0x11  }
0x29: {  	s19 =	sshll.u32 @!p1 s19, $0xC;
	s16 =	sand.u32 @!p1 $0x1F, s16;
	s17 =	ssub.s32 @!p1 s17, s18  }
0x2a: {  	s16 =	smul.u32 @!p1 $0x1E850, s16;
	s18 =	sshrl.u32 @!p1 s17, $0x3;
	s17 =	sand.u32 @!p1 $0x7, s17  }
0x2b: {  	s19 =	sand.u32 @!p1 $0x1000, s19;
	s18 =	sadd.s32 @!p1 s2, s18;
	s17 =	sshll.u32 @!p1 s17, $0x12  }
0x2c: {  	s16 =	sadd.s32 @!p1 s16, s18;
	s17 =	sor.u32 @!p1 $0x400, s17;
	s18 =	simm.s32 @!p1 $0x7A1400  }
0x2d: {  	[tilespmem:s19], [sflag:$0x1] =	stream.strided.gather @!p1 [hbm4b:s16+s17], $0x1000, s18, s17, $0x38;
	[tilespmem:$0x4100] =	vst v63  }
0x2e: {  	p1 =	seq.s32 s13, $0x0  }
0x2f: {  	p2 =	sge.u32 @!p1 s13, s7  }
0x30: {  	p1 =	por p1, p2  }
.Ltmp2:
0x31: {  	_ = 	snop;
	(pc) =	sbr.rel @p1 .LBB1_5-.Ltmp2, $1  }
0x32: {  	_ =	sdelay $0x3  }
0x33: {  	s16 =	simm.s32 $0x1  }
0x34: {  	_ =	swait.ge [sflag:s4], $0x1000;
	s16 =	simm.s32 @!p0 $0x0  }
0x35: {  	[sflag:s4] =	ssyncset.done $0x0;
	s17 =	sshll.u32 s16, $0xC  }
0x36: {  	[sflag:s4] =	ssyncadd.s32 $0xFFFFF000;
	s17 =	sor.u32 $0x40, s17  }
0x37: {  	s16 =	smul.u32 $0x4200, s16;
	v0 =	vld [tilespmem:s17+$0x30]  }
0x38: {  	v1 =	vld [tilespmem:s17+$0xFFFFFFD0]  }
0x39: {  	s16 =	sshrl.u32 s16, $0x2;
	v5 =	vld [tilespmem:s17+$0xFFFFFFE0]  }
0x3a: {  	v6 =	vld [tilespmem:s17+$0xFFFFFFF0];
	s19 =	sor.u32 $0x2000, s16  }
0x3b: {  	s31 =	sand.u32 $0x1, s13;
	v4 =	vld [tilespmem:s17+$0x0];
	s18 =	sadd.s32 $0x0, s19  }
0x3c: {  	v3 =	vld [tilespmem:s17+$0x10];
	s16 =	smul.u32 $0x4200, s31;
	[tilespmem:s18+$0xE70 ss:$0x21] =	vst.msk $0xffff, v0  }
0x3d: {  	v2 =	vld [tilespmem:s17+$0x20];
	[tilespmem:s18+$0x210 ss:$0x21] =	vst.msk $0xffff, v1  }
0x3e: {  	s16 =	sshrl.u32 s16, $0x2;
	v1 =	vld [tilespmem:s17+$0xFFFFFFC0];
	[tilespmem:s18+$0x420 ss:$0x21] =	vst.msk $0xffff, v5;
	s17 =	sadd.s32 $0x80, s17  }
0x3f: {  	s20 =	simm.s32 $0x4;
	s21 =	simm.s32 $0x8;
	s16 =	sor.u32 $0x2000, s16;
	[tilespmem:s18+$0x630 ss:$0x21] =	vst.msk $0xffff, v6;
	v0 =	vld [tilespmem:s17+$0x30]  }
.LBB1_3:
0x40: {  	p1 =	sne.s32 s21, $0x7C;
	v5 =	vld [tilespmem:s17+$0xFFFFFFD0];
	[tilespmem:s18+$0x840 ss:$0x21] =	vst.msk $0xffff, v4  }
0x41: {  	v6 =	vld [tilespmem:s17+$0xFFFFFFE0];
	[tilespmem:s18+$0xA50 ss:$0x21] =	vst.msk $0xffff, v3  }
0x42: {  	s22 =	sshra.s32 s20, $0x2;
	s20 =	smov.u32 s21;
	v7 =	vld [tilespmem:s17+$0xFFFFFFF0];
	[tilespmem:s18+$0xC60 ss:$0x21] =	vst.msk $0xffff, v2  }
.Ltmp3:
0x43: {  	v4 =	vld [tilespmem:s17+$0x0];
	[tilespmem:s18+$0x0 ss:$0x21] =	vst.msk $0xffff, v1;
	s18 =	sadd.s32 s22, s19;
	(pc) =	sbr.rel @p1 .LBB1_3-.Ltmp3, $4  }
0x44: {  	v3 =	vld [tilespmem:s17+$0x10];
	[tilespmem:s18+$0xE70 ss:$0x21] =	vst.msk $0xffff, v0  }
0x45: {  	[tilespmem:s18+$0x210 ss:$0x21] =	vst.msk $0xffff, v5;
	v2 =	vld [tilespmem:s17+$0x20]  }
0x46: {  	v1 =	vld [tilespmem:s17+$0xFFFFFFC0];
	[tilespmem:s18+$0x420 ss:$0x21] =	vst.msk $0xffff, v6;
	s17 =	sadd.s32 $0x80, s17  }
0x47: {  	s21 =	sadd.s32 $0x4, s21;
	v0 =	vld [tilespmem:s17+$0x30];
	[tilespmem:s18+$0x630 ss:$0x21] =	vst.msk $0xffff, v7  }
0x48: {  	s21 =	sshll.u32 s9, $0x7;
	s22 =	sshll.u32 s10, $0x3;
	s20 =	sshra.s32 s20, $0x2  }
0x49: {  	p1 =	sgt.s32 s9, $0xF41C0;
	s30 =	sshra.s32 s9, $0x1F;
	s25 =	sshra.s32 s10, $0x1F  }
0x4a: {  	v5 =	vld [tilespmem:s17+$0xFFFFFFD0];
	s28 =	sshrl.u32 s10, $0x3;
	s23 =	sand.u32 $0xFFFFFC00, s21;
	s22 =	sand.u32 $0xFFFFFC00, s22  }
0x4b: {  	[tilespmem:s18+$0x840 ss:$0x21] =	vst.msk $0xffff, v4;
	v58 =	vld [tilespmem:s17+$0xFFFFFFE0];
	s21 =	sand.u32 $0x380, s21;
	s19 =	sadd.s32 s20, s19;
	s22 =	sadd.s32 s22, s23  }
0x4c: {  	v59 =	vld [tilespmem:s17+$0xFFFFFFF0];
	[tilespmem:s18+$0xA50 ss:$0x21] =	vst.msk $0xffff, v3;
	s29 =	sor.u32 s21, s22;
	s21 =	smov.u32 s9;
	s22 =	sand.u32 s30, s9  }
0x4d: {  	v60 =	vld [tilespmem:s17+$0x0];
	[tilespmem:s18+$0xC60 ss:$0x21] =	vst.msk $0xffff, v2;
	s30 =	sand.u32 $0x7, s10;
	s20 =	sshrl.u32 s29, $0x7;
	s21 =	simm.s32 @!p1 $0xF41C0  }
0x4e: {  	v61 =	vld [tilespmem:s17+$0x10];
	[tilespmem:s18+$0x0 ss:$0x21] =	vst.msk $0xffff, v1;
	p1 =	sgt.s32 s10, $0x60;
	s24 =	ssub.s32 s21, s22;
	s21 =	smov.u32 s10  }
0x4f: {  	v62 =	vld [tilespmem:s17+$0x20];
	[tilespmem:s19+$0xE70 ss:$0x21] =	vst.msk $0xffff, v0;
	s31 =	smulhi.u32 $0x218DEF5, s20;
	s22 =	sand.u32 s25, s10;
	s21 =	simm.s32 @!p1 $0x60  }
0x50: {  	v63 =	vld [tilespmem:s17+$0xFFFFFFC0];
	[tilespmem:s19+$0x210 ss:$0x21] =	vst.msk $0xffff, v5;
	s26 =	sadd.s32 $0xFFF0BE40, s24;
	s17 =	ssub.s32 $0xF4240, s24;
	s21 =	ssub.s32 s21, s22  }
0x51: {  	[tilespmem:s19+$0x420 ss:$0x21] =	vst.msk $0xffff, v58;
	s23 =	sshrl.u32 s31, $0xD;
	p1 =	sgt.s32 s26, $0x7F;
	s27 =	sadd.s32 $0xFFFFFFA0, s21  }
0x52: {  	[tilespmem:s19+$0x630 ss:$0x21] =	vst.msk $0xffff, v59;
	s23 =	smul.u32 $0xF4240, s23;
	s18 =	ssub.s32 $0x80, s21;
	p2 =	sgt.s32 s27, $0x1F  }
.Ltmp4:
0x53: {  	[tilespmem:s19+$0x840 ss:$0x21] =	vst.msk $0xffff, v60;
	s17 =	simm.s32 @p1 $0x0;
	s18 =	simm.s32 @p2 $0x0;
	(pc) =	sbr.rel .LBB1_5-.Ltmp4, $4  }
0x54: {  	s29 =	sand.u32 $0xF, s28;
	[tilespmem:s19+$0xA50 ss:$0x21] =	vst.msk $0xffff, v61;
	s20 =	ssub.s32 s20, s23;
	s17 =	smul.u32 s18, s17  }
0x55: {  	[tilespmem:s19+$0xC60 ss:$0x21] =	vst.msk $0xffff, v62;
	s21 =	sshll.u32 s30, $0x12;
	s20 =	sshll.u32 s20, $0x4;
	s18 =	sadd.s32 s5, s29  }
0x56: {  	[tilespmem:s19+$0x0 ss:$0x21] =	vst.msk $0xffff, v63;
	s31 =	sor.u32 $0x20, s21;
	s18 =	sadd.s32 s20, s18;
	s17 =	sand.u32 $0x3FFFFFFF, s17  }
0x57: {  	[hbm4b:s18+s31] =	stream.strided.scatter [tilespmem:s16], [sflag:$0x2], s17, s8, s31, $0x10;
	[tilespmem:$0x4100] =	vst v63  }
.LBB1_6:
0x58: {  	_ =	sfence.sel $0x180000  }
0x59: {  	s2 =	simm.s32 $0x1;
	[bflag:$0x0] =	sbarrier.arrive $0xFFFF  }
0x5a: {  	s31 =	simm.s32 $0x2;
	[sflag:s2] =	ssyncpa.u1 $0x1  }
0x5b: {  	[sflag:s31] =	ssyncpa.u1 $0x1  }
0x5c: {  	p0 =	sne.s32 s1, $0x0;
	_ =	strace $0x90000047  }
0x5d: {  	s0 =	sadd.s32 @!p0 $0x100000, s0;
	[bflag:$0x2] =	sbarrier.arrive $0xFFFF  }
0x5e: {  	[sflag:s0] =	ssyncadd.tile.s32 @!p0 $0x1;
	_ =	shalt  }
.Lfunc_end1:
_tile_overlayer_lowered:
.L_overlay_start_2:
0x5f: {  	(tag) =	ssettag $0x2  }
0x60: {  	s0 =	rddreg [dreg:$0x0];
	s2 =	stileid.u32  }
0x61: {  	s1 =	rddreg [dreg:$0x1];
	p0 =	sne.s32 s2, $0x0  }
0x62: {  	s3 =	rddreg [dreg:$0x2];
	[bflag:$0x3] =	sbarrier.arrive $0xFFFF;
	s2 =	simm.s32 @!p0 $0x1C01  }
0x63: {  	[timem:s3], [sflag:s2] =	dma.local @!p0 [hbm:s0], s1  }
0x64: {  	s0 =	simm.s32 @!p0 $0x1  }
0x65: {  	_ =	swait.ge @!p0 [sflag:s0], s1  }
0x66: {  	s1 =	ssub.s32 @!p0 $0x0, s1;
	[sflag:s0] =	ssyncset.done @!p0 $0x0  }
0x67: {  	[sflag:s0] =	ssyncadd.s32 @!p0 s1  }
0x68: {  	[bflag:$0x3] =	sbarrier.arrive $0xFFFF  }
0x69: {  	_ =	shalt  }

// kernel: sparse-core-data-format-call.cloned.1.call-start
scs
called_computation_lowered:
.L_overlay_start_0:
0x0: {  	s2 =	sld [smem:$0x3FD9]  }
0x1: {  	s3 =	sld [smem:$0x3FFE];
	_ =	sdelay $0x1  }
0x2: {  	s1 =	srdreg.scid  }
0x3: {  	s0 =	sand.u32 $0x1, s1  }
0x4: {  	s18 =	sshll.u32 s0, $0xA;
	s2 =	sadd.s32 s3, s2  }
0x5: {  	s2 =	sadd.s32 s2, s18  }
0x6: {  	[smem:$0x3FC3] =	sst s2  }
0x7: {  	_ = 	snop  }
0x8: {  	s2 =	sld [smem:$0x3FD0];
	(tm) =	ssettm $0x1  }
0x9: {  	s19 =	sld [smem:$0x3FFB];
	_ =	sdelay $0x3  }
0xa: {  	_ =	strace s19  }
0xb: {  	s3 =	sld [smem:$0x3FFC];
	_ =	sdelay $0x3  }
0xc: {  	_ =	strace s3  }
0xd: {  	s3 =	sld [smem:$0x3FFD];
	_ =	sdelay $0x3  }
0xe: {  	_ =	strace s3  }
0xf: {  	_ =	strace $0x8FFFFFFF  }
0x10: {  	s20 =	sld [smem:$0x3FDB];
	_ =	sdelay $0x1  }
0x11: {  	s4 =	simm.s32 $_scs_section_size  }
0x12: {  	s5 =	simm.s32 $_size__tile_overlayer_lowered;
	s6 =	simm.s32 $_tile_overlayer_lowered  }
0x13: {  	s23 =	simm.s32 $0x1BFF;
	s22 =	sshll.u32 s6, $0x1;
	s3 =	sadd.s32 s4, s20  }
0x14: {  	s7 =	simm.s32 $0x0;
	s21 =	sshll.u32 s5, $0x1;
	s5 =	sadd.s32 s22, s3  }
0x15: {  	[timem:s7], [sflag:s23] =	dma.local [hbm:s5], s21  }
0x16: {  	_ =	swait.ge [sflag:s23], s21  }
0x17: {  	s4 =	ssub.s32 $0x0, s21;
	[sflag:s23] =	ssyncset.done $0x0  }
0x18: {  	[sflag:s23] =	ssyncadd.s32 s4;
	_ =	sdelay $0x1  }
0x19: {  	s24 =	simm.s32 $0x1B8B  }
0x1a: {  	_ =	swait.ge [sflag:s24], $0x1  }
0x1b: {  	[sflag:s24] =	ssyncset.done $0x0  }
0x1c: {  	s26 =	simm.s32 $0x1B8E;
	s25 =	sld [smem:$0x3FFE];
	[sflag:s24] =	ssyncadd.s32 $0xFFFFFFFF  }
0x1d: {  	s27 =	simm.s32 $execute0_lowered;
	[smem:$0x3FD2] =	sst s26  }
0x1e: {  	s5 =	sshll.u32 s27, $0x1;
	_ =	strace $0x80000052;
	[dreg:$0x1] =	wrdreg $0xFFFFFFFF  }
0x1f: {  	s28 =	simm.s32 $_size_execute0_lowered;
	s3 =	sadd.s32 s3, s5;
	[dreg:$0x0] =	wrdreg $0x0  }
0x20: {  	s5 =	sshll.u32 s28, $0x1;
	[dreg:$0x2] =	wrdreg s3  }
0x21: {  	[dreg:$0x3] =	wrdreg s5  }
0x22: {  	[dreg:$0x4] =	wrdreg $0xC0  }
0x23: {  	_ =	task [dreg:s7], $0x5FFFF  }
0x24: {  	[dreg:$0x1] =	wrdreg $0xFFFFFFFF  }
0x25: {  	[dreg:$0x0] =	wrdreg $0x60  }
0x26: {  	[dreg:$0x2] =	wrdreg s25  }
0x27: {  	[dreg:$0x3] =	wrdreg s2  }
0x28: {  	[dreg:$0x4] =	wrdreg $0x9  }
0x29: {  	_ =	task.clear_ibuf [dreg:s7], $0x5FFFF;
	_ =	strace $0x90000052  }
0x2a: {  	s29 =	simm.s32 $0x9;
	_ =	strace $0x80000054  }
0x2b: {  	_ =	swait.ge [sflag:s29], $0x1  }
0x2c: {  	[sflag:s29] =	ssyncadd.s32 $0xFFFFFFFF  }
0x2d: {  	_ =	strace $0x90000054  }
0x2e: {  	_ =	sfence  }
0x2f: {  	s30 =	sld [smem:$0x0];
	_ =	sdelay $0x2  }
0x30: {  	s31 =	sshll.u32 s1, $0xD;
	s1 =	sshrl.u32 s1, $0x2  }
0x31: {  	s3 =	sand.u32 $0x4000, s31;
	s1 =	sadd.s32 s1, s30  }
0x32: {  	s0 =	sor.u32 s3, s0;
	s1 =	sshll.u32 s1, $0x11  }
0x33: {  	s0 =	sor.u32 s1, s0  }
0x34: {  	s0 =	sadd.s32 $0x8F2B, s0  }
0x35: {  	[sflag:s0] =	ssyncadd.remote.s32 $0x1  }
0x36: {  	_ =	sfence.sel $0xFFFF  }
0x37: {  	[dreg:$0x0] =	wrdreg $0xFFFFFFFF;
	(pc) =	sbr.abs _section_cstart, $3  }
0x38: {  	[dreg:$0x1] =	wrdreg $0xFFFFFFFF  }
0x39: {  	_ =	task.clear_ibuf [dreg:s7], $0x2FFFF;
	_ =	strace $0x9FFFFFFF  }
0x3a: {  	(tm) =	ssettm $0x7FFFFFFF  }
0x3b: {  	_ =	shalt  }
tec
execute0_lowered:
.L_overlay_start_1:
0x0: {  	(tag) =	ssettag $0x1  }
0x1: {  	s0 =	srdreg.scid  }
0x2: {  	s1 =	sshll.u32 s0, $0x4  }
0x3: {  	s6 =	rddreg [dreg:$0x0];
	s0 =	stileid.u32;
	s1 =	sand.u32 $0x10, s1  }
0x4: {  	s3 =	rddreg [dreg:$0x1];
	s5 =	simm.s32 $0x1;
	s1 =	sor.u32 s0, s1  }
0x5: {  	s31 =	simm.s32 $0x2;
	s12 =	simm.s32 $0x0;
	s2 =	sshll.u32 s1, $0x7  }
0x6: {  	s8 =	simm.s32 $0x8000;
	s13 =	simm.s32 $0x0;
	s4 =	ssub.s32 $0x1000, s2  }
0x7: {  	s9 =	simm.s32 $0x0;
	s11 =	simm.s32 $0x0;
	s30 =	sand.u32 $0xF80, s4  }
.Ltmp0:
0x8: {  	s6 =	sadd.s32 $0x1E00, s6;
	p0 =	sne.s32 s30, $0x0;
	(pc) =	sbr.rel .LBB1_1-.Ltmp0, $4  }
0x9: {  	s1 =	rddreg [dreg:$0x2];
	s7 =	sshrl.u32 s4, $0xC;
	s5 =	simm.s32 @!p0 $0x0  }
0xa: {  	_ =	strace $0x80000053;
	s4 =	simm.s32 $0x1;
	s5 =	sadd.s32 s5, s7  }
0xb: {  	s10 =	smov.u32 s2;
	[sflag:s4] =	ssyncpa.u1 $0x0;
	s5 =	sshll.u32 s5, $0x6  }
0xc: {  	[sflag:s31] =	ssyncpa.u1 $0x0;
	p0 =	por $0x0, $0x0;
	s7 =	sor.u32 $0x1, s5  }
.LBB1_4:
0xd: {  	s16 =	sshll.u32 s13, $0x3;
	s17 =	sand.u32 $0x78, s13  }
0xe: {  	s30 =	sand.u32 $0x7E00, s13;
	s12 =	sshll.u32 s12, $0xF;
	s16 =	sand.u32 $0xC00, s16  }
0xf: {  	[tilespmem:s15+$0x810 ss:$0x81] =	vst.msk $0xffff, v2;
	s31 =	sand.u32 $0x7, s13;
	s16 =	sor.u32 s17, s16;
	s17 =	sadd.s32 s3, s30  }
0x10: {  	[tilespmem:s15+$0x1020 ss:$0x81] =	vst.msk $0xffff, v0;
	s13 =	sshll.u32 s31, $0x12;
	s12 =	sadd.s32 s12, s17;
	s16 =	sshrl.u32 s16, $0x3  }
0x11: {  	[tilespmem:s15+$0x0 ss:$0x81] =	vst.msk $0xffff, v1;
	s13 =	sor.u32 $0x400, s13;
	s12 =	sadd.s32 s16, s12  }
0x12: {  	[hbm4b:s12+s13] =	stream.strided.scatter [tilespmem:s14], [sflag:$0x2], $0x2000, s8, s13, $0x20;
	[tilespmem:$0x8080] =	vst v63  }
.LBB1_5:
0x13: {  	s14 =	sadd.s32 $0x1, s9  }
0x14: {  	s12 =	sadd.s32 $0x1000, s10;
	s16 =	smov.u32 s10;
	p2 =	sgt.s32 s14, $0x3F  }
0x15: {  	s16 =	smov.u32 @p2 s12  }
0x16: {  	s14 =	simm.s32 @p2 $0x0;
	p2 =	sgt.s32 s16, $0xFFF  }
0x17: {  	s16 =	smov.u32 @p2 s2;
	p2 =	sne.s32 s11, s7  }
.Ltmp1:
0x18: {  	p1 =	slt.u32 s11, $0x2;
	(pc) =	sbr.rel @!p2 .LBB1_6-.Ltmp1, $4  }
0x19: {  	s15 =	simm.s32 @!p1 $0x2  }
0x1a: {  	s13 =	smov.u32 s10;
	p0 =	por !p0, !p0;
	_ =	swait.ge @!p1 [sflag:s15], $0x2000  }
0x1b: {  	s12 =	smov.u32 s9;
	[sflag:s15] =	ssyncset.done @!p1 $0x0;
	s9 =	smov.u32 s14  }
0x1c: {  	s11 =	sadd.s32 $0x1, s11;
	[sflag:s15] =	ssyncadd.s32 @!p1 $0xFFFFE000;
	s10 =	smov.u32 s16  }
.LBB1_1:
0x1d: {  	p1 =	sge.u32 s11, s5  }
0x1e: {  	s31 =	sadd.s32 $0xFFFFFFFF, s11;
	s14 =	sxor.u32 @!p1 $0xFFFFFFFF, s11  }
0x1f: {  	s15 =	sshll.u32 @!p1 s10, $0xA;
	s16 =	sshll.u32 @!p1 s9, $0x4;
	s17 =	simm.s32 @!p1 $0x2000  }
0x20: {  	s14 =	sshll.u32 @!p1 s14, $0xD;
	s16 =	sand.u32 @!p1 $0x3F0, s16;
	s15 =	sadd.s32 @!p1 s6, s15  }
0x21: {  	s14 =	sand.u32 @!p1 $0x2000, s14;
	s15 =	sadd.s32 @!p1 s16, s15;
	s16 =	simm.s32 @!p1 $0x40  }
0x22: {  	[tilespmem:s14], [sflag:$0x1] =	stream.strided.gather @!p1 [hbm4b:s15+s16], $0x2000, s17, s16, $0x38;
	[tilespmem:$0x8080] =	vst v63  }
0x23: {  	p1 =	sge.u32 s31, s5  }
.Ltmp2:
0x24: {  	_ = 	snop;
	(pc) =	sbr.rel @p1 .LBB1_5-.Ltmp2, $1  }
0x25: {  	_ =	sdelay $0x3  }
0x26: {  	s14 =	simm.s32 $0x1  }
0x27: {  	_ =	swait.ge [sflag:s4], $0x2000;
	s14 =	simm.s32 @!p0 $0x0  }
0x28: {  	[sflag:s4] =	ssyncset.done $0x0;
	s15 =	sshll.u32 s14, $0xD  }
0x29: {  	[sflag:s4] =	ssyncadd.s32 $0xFFFFE000;
	s18 =	sor.u32 $0x20, s15  }
0x2a: {  	s14 =	smul.u32 $0x8100, s14;
	v3 =	vld [tilespmem:s18+$0x10]  }
0x2b: {  	s30 =	sand.u32 $0x1, s11;
	v2 =	vld [tilespmem:s18+$0xFFFFFFF0]  }
0x2c: {  	s15 =	smul.u32 $0x8100, s30;
	s14 =	sshrl.u32 s14, $0x2;
	v0 =	vld [tilespmem:s18+$0x0]  }
0x2d: {  	v1 =	vld [tilespmem:s18+$0xFFFFFFE0];
	s16 =	sor.u32 $0x4000, s14  }
0x2e: {  	s31 =	sshrl.u32 s15, $0x2;
	s15 =	sadd.s32 $0x0, s16  }
0x2f: {  	s17 =	simm.s32 $0x4;
	s18 =	sadd.s32 $0x40, s18;
	s14 =	sor.u32 $0x4000, s31;
	[tilespmem:s15+$0x1830 ss:$0x81] =	vst.msk $0xffff, v3  }
.LBB1_3:
0x30: {  	v3 =	vld [tilespmem:s18+$0x10];
	p1 =	sne.s32 s17, $0x1FC;
	[tilespmem:s15+$0x810 ss:$0x81] =	vst.msk $0xffff, v2;
	s19 =	smov.u32 s17;
	s17 =	sadd.s32 $0x4, s17  }
.Ltmp3:
0x31: {  	v2 =	vld [tilespmem:s18+$0xFFFFFFF0];
	[tilespmem:s15+$0x1020 ss:$0x81] =	vst.msk $0xffff, v0;
	(pc) =	sbr.rel @p1 .LBB1_3-.Ltmp3, $4  }
0x32: {  	v0 =	vld [tilespmem:s18+$0x0];
	[tilespmem:s15+$0x0 ss:$0x81] =	vst.msk $0xffff, v1  }
0x33: {  	s15 =	sshra.s32 s19, $0x2;
	v1 =	vld [tilespmem:s18+$0xFFFFFFE0]  }
0x34: {  	s15 =	sadd.s32 s15, s16  }
0x35: {  	s18 =	sadd.s32 $0x40, s18;
	[tilespmem:s15+$0x1830 ss:$0x81] =	vst.msk $0xffff, v3  }
.Ltmp4:
0x36: {  	_ = 	snop;
	(pc) =	sbr.rel .LBB1_4-.Ltmp4, $1  }
0x37: {  	_ =	sdelay $0x3  }
.LBB1_6:
0x38: {  	_ =	sfence.sel $0x180000  }
0x39: {  	s2 =	simm.s32 $0x1;
	[bflag:$0x0] =	sbarrier.arrive $0xFFFF  }
0x3a: {  	s31 =	simm.s32 $0x2;
	[sflag:s2] =	ssyncpa.u1 $0x1  }
0x3b: {  	[sflag:s31] =	ssyncpa.u1 $0x1  }
0x3c: {  	p0 =	sne.s32 s0, $0x0;
	_ =	strace $0x90000053  }
0x3d: {  	s0 =	sadd.s32 @!p0 $0x100000, s1;
	[bflag:$0x2] =	sbarrier.arrive $0xFFFF  }
0x3e: {  	[sflag:s0] =	ssyncadd.tile.s32 @!p0 $0x1;
	_ =	shalt  }
.Lfunc_end1:
_tile_overlayer_lowered:
.L_overlay_start_2:
0x3f: {  	(tag) =	ssettag $0x2  }
0x40: {  	s0 =	rddreg [dreg:$0x0];
	s2 =	stileid.u32  }
0x41: {  	s1 =	rddreg [dreg:$0x1];
	p0 =	sne.s32 s2, $0x0  }
0x42: {  	s3 =	rddreg [dreg:$0x2];
	[bflag:$0x3] =	sbarrier.arrive $0xFFFF;
	s2 =	simm.s32 @!p0 $0x1C01  }
0x43: {  	[timem:s3], [sflag:s2] =	dma.local @!p0 [hbm:s0], s1  }
0x44: {  	s0 =	simm.s32 @!p0 $0x1  }
0x45: {  	_ =	swait.ge @!p0 [sflag:s0], s1  }
0x46: {  	s1 =	ssub.s32 @!p0 $0x0, s1;
	[sflag:s0] =	ssyncset.done @!p0 $0x0  }
0x47: {  	[sflag:s0] =	ssyncadd.s32 @!p0 s1  }
0x48: {  	[bflag:$0x3] =	sbarrier.arrive $0xFFFF  }
0x49: {  	_ =	shalt  }

</sc_bundles>
